<compile_context>
chip_gen: v7x
topology: tpu7x:2x2x1
jax: 0.10.2.dev20260603
libtpu: 0.0.44.dev20260713+nightly
codegen_flags: <defaults>
</compile_context>

<pallas_src>
import functools

import jax
import jax.numpy as jnp
from jax import lax
from jax.experimental import pallas as pl
from jax.experimental.pallas import tpu as pltpu
from jax.experimental.pallas import tpu_sc as plsc

B, N, D = 64, 576, 768
HID, CD, CS = 512, 256, 512
TOK = B * N
BT = 512
NT = TOK // BT

NW = 32
CHUNK = 64
CPW = TOK // (NW * CHUNK)


def _enc_vq_body(x_ref, w1_ref, b1_ref, w2_ref, b2_ref, cb_ref,
                 idx_ref, commit_ref):
    i = pl.program_id(0)
    h = jnp.maximum(
        jnp.dot(x_ref[...], w1_ref[...], preferred_element_type=jnp.float32)
        + b1_ref[...], 0.0)
    z = jnp.dot(h, w2_ref[...], preferred_element_type=jnp.float32) + b2_ref[...]
    cb = cb_ref[...]
    s = lax.dot_general(z, cb, (((1,), (1,)), ((), ())),
                        preferred_element_type=jnp.float32)
    c2 = jnp.sum(cb * cb, axis=1)
    z2 = jnp.sum(z * z, axis=1, keepdims=True)
    dist = z2 - 2.0 * s + c2[None, :]
    minval = jnp.min(dist, axis=1, keepdims=True)
    ids = lax.broadcasted_iota(jnp.int32, dist.shape, 1)
    idx_ref[0, 0, :] = jnp.min(jnp.where(dist == minval, ids, CS), axis=1)
    part = jnp.sum(minval)
    prev = jnp.where(i == 0, 0.0, commit_ref[...][0, 0])
    tot = prev + part
    out = jnp.where(i == NT - 1, tot / float(TOK * CD), tot)
    commit_ref[...] = jnp.broadcast_to(out, (1, 1))


def _dec_cb_body(cb_ref, wd1_ref, bd1_ref, wd2_ref, bd2_ref, dcb_ref):
    hd = jnp.maximum(
        jnp.dot(cb_ref[...], wd1_ref[...], preferred_element_type=jnp.float32)
        + bd1_ref[...], 0.0)
    dcb_ref[...] = jnp.dot(hd, wd2_ref[...],
                           preferred_element_type=jnp.float32) + bd2_ref[...]


def _gather_body(dcb_hbm, idx_hbm, out_hbm, idx_v, rows0, rows1,
                 gsem0, gsem1, osem0, osem1):
    wid = lax.axis_index("s") * 2 + lax.axis_index("c")
    base = wid * CPW * CHUNK
    pltpu.sync_copy(idx_hbm.at[pl.ds(base, CPW * CHUNK)], idx_v)
    bufs = (rows0, rows1)
    gsems = (gsem0, gsem1)
    osems = (osem0, osem1)
    out_h = [None] * CPW
    gat_h = [None] * CPW
    gat_h[0] = pltpu.async_copy(
        dcb_hbm.at[idx_v.at[pl.ds(0, CHUNK)]], bufs[0], gsems[0])
    for j in range(CPW):
        b = j % 2
        if j + 1 < CPW:
            nb = (j + 1) % 2
            if j >= 1:
                out_h[j - 1].wait()
            gat_h[j + 1] = pltpu.async_copy(
                dcb_hbm.at[idx_v.at[pl.ds((j + 1) * CHUNK, CHUNK)]],
                bufs[nb], gsems[nb])
        gat_h[j].wait()
        out_h[j] = pltpu.async_copy(
            bufs[b], out_hbm.at[pl.ds(base + j * CHUNK, CHUNK)], osems[b])
    out_h[CPW - 2].wait()
    out_h[CPW - 1].wait()


def _enc_vq(x2, w1, b1, w2, b2, cb):
    return pl.pallas_call(
        _enc_vq_body,
        grid=(NT,),
        in_specs=[
            pl.BlockSpec((BT, D), lambda i: (i, 0)),
            pl.BlockSpec((D, HID), lambda i: (0, 0)),
            pl.BlockSpec((1, HID), lambda i: (0, 0)),
            pl.BlockSpec((HID, CD), lambda i: (0, 0)),
            pl.BlockSpec((1, CD), lambda i: (0, 0)),
            pl.BlockSpec((CS, CD), lambda i: (0, 0)),
        ],
        out_specs=[
            pl.BlockSpec((1, 1, BT), lambda i: (i, 0, 0)),
            pl.BlockSpec((1, 1), lambda i: (0, 0)),
        ],
        out_shape=[
            jax.ShapeDtypeStruct((NT, 1, BT), jnp.int32),
            jax.ShapeDtypeStruct((1, 1), jnp.float32),
        ],
    )(x2, w1, b1, w2, b2, cb)


def _dec_cb(cb, wd1, bd1, wd2, bd2):
    return pl.pallas_call(
        _dec_cb_body,
        out_shape=jax.ShapeDtypeStruct((CS, D), jnp.float32),
    )(cb, wd1, bd1, wd2, bd2)


@functools.cache
def _make_gather():
    return functools.partial(
        pl.kernel,
        mesh=plsc.VectorSubcoreMesh(core_axis_name="c", subcore_axis_name="s"),
        out_type=jax.ShapeDtypeStruct((TOK, D), jnp.float32),
        scratch_types=[
            pltpu.VMEM((CPW * CHUNK,), jnp.int32),
            pltpu.VMEM((CHUNK, D), jnp.float32),
            pltpu.VMEM((CHUNK, D), jnp.float32),
            pltpu.SemaphoreType.DMA,
            pltpu.SemaphoreType.DMA,
            pltpu.SemaphoreType.DMA,
            pltpu.SemaphoreType.DMA,
        ],
    )(_gather_body)


def kernel(x, W1, b1, W2, b2, codebook, Wd1, bd1, Wd2, bd2):
    x2 = x.reshape(TOK, D)
    idx_blk, commit = _enc_vq(x2, W1, b1.reshape(1, HID), W2,
                              b2.reshape(1, CD), codebook)
    dcb = _dec_cb(codebook, Wd1, bd1.reshape(1, HID), Wd2, bd2.reshape(1, D))
    idx_flat = idx_blk.reshape(TOK)
    recon = _make_gather()(dcb, idx_flat)
    return (recon.reshape(B, N, D), idx_flat.reshape(B, N),
            commit.reshape(()))

# --- scband reference (transcript-rebuilt; emitter-appended) ---
"""Pipeline reference for scband-decision-vqvae-1116691497623 (READ-ONLY COPY).

The authoritative reference and input builder live on the scoring server;
editing this copy changes nothing except your own understanding.
"""

import jax, jax.numpy as jnp
import numpy as np

B, N, D = 64, 576, 768
HID, CD, CS = 512, 256, 512

def setup_inputs(seed: int = 0) -> dict:
    key = jax.random.key(seed)
    ks = jax.random.split(key, 8)
    x = jax.random.normal(ks[0], (B, N, D), dtype=jnp.float32)
    W1 = jax.random.normal(ks[1], (D, HID), dtype=jnp.float32) * (1.0 / np.sqrt(D))
    b1 = jnp.zeros((HID,), dtype=jnp.float32)
    W2 = jax.random.normal(ks[2], (HID, CD), dtype=jnp.float32) * (1.0 / np.sqrt(HID))
    b2 = jnp.zeros((CD,), dtype=jnp.float32)
    codebook = jax.random.normal(ks[3], (CS, CD), dtype=jnp.float32)
    Wd1 = jax.random.normal(ks[4], (CD, HID), dtype=jnp.float32) * (1.0 / np.sqrt(CD))
    bd1 = jnp.zeros((HID,), dtype=jnp.float32)
    Wd2 = jax.random.normal(ks[5], (HID, D), dtype=jnp.float32) * (1.0 / np.sqrt(HID))
    bd2 = jnp.zeros((D,), dtype=jnp.float32)
    return {"x": x, "W1": W1, "b1": b1, "W2": W2, "b2": b2, "codebook": codebook,
            "Wd1": Wd1, "bd1": bd1, "Wd2": Wd2, "bd2": bd2}

def reference(x, W1, b1, W2, b2, codebook, Wd1, bd1, Wd2, bd2):
    # encoder
    h = jnp.maximum(jnp.dot(x, W1) + b1, 0.0)
    z = jnp.dot(h, W2) + b2  # [B, N, CD]
    # vector quantize: nearest codebook entry by L2 distance
    z2 = jnp.sum(z * z, axis=-1, keepdims=True)          # [B, N, 1]
    c2 = jnp.sum(codebook * codebook, axis=-1)           # [CS]
    dist = z2 - 2.0 * jnp.dot(z, codebook.T) + c2        # [B, N, CS]
    indices = jnp.argmin(dist, axis=-1)                  # [B, N]
    quantized = jnp.take(codebook, indices, axis=0)      # [B, N, CD]
    # commitment loss (commitment_weight=1.0); codebook side updated via EMA (decay=0.8), not gradient
    commit_loss = jnp.mean((z - jax.lax.stop_gradient(quantized)) ** 2) * 1.0
    # straight-through estimator
    q_st = z + jax.lax.stop_gradient(quantized - z)
    # decoder
    hd = jnp.maximum(jnp.dot(q_st, Wd1) + bd1, 0.0)
    recon = jnp.dot(hd, Wd2) + bd2
    return (recon, indices, commit_loss)

if __name__ == "__main__":
    import jax
    _d = setup_inputs()
    print(jax.jit(kernel)(*tuple(_d.values())))

</pallas_src>

<mosaic_0001>
#map = affine_map<(d0, d1) -> (0, 0)>
#map1 = affine_map<(d0, d1) -> (0)>
module attributes {stable_mosaic.version = 14 : i64} {
  func.func @_gather_body(%arg0: i32, %arg1: i32, %arg2: memref<512x768xf32, #tpu.memory_space<hbm>>, %arg3: memref<36864xi32, #tpu.memory_space<hbm>>, %arg4: memref<36864x768xf32, #tpu.memory_space<hbm>>, %arg5: memref<1152xi32, #tpu.memory_space<vmem>>, %arg6: memref<64x768xf32, #tpu.memory_space<vmem>>, %arg7: memref<64x768xf32, #tpu.memory_space<vmem>>, %arg8: memref<!tpu.dma_semaphore, #tpu.memory_space<semaphore_mem>>, %arg9: memref<!tpu.dma_semaphore, #tpu.memory_space<semaphore_mem>>, %arg10: memref<!tpu.dma_semaphore, #tpu.memory_space<semaphore_mem>>, %arg11: memref<!tpu.dma_semaphore, #tpu.memory_space<semaphore_mem>>) attributes {dimension_semantics = [#tpu.dimension_semantics<core_parallel>, #tpu.dimension_semantics<subcore_parallel>], iteration_bounds = array<i64: 2, 16>, scalar_prefetch = 0 : i64, scratch_operands = 7 : i64, tpu.core_type = #tpu.core_type<sc_vector_subcore>, window_params = [{transform_indices = #map}, {transform_indices = #map1}, {transform_indices = #map}]} {
    %mul3A = arith.constant 2 : i32
    %mul3A_0 = arith.muli %arg1, %mul3A : i32
    %add3A = arith.addi %mul3A_0, %arg0 : i32
    %mul3A_1 = arith.constant 18 : i32
    %mul3A_2 = arith.muli %add3A, %mul3A_1 : i32
    %mul3A_3 = arith.constant 64 : i32
    %mul3A_4 = arith.muli %mul3A_2, %mul3A_3 : i32
    "tpu.region"() ({
      %run_scoped3A = tpu.sem_alloc : memref<!tpu.dma_semaphore, #tpu.memory_space<semaphore_mem>>
      %dma_start3A_363 = tpu.memref_slice %arg3[%mul3A_4] : memref<36864xi32, #tpu.memory_space<hbm>> -> memref<1152xi32, #tpu.memory_space<hbm>>
      %dma_start3A_364 = tpu.memref_slice %arg3[%mul3A_4] : memref<36864xi32, #tpu.memory_space<hbm>> -> memref<1152xi32, #tpu.memory_space<hbm>>
      tpu.enqueue_dma source(%dma_start3A_364 : memref<1152xi32, #tpu.memory_space<hbm>>) target(%arg5 : memref<1152xi32, #tpu.memory_space<vmem>>) target_semaphore(%run_scoped3A : memref<!tpu.dma_semaphore, #tpu.memory_space<semaphore_mem>>)
      %dma_wait3A_365 = tpu.memref_slice %arg3[%mul3A_4] : memref<36864xi32, #tpu.memory_space<hbm>> -> memref<1152xi32, #tpu.memory_space<hbm>>
      %dma_wait3A_366 = tpu.memref_slice %arg3[%mul3A_4] : memref<36864xi32, #tpu.memory_space<hbm>> -> memref<1152xi32, #tpu.memory_space<hbm>>
      tpu.wait_dma2 semaphore(%run_scoped3A : memref<!tpu.dma_semaphore, #tpu.memory_space<semaphore_mem>>) src(%dma_wait3A_366 : memref<1152xi32, #tpu.memory_space<hbm>>) dst(%arg5 : memref<1152xi32, #tpu.memory_space<vmem>>)
      tpu.yield
    }) : () -> ()
    %dma_start3A = arith.constant 0 : i32
    %dma_start3A_5 = tpu.memref_slice %arg5[%dma_start3A] : memref<1152xi32, #tpu.memory_space<vmem>> -> memref<64xi32, #tpu.memory_space<vmem>>
    %dma_start3A_6 = arith.constant 0 : i32
    %dma_start3A_7 = arith.constant 0 : i32
    %dma_start3A_8 = tpu.memref_slice %arg2[%dma_start3A_6, %dma_start3A_7] : memref<512x768xf32, #tpu.memory_space<hbm>> -> memref<512x768xf32, #tpu.memory_space<hbm>>
    tpu.enqueue_indirect_dma source(%dma_start3A_8 : memref<512x768xf32, #tpu.memory_space<hbm>>) target(%arg6 : memref<64x768xf32, #tpu.memory_space<vmem>>) offsets(%dma_start3A_5 : memref<64xi32, #tpu.memory_space<vmem>>) semaphore(%arg8 : memref<!tpu.dma_semaphore, #tpu.memory_space<semaphore_mem>>)
    %dma_start3A_9 = arith.constant 64 : i32
    %dma_start3A_10 = tpu.memref_slice %arg5[%dma_start3A_9] : memref<1152xi32, #tpu.memory_space<vmem>> -> memref<64xi32, #tpu.memory_space<vmem>>
    %dma_start3A_11 = arith.constant 0 : i32
    %dma_start3A_12 = arith.constant 0 : i32
    %dma_start3A_13 = tpu.memref_slice %arg2[%dma_start3A_11, %dma_start3A_12] : memref<512x768xf32, #tpu.memory_space<hbm>> -> memref<512x768xf32, #tpu.memory_space<hbm>>
    tpu.enqueue_indirect_dma source(%dma_start3A_13 : memref<512x768xf32, #tpu.memory_space<hbm>>) target(%arg7 : memref<64x768xf32, #tpu.memory_space<vmem>>) offsets(%dma_start3A_10 : memref<64xi32, #tpu.memory_space<vmem>>) semaphore(%arg9 : memref<!tpu.dma_semaphore, #tpu.memory_space<semaphore_mem>>)
    %dma_wait3A = arith.constant 0 : i32
    %dma_wait3A_14 = tpu.memref_slice %arg5[%dma_wait3A] : memref<1152xi32, #tpu.memory_space<vmem>> -> memref<64xi32, #tpu.memory_space<vmem>>
    %dma_wait3A_15 = arith.constant 0 : i32
    %dma_wait3A_16 = arith.constant 0 : i32
    %dma_wait3A_17 = tpu.memref_slice %arg2[%dma_wait3A_15, %dma_wait3A_16] : memref<512x768xf32, #tpu.memory_space<hbm>> -> memref<512x768xf32, #tpu.memory_space<hbm>>
    tpu.wait_indirect_dma semaphore(%arg8 : memref<!tpu.dma_semaphore, #tpu.memory_space<semaphore_mem>>) src(%dma_wait3A_17 : memref<512x768xf32, #tpu.memory_space<hbm>>) dst(%arg6 : memref<64x768xf32, #tpu.memory_space<vmem>>)
    %add3A_18 = arith.constant 0 : i32
    %add3A_19 = arith.addi %mul3A_4, %add3A_18 : i32
    %dma_start3A_20 = arith.constant 0 : i32
    %dma_start3A_21 = tpu.memref_slice %arg4[%add3A_19, %dma_start3A_20] : memref<36864x768xf32, #tpu.memory_space<hbm>> -> memref<64x768xf32, #tpu.memory_space<hbm>>
    %dma_start3A_22 = arith.constant 0 : i32
    %dma_start3A_23 = tpu.memref_slice %arg4[%add3A_19, %dma_start3A_22] : memref<36864x768xf32, #tpu.memory_space<hbm>> -> memref<64x768xf32, #tpu.memory_space<hbm>>
    tpu.enqueue_dma source(%arg6 : memref<64x768xf32, #tpu.memory_space<vmem>>) target(%dma_start3A_23 : memref<64x768xf32, #tpu.memory_space<hbm>>) target_semaphore(%arg10 : memref<!tpu.dma_semaphore, #tpu.memory_space<semaphore_mem>>)
    %dma_wait3A_24 = arith.constant 0 : i32
    %dma_wait3A_25 = tpu.memref_slice %arg4[%add3A_19, %dma_wait3A_24] : memref<36864x768xf32, #tpu.memory_space<hbm>> -> memref<64x768xf32, #tpu.memory_space<hbm>>
    %dma_wait3A_26 = arith.constant 0 : i32
    %dma_wait3A_27 = tpu.memref_slice %arg4[%add3A_19, %dma_wait3A_26] : memref<36864x768xf32, #tpu.memory_space<hbm>> -> memref<64x768xf32, #tpu.memory_space<hbm>>
    tpu.wait_dma2 semaphore(%arg10 : memref<!tpu.dma_semaphore, #tpu.memory_space<semaphore_mem>>) src(%arg6 : memref<64x768xf32, #tpu.memory_space<vmem>>) dst(%dma_wait3A_27 : memref<64x768xf32, #tpu.memory_space<hbm>>)
    %dma_start3A_28 = arith.constant 128 : i32
    %dma_start3A_29 = tpu.memref_slice %arg5[%dma_start3A_28] : memref<1152xi32, #tpu.memory_space<vmem>> -> memref<64xi32, #tpu.memory_space<vmem>>
    %dma_start3A_30 = arith.constant 0 : i32
    %dma_start3A_31 = arith.constant 0 : i32
    %dma_start3A_32 = tpu.memref_slice %arg2[%dma_start3A_30, %dma_start3A_31] : memref<512x768xf32, #tpu.memory_space<hbm>> -> memref<512x768xf32, #tpu.memory_space<hbm>>
    tpu.enqueue_indirect_dma source(%dma_start3A_32 : memref<512x768xf32, #tpu.memory_space<hbm>>) target(%arg6 : memref<64x768xf32, #tpu.memory_space<vmem>>) offsets(%dma_start3A_29 : memref<64xi32, #tpu.memory_space<vmem>>) semaphore(%arg8 : memref<!tpu.dma_semaphore, #tpu.memory_space<semaphore_mem>>)
    %dma_wait3A_33 = arith.constant 64 : i32
    %dma_wait3A_34 = tpu.memref_slice %arg5[%dma_wait3A_33] : memref<1152xi32, #tpu.memory_space<vmem>> -> memref<64xi32, #tpu.memory_space<vmem>>
    %dma_wait3A_35 = arith.constant 0 : i32
    %dma_wait3A_36 = arith.constant 0 : i32
    %dma_wait3A_37 = tpu.memref_slice %arg2[%dma_wait3A_35, %dma_wait3A_36] : memref<512x768xf32, #tpu.memory_space<hbm>> -> memref<512x768xf32, #tpu.memory_space<hbm>>
    tpu.wait_indirect_dma semaphore(%arg9 : memref<!tpu.dma_semaphore, #tpu.memory_space<semaphore_mem>>) src(%dma_wait3A_37 : memref<512x768xf32, #tpu.memory_space<hbm>>) dst(%arg7 : memref<64x768xf32, #tpu.memory_space<vmem>>)
    %add3A_38 = arith.constant 64 : i32
    %add3A_39 = arith.addi %mul3A_4, %add3A_38 : i32
    %dma_start3A_40 = arith.constant 0 : i32
    %dma_start3A_41 = tpu.memref_slice %arg4[%add3A_39, %dma_start3A_40] : memref<36864x768xf32, #tpu.memory_space<hbm>> -> memref<64x768xf32, #tpu.memory_space<hbm>>
    %dma_start3A_42 = arith.constant 0 : i32
    %dma_start3A_43 = tpu.memref_slice %arg4[%add3A_39, %dma_start3A_42] : memref<36864x768xf32, #tpu.memory_space<hbm>> -> memref<64x768xf32, #tpu.memory_space<hbm>>
    tpu.enqueue_dma source(%arg7 : memref<64x768xf32, #tpu.memory_space<vmem>>) target(%dma_start3A_43 : memref<64x768xf32, #tpu.memory_space<hbm>>) target_semaphore(%arg11 : memref<!tpu.dma_semaphore, #tpu.memory_space<semaphore_mem>>)
    %dma_wait3A_44 = arith.constant 0 : i32
    %dma_wait3A_45 = tpu.memref_slice %arg4[%add3A_39, %dma_wait3A_44] : memref<36864x768xf32, #tpu.memory_space<hbm>> -> memref<64x768xf32, #tpu.memory_space<hbm>>
    %dma_wait3A_46 = arith.constant 0 : i32
    %dma_wait3A_47 = tpu.memref_slice %arg4[%add3A_39, %dma_wait3A_46] : memref<36864x768xf32, #tpu.memory_space<hbm>> -> memref<64x768xf32, #tpu.memory_space<hbm>>
    tpu.wait_dma2 semaphore(%arg11 : memref<!tpu.dma_semaphore, #tpu.memory_space<semaphore_mem>>) src(%arg7 : memref<64x768xf32, #tpu.memory_space<vmem>>) dst(%dma_wait3A_47 : memref<64x768xf32, #tpu.memory_space<hbm>>)
    %dma_start3A_48 = arith.constant 192 : i32
    %dma_start3A_49 = tpu.memref_slice %arg5[%dma_start3A_48] : memref<1152xi32, #tpu.memory_space<vmem>> -> memref<64xi32, #tpu.memory_space<vmem>>
    %dma_start3A_50 = arith.constant 0 : i32
    %dma_start3A_51 = arith.constant 0 : i32
    %dma_start3A_52 = tpu.memref_slice %arg2[%dma_start3A_50, %dma_start3A_51] : memref<512x768xf32, #tpu.memory_space<hbm>> -> memref<512x768xf32, #tpu.memory_space<hbm>>
    tpu.enqueue_indirect_dma source(%dma_start3A_52 : memref<512x768xf32, #tpu.memory_space<hbm>>) target(%arg7 : memref<64x768xf32, #tpu.memory_space<vmem>>) offsets(%dma_start3A_49 : memref<64xi32, #tpu.memory_space<vmem>>) semaphore(%arg9 : memref<!tpu.dma_semaphore, #tpu.memory_space<semaphore_mem>>)
    %dma_wait3A_53 = arith.constant 128 : i32
    %dma_wait3A_54 = tpu.memref_slice %arg5[%dma_wait3A_53] : memref<1152xi32, #tpu.memory_space<vmem>> -> memref<64xi32, #tpu.memory_space<vmem>>
    %dma_wait3A_55 = arith.constant 0 : i32
    %dma_wait3A_56 = arith.constant 0 : i32
    %dma_wait3A_57 = tpu.memref_slice %arg2[%dma_wait3A_55, %dma_wait3A_56] : memref<512x768xf32, #tpu.memory_space<hbm>> -> memref<512x768xf32, #tpu.memory_space<hbm>>
    tpu.wait_indirect_dma semaphore(%arg8 : memref<!tpu.dma_semaphore, #tpu.memory_space<semaphore_mem>>) src(%dma_wait3A_57 : memref<512x768xf32, #tpu.memory_space<hbm>>) dst(%arg6 : memref<64x768xf32, #tpu.memory_space<vmem>>)
    %add3A_58 = arith.constant 128 : i32
    %add3A_59 = arith.addi %mul3A_4, %add3A_58 : i32
    %dma_start3A_60 = arith.constant 0 : i32
    %dma_start3A_61 = tpu.memref_slice %arg4[%add3A_59, %dma_start3A_60] : memref<36864x768xf32, #tpu.memory_space<hbm>> -> memref<64x768xf32, #tpu.memory_space<hbm>>
    %dma_start3A_62 = arith.constant 0 : i32
    %dma_start3A_63 = tpu.memref_slice %arg4[%add3A_59, %dma_start3A_62] : memref<36864x768xf32, #tpu.memory_space<hbm>> -> memref<64x768xf32, #tpu.memory_space<hbm>>
    tpu.enqueue_dma source(%arg6 : memref<64x768xf32, #tpu.memory_space<vmem>>) target(%dma_start3A_63 : memref<64x768xf32, #tpu.memory_space<hbm>>) target_semaphore(%arg10 : memref<!tpu.dma_semaphore, #tpu.memory_space<semaphore_mem>>)
    %dma_wait3A_64 = arith.constant 0 : i32
    %dma_wait3A_65 = tpu.memref_slice %arg4[%add3A_59, %dma_wait3A_64] : memref<36864x768xf32, #tpu.memory_space<hbm>> -> memref<64x768xf32, #tpu.memory_space<hbm>>
    %dma_wait3A_66 = arith.constant 0 : i32
    %dma_wait3A_67 = tpu.memref_slice %arg4[%add3A_59, %dma_wait3A_66] : memref<36864x768xf32, #tpu.memory_space<hbm>> -> memref<64x768xf32, #tpu.memory_space<hbm>>
    tpu.wait_dma2 semaphore(%arg10 : memref<!tpu.dma_semaphore, #tpu.memory_space<semaphore_mem>>) src(%arg6 : memref<64x768xf32, #tpu.memory_space<vmem>>) dst(%dma_wait3A_67 : memref<64x768xf32, #tpu.memory_space<hbm>>)
    %dma_start3A_68 = arith.constant 256 : i32
    %dma_start3A_69 = tpu.memref_slice %arg5[%dma_start3A_68] : memref<1152xi32, #tpu.memory_space<vmem>> -> memref<64xi32, #tpu.memory_space<vmem>>
    %dma_start3A_70 = arith.constant 0 : i32
    %dma_start3A_71 = arith.constant 0 : i32
    %dma_start3A_72 = tpu.memref_slice %arg2[%dma_start3A_70, %dma_start3A_71] : memref<512x768xf32, #tpu.memory_space<hbm>> -> memref<512x768xf32, #tpu.memory_space<hbm>>
    tpu.enqueue_indirect_dma source(%dma_start3A_72 : memref<512x768xf32, #tpu.memory_space<hbm>>) target(%arg6 : memref<64x768xf32, #tpu.memory_space<vmem>>) offsets(%dma_start3A_69 : memref<64xi32, #tpu.memory_space<vmem>>) semaphore(%arg8 : memref<!tpu.dma_semaphore, #tpu.memory_space<semaphore_mem>>)
    %dma_wait3A_73 = arith.constant 192 : i32
    %dma_wait3A_74 = tpu.memref_slice %arg5[%dma_wait3A_73] : memref<1152xi32, #tpu.memory_space<vmem>> -> memref<64xi32, #tpu.memory_space<vmem>>
    %dma_wait3A_75 = arith.constant 0 : i32
    %dma_wait3A_76 = arith.constant 0 : i32
    %dma_wait3A_77 = tpu.memref_slice %arg2[%dma_wait3A_75, %dma_wait3A_76] : memref<512x768xf32, #tpu.memory_space<hbm>> -> memref<512x768xf32, #tpu.memory_space<hbm>>
    tpu.wait_indirect_dma semaphore(%arg9 : memref<!tpu.dma_semaphore, #tpu.memory_space<semaphore_mem>>) src(%dma_wait3A_77 : memref<512x768xf32, #tpu.memory_space<hbm>>) dst(%arg7 : memref<64x768xf32, #tpu.memory_space<vmem>>)
    %add3A_78 = arith.constant 192 : i32
    %add3A_79 = arith.addi %mul3A_4, %add3A_78 : i32
    %dma_start3A_80 = arith.constant 0 : i32
    %dma_start3A_81 = tpu.memref_slice %arg4[%add3A_79, %dma_start3A_80] : memref<36864x768xf32, #tpu.memory_space<hbm>> -> memref<64x768xf32, #tpu.memory_space<hbm>>
    %dma_start3A_82 = arith.constant 0 : i32
    %dma_start3A_83 = tpu.memref_slice %arg4[%add3A_79, %dma_start3A_82] : memref<36864x768xf32, #tpu.memory_space<hbm>> -> memref<64x768xf32, #tpu.memory_space<hbm>>
    tpu.enqueue_dma source(%arg7 : memref<64x768xf32, #tpu.memory_space<vmem>>) target(%dma_start3A_83 : memref<64x768xf32, #tpu.memory_space<hbm>>) target_semaphore(%arg11 : memref<!tpu.dma_semaphore, #tpu.memory_space<semaphore_mem>>)
    %dma_wait3A_84 = arith.constant 0 : i32
    %dma_wait3A_85 = tpu.memref_slice %arg4[%add3A_79, %dma_wait3A_84] : memref<36864x768xf32, #tpu.memory_space<hbm>> -> memref<64x768xf32, #tpu.memory_space<hbm>>
    %dma_wait3A_86 = arith.constant 0 : i32
    %dma_wait3A_87 = tpu.memref_slice %arg4[%add3A_79, %dma_wait3A_86] : memref<36864x768xf32, #tpu.memory_space<hbm>> -> memref<64x768xf32, #tpu.memory_space<hbm>>
    tpu.wait_dma2 semaphore(%arg11 : memref<!tpu.dma_semaphore, #tpu.memory_space<semaphore_mem>>) src(%arg7 : memref<64x768xf32, #tpu.memory_space<vmem>>) dst(%dma_wait3A_87 : memref<64x768xf32, #tpu.memory_space<hbm>>)
    %dma_start3A_88 = arith.constant 320 : i32
    %dma_start3A_89 = tpu.memref_slice %arg5[%dma_start3A_88] : memref<1152xi32, #tpu.memory_space<vmem>> -> memref<64xi32, #tpu.memory_space<vmem>>
    %dma_start3A_90 = arith.constant 0 : i32
    %dma_start3A_91 = arith.constant 0 : i32
    %dma_start3A_92 = tpu.memref_slice %arg2[%dma_start3A_90, %dma_start3A_91] : memref<512x768xf32, #tpu.memory_space<hbm>> -> memref<512x768xf32, #tpu.memory_space<hbm>>
    tpu.enqueue_indirect_dma source(%dma_start3A_92 : memref<512x768xf32, #tpu.memory_space<hbm>>) target(%arg7 : memref<64x768xf32, #tpu.memory_space<vmem>>) offsets(%dma_start3A_89 : memref<64xi32, #tpu.memory_space<vmem>>) semaphore(%arg9 : memref<!tpu.dma_semaphore, #tpu.memory_space<semaphore_mem>>)
    %dma_wait3A_93 = arith.constant 256 : i32
    %dma_wait3A_94 = tpu.memref_slice %arg5[%dma_wait3A_93] : memref<1152xi32, #tpu.memory_space<vmem>> -> memref<64xi32, #tpu.memory_space<vmem>>
    %dma_wait3A_95 = arith.constant 0 : i32
    %dma_wait3A_96 = arith.constant 0 : i32
    %dma_wait3A_97 = tpu.memref_slice %arg2[%dma_wait3A_95, %dma_wait3A_96] : memref<512x768xf32, #tpu.memory_space<hbm>> -> memref<512x768xf32, #tpu.memory_space<hbm>>
    tpu.wait_indirect_dma semaphore(%arg8 : memref<!tpu.dma_semaphore, #tpu.memory_space<semaphore_mem>>) src(%dma_wait3A_97 : memref<512x768xf32, #tpu.memory_space<hbm>>) dst(%arg6 : memref<64x768xf32, #tpu.memory_space<vmem>>)
    %add3A_98 = arith.constant 256 : i32
    %add3A_99 = arith.addi %mul3A_4, %add3A_98 : i32
    %dma_start3A_100 = arith.constant 0 : i32
    %dma_start3A_101 = tpu.memref_slice %arg4[%add3A_99, %dma_start3A_100] : memref<36864x768xf32, #tpu.memory_space<hbm>> -> memref<64x768xf32, #tpu.memory_space<hbm>>
    %dma_start3A_102 = arith.constant 0 : i32
    %dma_start3A_103 = tpu.memref_slice %arg4[%add3A_99, %dma_start3A_102] : memref<36864x768xf32, #tpu.memory_space<hbm>> -> memref<64x768xf32, #tpu.memory_space<hbm>>
    tpu.enqueue_dma source(%arg6 : memref<64x768xf32, #tpu.memory_space<vmem>>) target(%dma_start3A_103 : memref<64x768xf32, #tpu.memory_space<hbm>>) target_semaphore(%arg10 : memref<!tpu.dma_semaphore, #tpu.memory_space<semaphore_mem>>)
    %dma_wait3A_104 = arith.constant 0 : i32
    %dma_wait3A_105 = tpu.memref_slice %arg4[%add3A_99, %dma_wait3A_104] : memref<36864x768xf32, #tpu.memory_space<hbm>> -> memref<64x768xf32, #tpu.memory_space<hbm>>
    %dma_wait3A_106 = arith.constant 0 : i32
    %dma_wait3A_107 = tpu.memref_slice %arg4[%add3A_99, %dma_wait3A_106] : memref<36864x768xf32, #tpu.memory_space<hbm>> -> memref<64x768xf32, #tpu.memory_space<hbm>>
    tpu.wait_dma2 semaphore(%arg10 : memref<!tpu.dma_semaphore, #tpu.memory_space<semaphore_mem>>) src(%arg6 : memref<64x768xf32, #tpu.memory_space<vmem>>) dst(%dma_wait3A_107 : memref<64x768xf32, #tpu.memory_space<hbm>>)
    %dma_start3A_108 = arith.constant 384 : i32
    %dma_start3A_109 = tpu.memref_slice %arg5[%dma_start3A_108] : memref<1152xi32, #tpu.memory_space<vmem>> -> memref<64xi32, #tpu.memory_space<vmem>>
    %dma_start3A_110 = arith.constant 0 : i32
    %dma_start3A_111 = arith.constant 0 : i32
    %dma_start3A_112 = tpu.memref_slice %arg2[%dma_start3A_110, %dma_start3A_111] : memref<512x768xf32, #tpu.memory_space<hbm>> -> memref<512x768xf32, #tpu.memory_space<hbm>>
    tpu.enqueue_indirect_dma source(%dma_start3A_112 : memref<512x768xf32, #tpu.memory_space<hbm>>) target(%arg6 : memref<64x768xf32, #tpu.memory_space<vmem>>) offsets(%dma_start3A_109 : memref<64xi32, #tpu.memory_space<vmem>>) semaphore(%arg8 : memref<!tpu.dma_semaphore, #tpu.memory_space<semaphore_mem>>)
    %dma_wait3A_113 = arith.constant 320 : i32
    %dma_wait3A_114 = tpu.memref_slice %arg5[%dma_wait3A_113] : memref<1152xi32, #tpu.memory_space<vmem>> -> memref<64xi32, #tpu.memory_space<vmem>>
    %dma_wait3A_115 = arith.constant 0 : i32
    %dma_wait3A_116 = arith.constant 0 : i32
    %dma_wait3A_117 = tpu.memref_slice %arg2[%dma_wait3A_115, %dma_wait3A_116] : memref<512x768xf32, #tpu.memory_space<hbm>> -> memref<512x768xf32, #tpu.memory_space<hbm>>
    tpu.wait_indirect_dma semaphore(%arg9 : memref<!tpu.dma_semaphore, #tpu.memory_space<semaphore_mem>>) src(%dma_wait3A_117 : memref<512x768xf32, #tpu.memory_space<hbm>>) dst(%arg7 : memref<64x768xf32, #tpu.memory_space<vmem>>)
    %add3A_118 = arith.constant 320 : i32
    %add3A_119 = arith.addi %mul3A_4, %add3A_118 : i32
    %dma_start3A_120 = arith.constant 0 : i32
    %dma_start3A_121 = tpu.memref_slice %arg4[%add3A_119, %dma_start3A_120] : memref<36864x768xf32, #tpu.memory_space<hbm>> -> memref<64x768xf32, #tpu.memory_space<hbm>>
    %dma_start3A_122 = arith.constant 0 : i32
    %dma_start3A_123 = tpu.memref_slice %arg4[%add3A_119, %dma_start3A_122] : memref<36864x768xf32, #tpu.memory_space<hbm>> -> memref<64x768xf32, #tpu.memory_space<hbm>>
    tpu.enqueue_dma source(%arg7 : memref<64x768xf32, #tpu.memory_space<vmem>>) target(%dma_start3A_123 : memref<64x768xf32, #tpu.memory_space<hbm>>) target_semaphore(%arg11 : memref<!tpu.dma_semaphore, #tpu.memory_space<semaphore_mem>>)
    %dma_wait3A_124 = arith.constant 0 : i32
    %dma_wait3A_125 = tpu.memref_slice %arg4[%add3A_119, %dma_wait3A_124] : memref<36864x768xf32, #tpu.memory_space<hbm>> -> memref<64x768xf32, #tpu.memory_space<hbm>>
    %dma_wait3A_126 = arith.constant 0 : i32
    %dma_wait3A_127 = tpu.memref_slice %arg4[%add3A_119, %dma_wait3A_126] : memref<36864x768xf32, #tpu.memory_space<hbm>> -> memref<64x768xf32, #tpu.memory_space<hbm>>
    tpu.wait_dma2 semaphore(%arg11 : memref<!tpu.dma_semaphore, #tpu.memory_space<semaphore_mem>>) src(%arg7 : memref<64x768xf32, #tpu.memory_space<vmem>>) dst(%dma_wait3A_127 : memref<64x768xf32, #tpu.memory_space<hbm>>)
    %dma_start3A_128 = arith.constant 448 : i32
    %dma_start3A_129 = tpu.memref_slice %arg5[%dma_start3A_128] : memref<1152xi32, #tpu.memory_space<vmem>> -> memref<64xi32, #tpu.memory_space<vmem>>
    %dma_start3A_130 = arith.constant 0 : i32
    %dma_start3A_131 = arith.constant 0 : i32
    %dma_start3A_132 = tpu.memref_slice %arg2[%dma_start3A_130, %dma_start3A_131] : memref<512x768xf32, #tpu.memory_space<hbm>> -> memref<512x768xf32, #tpu.memory_space<hbm>>
    tpu.enqueue_indirect_dma source(%dma_start3A_132 : memref<512x768xf32, #tpu.memory_space<hbm>>) target(%arg7 : memref<64x768xf32, #tpu.memory_space<vmem>>) offsets(%dma_start3A_129 : memref<64xi32, #tpu.memory_space<vmem>>) semaphore(%arg9 : memref<!tpu.dma_semaphore, #tpu.memory_space<semaphore_mem>>)
    %dma_wait3A_133 = arith.constant 384 : i32
    %dma_wait3A_134 = tpu.memref_slice %arg5[%dma_wait3A_133] : memref<1152xi32, #tpu.memory_space<vmem>> -> memref<64xi32, #tpu.memory_space<vmem>>
    %dma_wait3A_135 = arith.constant 0 : i32
    %dma_wait3A_136 = arith.constant 0 : i32
    %dma_wait3A_137 = tpu.memref_slice %arg2[%dma_wait3A_135, %dma_wait3A_136] : memref<512x768xf32, #tpu.memory_space<hbm>> -> memref<512x768xf32, #tpu.memory_space<hbm>>
    tpu.wait_indirect_dma semaphore(%arg8 : memref<!tpu.dma_semaphore, #tpu.memory_space<semaphore_mem>>) src(%dma_wait3A_137 : memref<512x768xf32, #tpu.memory_space<hbm>>) dst(%arg6 : memref<64x768xf32, #tpu.memory_space<vmem>>)
    %add3A_138 = arith.constant 384 : i32
    %add3A_139 = arith.addi %mul3A_4, %add3A_138 : i32
    %dma_start3A_140 = arith.constant 0 : i32
    %dma_start3A_141 = tpu.memref_slice %arg4[%add3A_139, %dma_start3A_140] : memref<36864x768xf32, #tpu.memory_space<hbm>> -> memref<64x768xf32, #tpu.memory_space<hbm>>
    %dma_start3A_142 = arith.constant 0 : i32
    %dma_start3A_143 = tpu.memref_slice %arg4[%add3A_139, %dma_start3A_142] : memref<36864x768xf32, #tpu.memory_space<hbm>> -> memref<64x768xf32, #tpu.memory_space<hbm>>
    tpu.enqueue_dma source(%arg6 : memref<64x768xf32, #tpu.memory_space<vmem>>) target(%dma_start3A_143 : memref<64x768xf32, #tpu.memory_space<hbm>>) target_semaphore(%arg10 : memref<!tpu.dma_semaphore, #tpu.memory_space<semaphore_mem>>)
    %dma_wait3A_144 = arith.constant 0 : i32
    %dma_wait3A_145 = tpu.memref_slice %arg4[%add3A_139, %dma_wait3A_144] : memref<36864x768xf32, #tpu.memory_space<hbm>> -> memref<64x768xf32, #tpu.memory_space<hbm>>
    %dma_wait3A_146 = arith.constant 0 : i32
    %dma_wait3A_147 = tpu.memref_slice %arg4[%add3A_139, %dma_wait3A_146] : memref<36864x768xf32, #tpu.memory_space<hbm>> -> memref<64x768xf32, #tpu.memory_space<hbm>>
    tpu.wait_dma2 semaphore(%arg10 : memref<!tpu.dma_semaphore, #tpu.memory_space<semaphore_mem>>) src(%arg6 : memref<64x768xf32, #tpu.memory_space<vmem>>) dst(%dma_wait3A_147 : memref<64x768xf32, #tpu.memory_space<hbm>>)
    %dma_start3A_148 = arith.constant 512 : i32
    %dma_start3A_149 = tpu.memref_slice %arg5[%dma_start3A_148] : memref<1152xi32, #tpu.memory_space<vmem>> -> memref<64xi32, #tpu.memory_space<vmem>>
    %dma_start3A_150 = arith.constant 0 : i32
    %dma_start3A_151 = arith.constant 0 : i32
    %dma_start3A_152 = tpu.memref_slice %arg2[%dma_start3A_150, %dma_start3A_151] : memref<512x768xf32, #tpu.memory_space<hbm>> -> memref<512x768xf32, #tpu.memory_space<hbm>>
    tpu.enqueue_indirect_dma source(%dma_start3A_152 : memref<512x768xf32, #tpu.memory_space<hbm>>) target(%arg6 : memref<64x768xf32, #tpu.memory_space<vmem>>) offsets(%dma_start3A_149 : memref<64xi32, #tpu.memory_space<vmem>>) semaphore(%arg8 : memref<!tpu.dma_semaphore, #tpu.memory_space<semaphore_mem>>)
    %dma_wait3A_153 = arith.constant 448 : i32
    %dma_wait3A_154 = tpu.memref_slice %arg5[%dma_wait3A_153] : memref<1152xi32, #tpu.memory_space<vmem>> -> memref<64xi32, #tpu.memory_space<vmem>>
    %dma_wait3A_155 = arith.constant 0 : i32
    %dma_wait3A_156 = arith.constant 0 : i32
    %dma_wait3A_157 = tpu.memref_slice %arg2[%dma_wait3A_155, %dma_wait3A_156] : memref<512x768xf32, #tpu.memory_space<hbm>> -> memref<512x768xf32, #tpu.memory_space<hbm>>
    tpu.wait_indirect_dma semaphore(%arg9 : memref<!tpu.dma_semaphore, #tpu.memory_space<semaphore_mem>>) src(%dma_wait3A_157 : memref<512x768xf32, #tpu.memory_space<hbm>>) dst(%arg7 : memref<64x768xf32, #tpu.memory_space<vmem>>)
    %add3A_158 = arith.constant 448 : i32
    %add3A_159 = arith.addi %mul3A_4, %add3A_158 : i32
    %dma_start3A_160 = arith.constant 0 : i32
    %dma_start3A_161 = tpu.memref_slice %arg4[%add3A_159, %dma_start3A_160] : memref<36864x768xf32, #tpu.memory_space<hbm>> -> memref<64x768xf32, #tpu.memory_space<hbm>>
    %dma_start3A_162 = arith.constant 0 : i32
    %dma_start3A_163 = tpu.memref_slice %arg4[%add3A_159, %dma_start3A_162] : memref<36864x768xf32, #tpu.memory_space<hbm>> -> memref<64x768xf32, #tpu.memory_space<hbm>>
    tpu.enqueue_dma source(%arg7 : memref<64x768xf32, #tpu.memory_space<vmem>>) target(%dma_start3A_163 : memref<64x768xf32, #tpu.memory_space<hbm>>) target_semaphore(%arg11 : memref<!tpu.dma_semaphore, #tpu.memory_space<semaphore_mem>>)
    %dma_wait3A_164 = arith.constant 0 : i32
    %dma_wait3A_165 = tpu.memref_slice %arg4[%add3A_159, %dma_wait3A_164] : memref<36864x768xf32, #tpu.memory_space<hbm>> -> memref<64x768xf32, #tpu.memory_space<hbm>>
    %dma_wait3A_166 = arith.constant 0 : i32
    %dma_wait3A_167 = tpu.memref_slice %arg4[%add3A_159, %dma_wait3A_166] : memref<36864x768xf32, #tpu.memory_space<hbm>> -> memref<64x768xf32, #tpu.memory_space<hbm>>
    tpu.wait_dma2 semaphore(%arg11 : memref<!tpu.dma_semaphore, #tpu.memory_space<semaphore_mem>>) src(%arg7 : memref<64x768xf32, #tpu.memory_space<vmem>>) dst(%dma_wait3A_167 : memref<64x768xf32, #tpu.memory_space<hbm>>)
    %dma_start3A_168 = arith.constant 576 : i32
    %dma_start3A_169 = tpu.memref_slice %arg5[%dma_start3A_168] : memref<1152xi32, #tpu.memory_space<vmem>> -> memref<64xi32, #tpu.memory_space<vmem>>
    %dma_start3A_170 = arith.constant 0 : i32
    %dma_start3A_171 = arith.constant 0 : i32
    %dma_start3A_172 = tpu.memref_slice %arg2[%dma_start3A_170, %dma_start3A_171] : memref<512x768xf32, #tpu.memory_space<hbm>> -> memref<512x768xf32, #tpu.memory_space<hbm>>
    tpu.enqueue_indirect_dma source(%dma_start3A_172 : memref<512x768xf32, #tpu.memory_space<hbm>>) target(%arg7 : memref<64x768xf32, #tpu.memory_space<vmem>>) offsets(%dma_start3A_169 : memref<64xi32, #tpu.memory_space<vmem>>) semaphore(%arg9 : memref<!tpu.dma_semaphore, #tpu.memory_space<semaphore_mem>>)
    %dma_wait3A_173 = arith.constant 512 : i32
    %dma_wait3A_174 = tpu.memref_slice %arg5[%dma_wait3A_173] : memref<1152xi32, #tpu.memory_space<vmem>> -> memref<64xi32, #tpu.memory_space<vmem>>
    %dma_wait3A_175 = arith.constant 0 : i32
    %dma_wait3A_176 = arith.constant 0 : i32
    %dma_wait3A_177 = tpu.memref_slice %arg2[%dma_wait3A_175, %dma_wait3A_176] : memref<512x768xf32, #tpu.memory_space<hbm>> -> memref<512x768xf32, #tpu.memory_space<hbm>>
    tpu.wait_indirect_dma semaphore(%arg8 : memref<!tpu.dma_semaphore, #tpu.memory_space<semaphore_mem>>) src(%dma_wait3A_177 : memref<512x768xf32, #tpu.memory_space<hbm>>) dst(%arg6 : memref<64x768xf32, #tpu.memory_space<vmem>>)
    %add3A_178 = arith.constant 512 : i32
    %add3A_179 = arith.addi %mul3A_4, %add3A_178 : i32
    %dma_start3A_180 = arith.constant 0 : i32
    %dma_start3A_181 = tpu.memref_slice %arg4[%add3A_179, %dma_start3A_180] : memref<36864x768xf32, #tpu.memory_space<hbm>> -> memref<64x768xf32, #tpu.memory_space<hbm>>
    %dma_start3A_182 = arith.constant 0 : i32
    %dma_start3A_183 = tpu.memref_slice %arg4[%add3A_179, %dma_start3A_182] : memref<36864x768xf32, #tpu.memory_space<hbm>> -> memref<64x768xf32, #tpu.memory_space<hbm>>
    tpu.enqueue_dma source(%arg6 : memref<64x768xf32, #tpu.memory_space<vmem>>) target(%dma_start3A_183 : memref<64x768xf32, #tpu.memory_space<hbm>>) target_semaphore(%arg10 : memref<!tpu.dma_semaphore, #tpu.memory_space<semaphore_mem>>)
    %dma_wait3A_184 = arith.constant 0 : i32
    %dma_wait3A_185 = tpu.memref_slice %arg4[%add3A_179, %dma_wait3A_184] : memref<36864x768xf32, #tpu.memory_space<hbm>> -> memref<64x768xf32, #tpu.memory_space<hbm>>
    %dma_wait3A_186 = arith.constant 0 : i32
    %dma_wait3A_187 = tpu.memref_slice %arg4[%add3A_179, %dma_wait3A_186] : memref<36864x768xf32, #tpu.memory_space<hbm>> -> memref<64x768xf32, #tpu.memory_space<hbm>>
    tpu.wait_dma2 semaphore(%arg10 : memref<!tpu.dma_semaphore, #tpu.memory_space<semaphore_mem>>) src(%arg6 : memref<64x768xf32, #tpu.memory_space<vmem>>) dst(%dma_wait3A_187 : memref<64x768xf32, #tpu.memory_space<hbm>>)
    %dma_start3A_188 = arith.constant 640 : i32
    %dma_start3A_189 = tpu.memref_slice %arg5[%dma_start3A_188] : memref<1152xi32, #tpu.memory_space<vmem>> -> memref<64xi32, #tpu.memory_space<vmem>>
    %dma_start3A_190 = arith.constant 0 : i32
    %dma_start3A_191 = arith.constant 0 : i32
    %dma_start3A_192 = tpu.memref_slice %arg2[%dma_start3A_190, %dma_start3A_191] : memref<512x768xf32, #tpu.memory_space<hbm>> -> memref<512x768xf32, #tpu.memory_space<hbm>>
    tpu.enqueue_indirect_dma source(%dma_start3A_192 : memref<512x768xf32, #tpu.memory_space<hbm>>) target(%arg6 : memref<64x768xf32, #tpu.memory_space<vmem>>) offsets(%dma_start3A_189 : memref<64xi32, #tpu.memory_space<vmem>>) semaphore(%arg8 : memref<!tpu.dma_semaphore, #tpu.memory_space<semaphore_mem>>)
    %dma_wait3A_193 = arith.constant 576 : i32
    %dma_wait3A_194 = tpu.memref_slice %arg5[%dma_wait3A_193] : memref<1152xi32, #tpu.memory_space<vmem>> -> memref<64xi32, #tpu.memory_space<vmem>>
    %dma_wait3A_195 = arith.constant 0 : i32
    %dma_wait3A_196 = arith.constant 0 : i32
    %dma_wait3A_197 = tpu.memref_slice %arg2[%dma_wait3A_195, %dma_wait3A_196] : memref<512x768xf32, #tpu.memory_space<hbm>> -> memref<512x768xf32, #tpu.memory_space<hbm>>
    tpu.wait_indirect_dma semaphore(%arg9 : memref<!tpu.dma_semaphore, #tpu.memory_space<semaphore_mem>>) src(%dma_wait3A_197 : memref<512x768xf32, #tpu.memory_space<hbm>>) dst(%arg7 : memref<64x768xf32, #tpu.memory_space<vmem>>)
    %add3A_198 = arith.constant 576 : i32
    %add3A_199 = arith.addi %mul3A_4, %add3A_198 : i32
    %dma_start3A_200 = arith.constant 0 : i32
    %dma_start3A_201 = tpu.memref_slice %arg4[%add3A_199, %dma_start3A_200] : memref<36864x768xf32, #tpu.memory_space<hbm>> -> memref<64x768xf32, #tpu.memory_space<hbm>>
    %dma_start3A_202 = arith.constant 0 : i32
    %dma_start3A_203 = tpu.memref_slice %arg4[%add3A_199, %dma_start3A_202] : memref<36864x768xf32, #tpu.memory_space<hbm>> -> memref<64x768xf32, #tpu.memory_space<hbm>>
    tpu.enqueue_dma source(%arg7 : memref<64x768xf32, #tpu.memory_space<vmem>>) target(%dma_start3A_203 : memref<64x768xf32, #tpu.memory_space<hbm>>) target_semaphore(%arg11 : memref<!tpu.dma_semaphore, #tpu.memory_space<semaphore_mem>>)
    %dma_wait3A_204 = arith.constant 0 : i32
    %dma_wait3A_205 = tpu.memref_slice %arg4[%add3A_199, %dma_wait3A_204] : memref<36864x768xf32, #tpu.memory_space<hbm>> -> memref<64x768xf32, #tpu.memory_space<hbm>>
    %dma_wait3A_206 = arith.constant 0 : i32
    %dma_wait3A_207 = tpu.memref_slice %arg4[%add3A_199, %dma_wait3A_206] : memref<36864x768xf32, #tpu.memory_space<hbm>> -> memref<64x768xf32, #tpu.memory_space<hbm>>
    tpu.wait_dma2 semaphore(%arg11 : memref<!tpu.dma_semaphore, #tpu.memory_space<semaphore_mem>>) src(%arg7 : memref<64x768xf32, #tpu.memory_space<vmem>>) dst(%dma_wait3A_207 : memref<64x768xf32, #tpu.memory_space<hbm>>)
    %dma_start3A_208 = arith.constant 704 : i32
    %dma_start3A_209 = tpu.memref_slice %arg5[%dma_start3A_208] : memref<1152xi32, #tpu.memory_space<vmem>> -> memref<64xi32, #tpu.memory_space<vmem>>
    %dma_start3A_210 = arith.constant 0 : i32
    %dma_start3A_211 = arith.constant 0 : i32
    %dma_start3A_212 = tpu.memref_slice %arg2[%dma_start3A_210, %dma_start3A_211] : memref<512x768xf32, #tpu.memory_space<hbm>> -> memref<512x768xf32, #tpu.memory_space<hbm>>
    tpu.enqueue_indirect_dma source(%dma_start3A_212 : memref<512x768xf32, #tpu.memory_space<hbm>>) target(%arg7 : memref<64x768xf32, #tpu.memory_space<vmem>>) offsets(%dma_start3A_209 : memref<64xi32, #tpu.memory_space<vmem>>) semaphore(%arg9 : memref<!tpu.dma_semaphore, #tpu.memory_space<semaphore_mem>>)
    %dma_wait3A_213 = arith.constant 640 : i32
    %dma_wait3A_214 = tpu.memref_slice %arg5[%dma_wait3A_213] : memref<1152xi32, #tpu.memory_space<vmem>> -> memref<64xi32, #tpu.memory_space<vmem>>
    %dma_wait3A_215 = arith.constant 0 : i32
    %dma_wait3A_216 = arith.constant 0 : i32
    %dma_wait3A_217 = tpu.memref_slice %arg2[%dma_wait3A_215, %dma_wait3A_216] : memref<512x768xf32, #tpu.memory_space<hbm>> -> memref<512x768xf32, #tpu.memory_space<hbm>>
    tpu.wait_indirect_dma semaphore(%arg8 : memref<!tpu.dma_semaphore, #tpu.memory_space<semaphore_mem>>) src(%dma_wait3A_217 : memref<512x768xf32, #tpu.memory_space<hbm>>) dst(%arg6 : memref<64x768xf32, #tpu.memory_space<vmem>>)
    %add3A_218 = arith.constant 640 : i32
    %add3A_219 = arith.addi %mul3A_4, %add3A_218 : i32
    %dma_start3A_220 = arith.constant 0 : i32
    %dma_start3A_221 = tpu.memref_slice %arg4[%add3A_219, %dma_start3A_220] : memref<36864x768xf32, #tpu.memory_space<hbm>> -> memref<64x768xf32, #tpu.memory_space<hbm>>
    %dma_start3A_222 = arith.constant 0 : i32
    %dma_start3A_223 = tpu.memref_slice %arg4[%add3A_219, %dma_start3A_222] : memref<36864x768xf32, #tpu.memory_space<hbm>> -> memref<64x768xf32, #tpu.memory_space<hbm>>
    tpu.enqueue_dma source(%arg6 : memref<64x768xf32, #tpu.memory_space<vmem>>) target(%dma_start3A_223 : memref<64x768xf32, #tpu.memory_space<hbm>>) target_semaphore(%arg10 : memref<!tpu.dma_semaphore, #tpu.memory_space<semaphore_mem>>)
    %dma_wait3A_224 = arith.constant 0 : i32
    %dma_wait3A_225 = tpu.memref_slice %arg4[%add3A_219, %dma_wait3A_224] : memref<36864x768xf32, #tpu.memory_space<hbm>> -> memref<64x768xf32, #tpu.memory_space<hbm>>
    %dma_wait3A_226 = arith.constant 0 : i32
    %dma_wait3A_227 = tpu.memref_slice %arg4[%add3A_219, %dma_wait3A_226] : memref<36864x768xf32, #tpu.memory_space<hbm>> -> memref<64x768xf32, #tpu.memory_space<hbm>>
    tpu.wait_dma2 semaphore(%arg10 : memref<!tpu.dma_semaphore, #tpu.memory_space<semaphore_mem>>) src(%arg6 : memref<64x768xf32, #tpu.memory_space<vmem>>) dst(%dma_wait3A_227 : memref<64x768xf32, #tpu.memory_space<hbm>>)
    %dma_start3A_228 = arith.constant 768 : i32
    %dma_start3A_229 = tpu.memref_slice %arg5[%dma_start3A_228] : memref<1152xi32, #tpu.memory_space<vmem>> -> memref<64xi32, #tpu.memory_space<vmem>>
    %dma_start3A_230 = arith.constant 0 : i32
    %dma_start3A_231 = arith.constant 0 : i32
    %dma_start3A_232 = tpu.memref_slice %arg2[%dma_start3A_230, %dma_start3A_231] : memref<512x768xf32, #tpu.memory_space<hbm>> -> memref<512x768xf32, #tpu.memory_space<hbm>>
    tpu.enqueue_indirect_dma source(%dma_start3A_232 : memref<512x768xf32, #tpu.memory_space<hbm>>) target(%arg6 : memref<64x768xf32, #tpu.memory_space<vmem>>) offsets(%dma_start3A_229 : memref<64xi32, #tpu.memory_space<vmem>>) semaphore(%arg8 : memref<!tpu.dma_semaphore, #tpu.memory_space<semaphore_mem>>)
    %dma_wait3A_233 = arith.constant 704 : i32
    %dma_wait3A_234 = tpu.memref_slice %arg5[%dma_wait3A_233] : memref<1152xi32, #tpu.memory_space<vmem>> -> memref<64xi32, #tpu.memory_space<vmem>>
    %dma_wait3A_235 = arith.constant 0 : i32
    %dma_wait3A_236 = arith.constant 0 : i32
    %dma_wait3A_237 = tpu.memref_slice %arg2[%dma_wait3A_235, %dma_wait3A_236] : memref<512x768xf32, #tpu.memory_space<hbm>> -> memref<512x768xf32, #tpu.memory_space<hbm>>
    tpu.wait_indirect_dma semaphore(%arg9 : memref<!tpu.dma_semaphore, #tpu.memory_space<semaphore_mem>>) src(%dma_wait3A_237 : memref<512x768xf32, #tpu.memory_space<hbm>>) dst(%arg7 : memref<64x768xf32, #tpu.memory_space<vmem>>)
    %add3A_238 = arith.constant 704 : i32
    %add3A_239 = arith.addi %mul3A_4, %add3A_238 : i32
    %dma_start3A_240 = arith.constant 0 : i32
    %dma_start3A_241 = tpu.memref_slice %arg4[%add3A_239, %dma_start3A_240] : memref<36864x768xf32, #tpu.memory_space<hbm>> -> memref<64x768xf32, #tpu.memory_space<hbm>>
    %dma_start3A_242 = arith.constant 0 : i32
    %dma_start3A_243 = tpu.memref_slice %arg4[%add3A_239, %dma_start3A_242] : memref<36864x768xf32, #tpu.memory_space<hbm>> -> memref<64x768xf32, #tpu.memory_space<hbm>>
    tpu.enqueue_dma source(%arg7 : memref<64x768xf32, #tpu.memory_space<vmem>>) target(%dma_start3A_243 : memref<64x768xf32, #tpu.memory_space<hbm>>) target_semaphore(%arg11 : memref<!tpu.dma_semaphore, #tpu.memory_space<semaphore_mem>>)
    %dma_wait3A_244 = arith.constant 0 : i32
    %dma_wait3A_245 = tpu.memref_slice %arg4[%add3A_239, %dma_wait3A_244] : memref<36864x768xf32, #tpu.memory_space<hbm>> -> memref<64x768xf32, #tpu.memory_space<hbm>>
    %dma_wait3A_246 = arith.constant 0 : i32
    %dma_wait3A_247 = tpu.memref_slice %arg4[%add3A_239, %dma_wait3A_246] : memref<36864x768xf32, #tpu.memory_space<hbm>> -> memref<64x768xf32, #tpu.memory_space<hbm>>
    tpu.wait_dma2 semaphore(%arg11 : memref<!tpu.dma_semaphore, #tpu.memory_space<semaphore_mem>>) src(%arg7 : memref<64x768xf32, #tpu.memory_space<vmem>>) dst(%dma_wait3A_247 : memref<64x768xf32, #tpu.memory_space<hbm>>)
    %dma_start3A_248 = arith.constant 832 : i32
    %dma_start3A_249 = tpu.memref_slice %arg5[%dma_start3A_248] : memref<1152xi32, #tpu.memory_space<vmem>> -> memref<64xi32, #tpu.memory_space<vmem>>
    %dma_start3A_250 = arith.constant 0 : i32
    %dma_start3A_251 = arith.constant 0 : i32
    %dma_start3A_252 = tpu.memref_slice %arg2[%dma_start3A_250, %dma_start3A_251] : memref<512x768xf32, #tpu.memory_space<hbm>> -> memref<512x768xf32, #tpu.memory_space<hbm>>
    tpu.enqueue_indirect_dma source(%dma_start3A_252 : memref<512x768xf32, #tpu.memory_space<hbm>>) target(%arg7 : memref<64x768xf32, #tpu.memory_space<vmem>>) offsets(%dma_start3A_249 : memref<64xi32, #tpu.memory_space<vmem>>) semaphore(%arg9 : memref<!tpu.dma_semaphore, #tpu.memory_space<semaphore_mem>>)
    %dma_wait3A_253 = arith.constant 768 : i32
    %dma_wait3A_254 = tpu.memref_slice %arg5[%dma_wait3A_253] : memref<1152xi32, #tpu.memory_space<vmem>> -> memref<64xi32, #tpu.memory_space<vmem>>
    %dma_wait3A_255 = arith.constant 0 : i32
    %dma_wait3A_256 = arith.constant 0 : i32
    %dma_wait3A_257 = tpu.memref_slice %arg2[%dma_wait3A_255, %dma_wait3A_256] : memref<512x768xf32, #tpu.memory_space<hbm>> -> memref<512x768xf32, #tpu.memory_space<hbm>>
    tpu.wait_indirect_dma semaphore(%arg8 : memref<!tpu.dma_semaphore, #tpu.memory_space<semaphore_mem>>) src(%dma_wait3A_257 : memref<512x768xf32, #tpu.memory_space<hbm>>) dst(%arg6 : memref<64x768xf32, #tpu.memory_space<vmem>>)
    %add3A_258 = arith.constant 768 : i32
    %add3A_259 = arith.addi %mul3A_4, %add3A_258 : i32
    %dma_start3A_260 = arith.constant 0 : i32
    %dma_start3A_261 = tpu.memref_slice %arg4[%add3A_259, %dma_start3A_260] : memref<36864x768xf32, #tpu.memory_space<hbm>> -> memref<64x768xf32, #tpu.memory_space<hbm>>
    %dma_start3A_262 = arith.constant 0 : i32
    %dma_start3A_263 = tpu.memref_slice %arg4[%add3A_259, %dma_start3A_262] : memref<36864x768xf32, #tpu.memory_space<hbm>> -> memref<64x768xf32, #tpu.memory_space<hbm>>
    tpu.enqueue_dma source(%arg6 : memref<64x768xf32, #tpu.memory_space<vmem>>) target(%dma_start3A_263 : memref<64x768xf32, #tpu.memory_space<hbm>>) target_semaphore(%arg10 : memref<!tpu.dma_semaphore, #tpu.memory_space<semaphore_mem>>)
    %dma_wait3A_264 = arith.constant 0 : i32
    %dma_wait3A_265 = tpu.memref_slice %arg4[%add3A_259, %dma_wait3A_264] : memref<36864x768xf32, #tpu.memory_space<hbm>> -> memref<64x768xf32, #tpu.memory_space<hbm>>
    %dma_wait3A_266 = arith.constant 0 : i32
    %dma_wait3A_267 = tpu.memref_slice %arg4[%add3A_259, %dma_wait3A_266] : memref<36864x768xf32, #tpu.memory_space<hbm>> -> memref<64x768xf32, #tpu.memory_space<hbm>>
    tpu.wait_dma2 semaphore(%arg10 : memref<!tpu.dma_semaphore, #tpu.memory_space<semaphore_mem>>) src(%arg6 : memref<64x768xf32, #tpu.memory_space<vmem>>) dst(%dma_wait3A_267 : memref<64x768xf32, #tpu.memory_space<hbm>>)
    %dma_start3A_268 = arith.constant 896 : i32
    %dma_start3A_269 = tpu.memref_slice %arg5[%dma_start3A_268] : memref<1152xi32, #tpu.memory_space<vmem>> -> memref<64xi32, #tpu.memory_space<vmem>>
    %dma_start3A_270 = arith.constant 0 : i32
    %dma_start3A_271 = arith.constant 0 : i32
    %dma_start3A_272 = tpu.memref_slice %arg2[%dma_start3A_270, %dma_start3A_271] : memref<512x768xf32, #tpu.memory_space<hbm>> -> memref<512x768xf32, #tpu.memory_space<hbm>>
    tpu.enqueue_indirect_dma source(%dma_start3A_272 : memref<512x768xf32, #tpu.memory_space<hbm>>) target(%arg6 : memref<64x768xf32, #tpu.memory_space<vmem>>) offsets(%dma_start3A_269 : memref<64xi32, #tpu.memory_space<vmem>>) semaphore(%arg8 : memref<!tpu.dma_semaphore, #tpu.memory_space<semaphore_mem>>)
    %dma_wait3A_273 = arith.constant 832 : i32
    %dma_wait3A_274 = tpu.memref_slice %arg5[%dma_wait3A_273] : memref<1152xi32, #tpu.memory_space<vmem>> -> memref<64xi32, #tpu.memory_space<vmem>>
    %dma_wait3A_275 = arith.constant 0 : i32
    %dma_wait3A_276 = arith.constant 0 : i32
    %dma_wait3A_277 = tpu.memref_slice %arg2[%dma_wait3A_275, %dma_wait3A_276] : memref<512x768xf32, #tpu.memory_space<hbm>> -> memref<512x768xf32, #tpu.memory_space<hbm>>
    tpu.wait_indirect_dma semaphore(%arg9 : memref<!tpu.dma_semaphore, #tpu.memory_space<semaphore_mem>>) src(%dma_wait3A_277 : memref<512x768xf32, #tpu.memory_space<hbm>>) dst(%arg7 : memref<64x768xf32, #tpu.memory_space<vmem>>)
    %add3A_278 = arith.constant 832 : i32
    %add3A_279 = arith.addi %mul3A_4, %add3A_278 : i32
    %dma_start3A_280 = arith.constant 0 : i32
    %dma_start3A_281 = tpu.memref_slice %arg4[%add3A_279, %dma_start3A_280] : memref<36864x768xf32, #tpu.memory_space<hbm>> -> memref<64x768xf32, #tpu.memory_space<hbm>>
    %dma_start3A_282 = arith.constant 0 : i32
    %dma_start3A_283 = tpu.memref_slice %arg4[%add3A_279, %dma_start3A_282] : memref<36864x768xf32, #tpu.memory_space<hbm>> -> memref<64x768xf32, #tpu.memory_space<hbm>>
    tpu.enqueue_dma source(%arg7 : memref<64x768xf32, #tpu.memory_space<vmem>>) target(%dma_start3A_283 : memref<64x768xf32, #tpu.memory_space<hbm>>) target_semaphore(%arg11 : memref<!tpu.dma_semaphore, #tpu.memory_space<semaphore_mem>>)
    %dma_wait3A_284 = arith.constant 0 : i32
    %dma_wait3A_285 = tpu.memref_slice %arg4[%add3A_279, %dma_wait3A_284] : memref<36864x768xf32, #tpu.memory_space<hbm>> -> memref<64x768xf32, #tpu.memory_space<hbm>>
    %dma_wait3A_286 = arith.constant 0 : i32
    %dma_wait3A_287 = tpu.memref_slice %arg4[%add3A_279, %dma_wait3A_286] : memref<36864x768xf32, #tpu.memory_space<hbm>> -> memref<64x768xf32, #tpu.memory_space<hbm>>
    tpu.wait_dma2 semaphore(%arg11 : memref<!tpu.dma_semaphore, #tpu.memory_space<semaphore_mem>>) src(%arg7 : memref<64x768xf32, #tpu.memory_space<vmem>>) dst(%dma_wait3A_287 : memref<64x768xf32, #tpu.memory_space<hbm>>)
    %dma_start3A_288 = arith.constant 960 : i32
    %dma_start3A_289 = tpu.memref_slice %arg5[%dma_start3A_288] : memref<1152xi32, #tpu.memory_space<vmem>> -> memref<64xi32, #tpu.memory_space<vmem>>
    %dma_start3A_290 = arith.constant 0 : i32
    %dma_start3A_291 = arith.constant 0 : i32
    %dma_start3A_292 = tpu.memref_slice %arg2[%dma_start3A_290, %dma_start3A_291] : memref<512x768xf32, #tpu.memory_space<hbm>> -> memref<512x768xf32, #tpu.memory_space<hbm>>
    tpu.enqueue_indirect_dma source(%dma_start3A_292 : memref<512x768xf32, #tpu.memory_space<hbm>>) target(%arg7 : memref<64x768xf32, #tpu.memory_space<vmem>>) offsets(%dma_start3A_289 : memref<64xi32, #tpu.memory_space<vmem>>) semaphore(%arg9 : memref<!tpu.dma_semaphore, #tpu.memory_space<semaphore_mem>>)
    %dma_wait3A_293 = arith.constant 896 : i32
    %dma_wait3A_294 = tpu.memref_slice %arg5[%dma_wait3A_293] : memref<1152xi32, #tpu.memory_space<vmem>> -> memref<64xi32, #tpu.memory_space<vmem>>
    %dma_wait3A_295 = arith.constant 0 : i32
    %dma_wait3A_296 = arith.constant 0 : i32
    %dma_wait3A_297 = tpu.memref_slice %arg2[%dma_wait3A_295, %dma_wait3A_296] : memref<512x768xf32, #tpu.memory_space<hbm>> -> memref<512x768xf32, #tpu.memory_space<hbm>>
    tpu.wait_indirect_dma semaphore(%arg8 : memref<!tpu.dma_semaphore, #tpu.memory_space<semaphore_mem>>) src(%dma_wait3A_297 : memref<512x768xf32, #tpu.memory_space<hbm>>) dst(%arg6 : memref<64x768xf32, #tpu.memory_space<vmem>>)
    %add3A_298 = arith.constant 896 : i32
    %add3A_299 = arith.addi %mul3A_4, %add3A_298 : i32
    %dma_start3A_300 = arith.constant 0 : i32
    %dma_start3A_301 = tpu.memref_slice %arg4[%add3A_299, %dma_start3A_300] : memref<36864x768xf32, #tpu.memory_space<hbm>> -> memref<64x768xf32, #tpu.memory_space<hbm>>
    %dma_start3A_302 = arith.constant 0 : i32
    %dma_start3A_303 = tpu.memref_slice %arg4[%add3A_299, %dma_start3A_302] : memref<36864x768xf32, #tpu.memory_space<hbm>> -> memref<64x768xf32, #tpu.memory_space<hbm>>
    tpu.enqueue_dma source(%arg6 : memref<64x768xf32, #tpu.memory_space<vmem>>) target(%dma_start3A_303 : memref<64x768xf32, #tpu.memory_space<hbm>>) target_semaphore(%arg10 : memref<!tpu.dma_semaphore, #tpu.memory_space<semaphore_mem>>)
    %dma_wait3A_304 = arith.constant 0 : i32
    %dma_wait3A_305 = tpu.memref_slice %arg4[%add3A_299, %dma_wait3A_304] : memref<36864x768xf32, #tpu.memory_space<hbm>> -> memref<64x768xf32, #tpu.memory_space<hbm>>
    %dma_wait3A_306 = arith.constant 0 : i32
    %dma_wait3A_307 = tpu.memref_slice %arg4[%add3A_299, %dma_wait3A_306] : memref<36864x768xf32, #tpu.memory_space<hbm>> -> memref<64x768xf32, #tpu.memory_space<hbm>>
    tpu.wait_dma2 semaphore(%arg10 : memref<!tpu.dma_semaphore, #tpu.memory_space<semaphore_mem>>) src(%arg6 : memref<64x768xf32, #tpu.memory_space<vmem>>) dst(%dma_wait3A_307 : memref<64x768xf32, #tpu.memory_space<hbm>>)
    %dma_start3A_308 = arith.constant 1024 : i32
    %dma_start3A_309 = tpu.memref_slice %arg5[%dma_start3A_308] : memref<1152xi32, #tpu.memory_space<vmem>> -> memref<64xi32, #tpu.memory_space<vmem>>
    %dma_start3A_310 = arith.constant 0 : i32
    %dma_start3A_311 = arith.constant 0 : i32
    %dma_start3A_312 = tpu.memref_slice %arg2[%dma_start3A_310, %dma_start3A_311] : memref<512x768xf32, #tpu.memory_space<hbm>> -> memref<512x768xf32, #tpu.memory_space<hbm>>
    tpu.enqueue_indirect_dma source(%dma_start3A_312 : memref<512x768xf32, #tpu.memory_space<hbm>>) target(%arg6 : memref<64x768xf32, #tpu.memory_space<vmem>>) offsets(%dma_start3A_309 : memref<64xi32, #tpu.memory_space<vmem>>) semaphore(%arg8 : memref<!tpu.dma_semaphore, #tpu.memory_space<semaphore_mem>>)
    %dma_wait3A_313 = arith.constant 960 : i32
    %dma_wait3A_314 = tpu.memref_slice %arg5[%dma_wait3A_313] : memref<1152xi32, #tpu.memory_space<vmem>> -> memref<64xi32, #tpu.memory_space<vmem>>
    %dma_wait3A_315 = arith.constant 0 : i32
    %dma_wait3A_316 = arith.constant 0 : i32
    %dma_wait3A_317 = tpu.memref_slice %arg2[%dma_wait3A_315, %dma_wait3A_316] : memref<512x768xf32, #tpu.memory_space<hbm>> -> memref<512x768xf32, #tpu.memory_space<hbm>>
    tpu.wait_indirect_dma semaphore(%arg9 : memref<!tpu.dma_semaphore, #tpu.memory_space<semaphore_mem>>) src(%dma_wait3A_317 : memref<512x768xf32, #tpu.memory_space<hbm>>) dst(%arg7 : memref<64x768xf32, #tpu.memory_space<vmem>>)
    %add3A_318 = arith.constant 960 : i32
    %add3A_319 = arith.addi %mul3A_4, %add3A_318 : i32
    %dma_start3A_320 = arith.constant 0 : i32
    %dma_start3A_321 = tpu.memref_slice %arg4[%add3A_319, %dma_start3A_320] : memref<36864x768xf32, #tpu.memory_space<hbm>> -> memref<64x768xf32, #tpu.memory_space<hbm>>
    %dma_start3A_322 = arith.constant 0 : i32
    %dma_start3A_323 = tpu.memref_slice %arg4[%add3A_319, %dma_start3A_322] : memref<36864x768xf32, #tpu.memory_space<hbm>> -> memref<64x768xf32, #tpu.memory_space<hbm>>
    tpu.enqueue_dma source(%arg7 : memref<64x768xf32, #tpu.memory_space<vmem>>) target(%dma_start3A_323 : memref<64x768xf32, #tpu.memory_space<hbm>>) target_semaphore(%arg11 : memref<!tpu.dma_semaphore, #tpu.memory_space<semaphore_mem>>)
    %dma_wait3A_324 = arith.constant 0 : i32
    %dma_wait3A_325 = tpu.memref_slice %arg4[%add3A_319, %dma_wait3A_324] : memref<36864x768xf32, #tpu.memory_space<hbm>> -> memref<64x768xf32, #tpu.memory_space<hbm>>
    %dma_wait3A_326 = arith.constant 0 : i32
    %dma_wait3A_327 = tpu.memref_slice %arg4[%add3A_319, %dma_wait3A_326] : memref<36864x768xf32, #tpu.memory_space<hbm>> -> memref<64x768xf32, #tpu.memory_space<hbm>>
    tpu.wait_dma2 semaphore(%arg11 : memref<!tpu.dma_semaphore, #tpu.memory_space<semaphore_mem>>) src(%arg7 : memref<64x768xf32, #tpu.memory_space<vmem>>) dst(%dma_wait3A_327 : memref<64x768xf32, #tpu.memory_space<hbm>>)
    %dma_start3A_328 = arith.constant 1088 : i32
    %dma_start3A_329 = tpu.memref_slice %arg5[%dma_start3A_328] : memref<1152xi32, #tpu.memory_space<vmem>> -> memref<64xi32, #tpu.memory_space<vmem>>
    %dma_start3A_330 = arith.constant 0 : i32
    %dma_start3A_331 = arith.constant 0 : i32
    %dma_start3A_332 = tpu.memref_slice %arg2[%dma_start3A_330, %dma_start3A_331] : memref<512x768xf32, #tpu.memory_space<hbm>> -> memref<512x768xf32, #tpu.memory_space<hbm>>
    tpu.enqueue_indirect_dma source(%dma_start3A_332 : memref<512x768xf32, #tpu.memory_space<hbm>>) target(%arg7 : memref<64x768xf32, #tpu.memory_space<vmem>>) offsets(%dma_start3A_329 : memref<64xi32, #tpu.memory_space<vmem>>) semaphore(%arg9 : memref<!tpu.dma_semaphore, #tpu.memory_space<semaphore_mem>>)
    %dma_wait3A_333 = arith.constant 1024 : i32
    %dma_wait3A_334 = tpu.memref_slice %arg5[%dma_wait3A_333] : memref<1152xi32, #tpu.memory_space<vmem>> -> memref<64xi32, #tpu.memory_space<vmem>>
    %dma_wait3A_335 = arith.constant 0 : i32
    %dma_wait3A_336 = arith.constant 0 : i32
    %dma_wait3A_337 = tpu.memref_slice %arg2[%dma_wait3A_335, %dma_wait3A_336] : memref<512x768xf32, #tpu.memory_space<hbm>> -> memref<512x768xf32, #tpu.memory_space<hbm>>
    tpu.wait_indirect_dma semaphore(%arg8 : memref<!tpu.dma_semaphore, #tpu.memory_space<semaphore_mem>>) src(%dma_wait3A_337 : memref<512x768xf32, #tpu.memory_space<hbm>>) dst(%arg6 : memref<64x768xf32, #tpu.memory_space<vmem>>)
    %add3A_338 = arith.constant 1024 : i32
    %add3A_339 = arith.addi %mul3A_4, %add3A_338 : i32
    %dma_start3A_340 = arith.constant 0 : i32
    %dma_start3A_341 = tpu.memref_slice %arg4[%add3A_339, %dma_start3A_340] : memref<36864x768xf32, #tpu.memory_space<hbm>> -> memref<64x768xf32, #tpu.memory_space<hbm>>
    %dma_start3A_342 = arith.constant 0 : i32
    %dma_start3A_343 = tpu.memref_slice %arg4[%add3A_339, %dma_start3A_342] : memref<36864x768xf32, #tpu.memory_space<hbm>> -> memref<64x768xf32, #tpu.memory_space<hbm>>
    tpu.enqueue_dma source(%arg6 : memref<64x768xf32, #tpu.memory_space<vmem>>) target(%dma_start3A_343 : memref<64x768xf32, #tpu.memory_space<hbm>>) target_semaphore(%arg10 : memref<!tpu.dma_semaphore, #tpu.memory_space<semaphore_mem>>)
    %dma_wait3A_344 = arith.constant 1088 : i32
    %dma_wait3A_345 = tpu.memref_slice %arg5[%dma_wait3A_344] : memref<1152xi32, #tpu.memory_space<vmem>> -> memref<64xi32, #tpu.memory_space<vmem>>
    %dma_wait3A_346 = arith.constant 0 : i32
    %dma_wait3A_347 = arith.constant 0 : i32
    %dma_wait3A_348 = tpu.memref_slice %arg2[%dma_wait3A_346, %dma_wait3A_347] : memref<512x768xf32, #tpu.memory_space<hbm>> -> memref<512x768xf32, #tpu.memory_space<hbm>>
    tpu.wait_indirect_dma semaphore(%arg9 : memref<!tpu.dma_semaphore, #tpu.memory_space<semaphore_mem>>) src(%dma_wait3A_348 : memref<512x768xf32, #tpu.memory_space<hbm>>) dst(%arg7 : memref<64x768xf32, #tpu.memory_space<vmem>>)
    %add3A_349 = arith.constant 1088 : i32
    %add3A_350 = arith.addi %mul3A_4, %add3A_349 : i32
    %dma_start3A_351 = arith.constant 0 : i32
    %dma_start3A_352 = tpu.memref_slice %arg4[%add3A_350, %dma_start3A_351] : memref<36864x768xf32, #tpu.memory_space<hbm>> -> memref<64x768xf32, #tpu.memory_space<hbm>>
    %dma_start3A_353 = arith.constant 0 : i32
    %dma_start3A_354 = tpu.memref_slice %arg4[%add3A_350, %dma_start3A_353] : memref<36864x768xf32, #tpu.memory_space<hbm>> -> memref<64x768xf32, #tpu.memory_space<hbm>>
    tpu.enqueue_dma source(%arg7 : memref<64x768xf32, #tpu.memory_space<vmem>>) target(%dma_start3A_354 : memref<64x768xf32, #tpu.memory_space<hbm>>) target_semaphore(%arg11 : memref<!tpu.dma_semaphore, #tpu.memory_space<semaphore_mem>>)
    %dma_wait3A_355 = arith.constant 0 : i32
    %dma_wait3A_356 = tpu.memref_slice %arg4[%add3A_339, %dma_wait3A_355] : memref<36864x768xf32, #tpu.memory_space<hbm>> -> memref<64x768xf32, #tpu.memory_space<hbm>>
    %dma_wait3A_357 = arith.constant 0 : i32
    %dma_wait3A_358 = tpu.memref_slice %arg4[%add3A_339, %dma_wait3A_357] : memref<36864x768xf32, #tpu.memory_space<hbm>> -> memref<64x768xf32, #tpu.memory_space<hbm>>
    tpu.wait_dma2 semaphore(%arg10 : memref<!tpu.dma_semaphore, #tpu.memory_space<semaphore_mem>>) src(%arg6 : memref<64x768xf32, #tpu.memory_space<vmem>>) dst(%dma_wait3A_358 : memref<64x768xf32, #tpu.memory_space<hbm>>)
    %dma_wait3A_359 = arith.constant 0 : i32
    %dma_wait3A_360 = tpu.memref_slice %arg4[%add3A_350, %dma_wait3A_359] : memref<36864x768xf32, #tpu.memory_space<hbm>> -> memref<64x768xf32, #tpu.memory_space<hbm>>
    %dma_wait3A_361 = arith.constant 0 : i32
    %dma_wait3A_362 = tpu.memref_slice %arg4[%add3A_350, %dma_wait3A_361] : memref<36864x768xf32, #tpu.memory_space<hbm>> -> memref<64x768xf32, #tpu.memory_space<hbm>>
    tpu.wait_dma2 semaphore(%arg11 : memref<!tpu.dma_semaphore, #tpu.memory_space<semaphore_mem>>) src(%arg7 : memref<64x768xf32, #tpu.memory_space<vmem>>) dst(%dma_wait3A_362 : memref<64x768xf32, #tpu.memory_space<hbm>>)
    return
  }
}

module attributes {stable_mosaic.version = 14 : i64} {
  func.func @_enc_vq_body(%arg0: i32, %arg1: memref<512x768xf32, #tpu.memory_space<vmem>>, %arg2: memref<768x512xf32, #tpu.memory_space<vmem>>, %arg3: memref<1x512xf32, #tpu.memory_space<vmem>>, %arg4: memref<512x256xf32, #tpu.memory_space<vmem>>, %arg5: memref<1x256xf32, #tpu.memory_space<vmem>>, %arg6: memref<512x256xf32, #tpu.memory_space<vmem>>, %arg7: memref<1x1x512xi32, #tpu.memory_space<vmem>>, %arg8: memref<1x1xf32, #tpu.memory_space<vmem>>) attributes {dimension_semantics = [#tpu.dimension_semantics<arbitrary>], iteration_bounds = array<i64: 72>, scalar_prefetch = 0 : i64, scratch_operands = 0 : i64, tpu.core_type = #tpu.core_type<tc>, window_params = [{transform_indices = @transform_0, window_bounds = array<i64: 512, 768>}, {pipeline_mode = #tpu.pipeline_mode<synchronous>, transform_indices = @transform_1, window_bounds = array<i64: 768, 512>}, {pipeline_mode = #tpu.pipeline_mode<synchronous>, transform_indices = @transform_2, window_bounds = array<i64: 1, 512>}, {pipeline_mode = #tpu.pipeline_mode<synchronous>, transform_indices = @transform_3, window_bounds = array<i64: 512, 256>}, {pipeline_mode = #tpu.pipeline_mode<synchronous>, transform_indices = @transform_4, window_bounds = array<i64: 1, 256>}, {pipeline_mode = #tpu.pipeline_mode<synchronous>, transform_indices = @transform_5, window_bounds = array<i64: 512, 256>}, {transform_indices = @transform_6, window_bounds = array<i64: 1, 1, 512>}, {pipeline_mode = #tpu.pipeline_mode<synchronous>, transform_indices = @transform_7, window_bounds = array<i64: 1, 1>}]} {
    %get3A = arith.constant 0 : index
    %get3A_0 = arith.constant 0 : index
    %get3A_1 = vector.load %arg1[%get3A, %get3A_0] : memref<512x768xf32, #tpu.memory_space<vmem>>, vector<512x768xf32>
    %get3A_2 = arith.constant 0 : index
    %get3A_3 = arith.constant 0 : index
    %get3A_4 = vector.load %arg2[%get3A_2, %get3A_3] : memref<768x512xf32, #tpu.memory_space<vmem>>, vector<768x512xf32>
    %dot_general3A = arith.constant dense<0.000000e+00> : vector<512x512xf32>
    %dot_general3A_5 = tpu.matmul %get3A_1, %get3A_4, %dot_general3A {dimension_numbers = #tpu.dot_dimension_numbers<[1], [0], [0], [1], [0, 0, 1, 1], [], []>, transpose_lhs_hint = false} : vector<512x768xf32>, vector<768x512xf32>, vector<512x512xf32> -> vector<512x512xf32>
    %get3A_6 = arith.constant 0 : index
    %get3A_7 = arith.constant 0 : index
    %get3A_8 = vector.load %arg3[%get3A_6, %get3A_7] : memref<1x512xf32, #tpu.memory_space<vmem>>, vector<1x512xf32>
    %add3A = vector.broadcast %get3A_8 : vector<1x512xf32> to vector<512x512xf32>
    %add3A_9 = arith.addf %dot_general3A_5, %add3A : vector<512x512xf32>
    %max3A = arith.constant 0.000000e+00 : f32
    %max3A_10 = vector.broadcast %max3A : f32 to vector<512x512xf32>
    %max3A_11 = arith.maximumf %add3A_9, %max3A_10 : vector<512x512xf32>
    %get3A_12 = arith.constant 0 : index
    %get3A_13 = arith.constant 0 : index
    %get3A_14 = vector.load %arg4[%get3A_12, %get3A_13] : memref<512x256xf32, #tpu.memory_space<vmem>>, vector<512x256xf32>
    %dot_general3A_15 = arith.constant dense<0.000000e+00> : vector<512x256xf32>
    %dot_general3A_16 = tpu.matmul %max3A_11, %get3A_14, %dot_general3A_15 {dimension_numbers = #tpu.dot_dimension_numbers<[1], [0], [0], [1], [0, 0, 1, 1], [], []>, transpose_lhs_hint = false} : vector<512x512xf32>, vector<512x256xf32>, vector<512x256xf32> -> vector<512x256xf32>
    %get3A_17 = arith.constant 0 : index
    %get3A_18 = arith.constant 0 : index
    %get3A_19 = vector.load %arg5[%get3A_17, %get3A_18] : memref<1x256xf32, #tpu.memory_space<vmem>>, vector<1x256xf32>
    %add3A_20 = vector.broadcast %get3A_19 : vector<1x256xf32> to vector<512x256xf32>
    %add3A_21 = arith.addf %dot_general3A_16, %add3A_20 : vector<512x256xf32>
    %get3A_22 = arith.constant 0 : index
    %get3A_23 = arith.constant 0 : index
    %get3A_24 = vector.load %arg6[%get3A_22, %get3A_23] : memref<512x256xf32, #tpu.memory_space<vmem>>, vector<512x256xf32>
    %dot_general3A_25 = arith.constant dense<0.000000e+00> : vector<512x512xf32>
    %dot_general3A_26 = tpu.matmul %add3A_21, %get3A_24, %dot_general3A_25 {dimension_numbers = #tpu.dot_dimension_numbers<[1], [1], [0], [0], [0, 0, 1, 0], [], []>, transpose_lhs_hint = false} : vector<512x256xf32>, vector<512x256xf32>, vector<512x512xf32> -> vector<512x512xf32>
    %mul3A = arith.mulf %get3A_24, %get3A_24 : vector<512x256xf32>
    %reduce_sum3A = arith.constant dense<0.000000e+00> : vector<512xf32>
    %reduce_sum3A_27 = vector.multi_reduction <add>, %mul3A, %reduce_sum3A [1] : vector<512x256xf32> to vector<512xf32>
    %mul3A_28 = arith.mulf %add3A_21, %add3A_21 : vector<512x256xf32>
    %reduce_sum3A_29 = arith.constant dense<0.000000e+00> : vector<512xf32>
    %reduce_sum3A_30 = vector.multi_reduction <add>, %mul3A_28, %reduce_sum3A_29 [1] : vector<512x256xf32> to vector<512xf32>
    %broadcast_in_dim3A = vector.shape_cast %reduce_sum3A_30 : vector<512xf32> to vector<512x1xf32>
    %mul3A_31 = arith.constant 2.000000e+00 : f32
    %mul3A_32 = vector.broadcast %mul3A_31 : f32 to vector<512x512xf32>
    %mul3A_33 = arith.mulf %mul3A_32, %dot_general3A_26 : vector<512x512xf32>
    %sub3A = vector.broadcast %broadcast_in_dim3A : vector<512x1xf32> to vector<512x512xf32>
    %sub3A_34 = arith.subf %sub3A, %mul3A_33 : vector<512x512xf32>
    %broadcast_in_dim3A_35 = vector.shape_cast %reduce_sum3A_27 : vector<512xf32> to vector<1x512xf32>
    %add3A_36 = vector.broadcast %broadcast_in_dim3A_35 : vector<1x512xf32> to vector<512x512xf32>
    %add3A_37 = arith.addf %sub3A_34, %add3A_36 : vector<512x512xf32>
    %reduce_min3A = arith.constant dense<0x7F800000> : vector<512xf32>
    %reduce_min3A_38 = vector.multi_reduction <minimumf>, %add3A_37, %reduce_min3A [1] : vector<512x512xf32> to vector<512xf32>
    %broadcast_in_dim3A_39 = vector.shape_cast %reduce_min3A_38 : vector<512xf32> to vector<512x1xf32>
    %iota3A = tpu.iota {dimensions = array<i32: 1>} : vector<512x512xi32>
    %eq3A = vector.broadcast %broadcast_in_dim3A_39 : vector<512x1xf32> to vector<512x512xf32>
    %eq3A_40 = arith.cmpf oeq, %add3A_37, %eq3A : vector<512x512xf32>
    %jit3A = arith.constant 512 : i32
    %broadcast_in_dim3A_41 = vector.broadcast %jit3A : i32 to vector<512x512xi32>
    %select_n3A = arith.select %eq3A_40, %iota3A, %broadcast_in_dim3A_41 : vector<512x512xi1>, vector<512x512xi32>
    %reduce_min3A_42 = arith.constant dense<2147483647> : vector<512xi32>
    %reduce_min3A_43 = vector.multi_reduction <minsi>, %select_n3A, %reduce_min3A_42 [1] : vector<512x512xi32> to vector<512xi32>
    %swap3A = arith.constant 0 : index
    %swap3A_44 = arith.constant 0 : index
    %swap3A_45 = arith.constant 0 : index
    %swap3A_46 = vector.load %arg7[%swap3A, %swap3A_44, %swap3A_45] : memref<1x1x512xi32, #tpu.memory_space<vmem>>, vector<1x1x512xi32>
    %swap3A_47 = vector.shape_cast %swap3A_46 : vector<1x1x512xi32> to vector<512xi32>
    %swap3A_48 = vector.shape_cast %reduce_min3A_43 : vector<512xi32> to vector<1x1x512xi32>
    tpu.vector_store %arg7[%swap3A, %swap3A_44, %swap3A_45], %swap3A_48 {strides = array<i32>} : memref<1x1x512xi32, #tpu.memory_space<vmem>>, vector<1x1x512xi32>,
    %reduce_sum3A_49 = vector.shape_cast %broadcast_in_dim3A_39 : vector<512x1xf32> to vector<1x512x1xf32>
    %reduce_sum3A_50 = arith.constant dense<0.000000e+00> : vector<1xf32>
    %reduce_sum3A_51 = vector.multi_reduction <add>, %reduce_sum3A_49, %reduce_sum3A_50 [1, 2] : vector<1x512x1xf32> to vector<1xf32>
    %reduce_sum3A_52 = vector.shape_cast %reduce_sum3A_51 : vector<1xf32> to vector<1x1x1xf32>
    %reduce_sum3A_53 = vector.extract %reduce_sum3A_52[0, 0, 0] : f32 from vector<1x1x1xf32>
    %eq3A_54 = arith.constant 0 : i32
    %eq3A_55 = arith.cmpi eq, %arg0, %eq3A_54 : i32
    %get3A_56 = arith.constant 0 : index
    %get3A_57 = arith.constant 0 : index
    %get3A_58 = vector.load %arg8[%get3A_56, %get3A_57] : memref<1x1xf32, #tpu.memory_space<vmem>>, vector<1x1xf32>
    %squeeze3A = vector.extract %get3A_58[0, 0] : f32 from vector<1x1xf32>
    %jit3A_59 = arith.constant 0.000000e+00 : f32
    %select_n3A_60 = arith.select %eq3A_55, %jit3A_59, %squeeze3A : f32
    %add3A_61 = arith.addf %select_n3A_60, %reduce_sum3A_53 : f32
    %eq3A_62 = arith.constant 71 : i32
    %eq3A_63 = arith.cmpi eq, %arg0, %eq3A_62 : i32
    %div3A = arith.constant 0x4B100000 : f32
    %div3A_64 = arith.divf %add3A_61, %div3A : f32
    %select_n3A_65 = arith.select %eq3A_63, %div3A_64, %add3A_61 : f32
    %broadcast_in_dim3A_66 = vector.broadcast %select_n3A_65 : f32 to vector<1x1xf32>
    %swap3A_67 = arith.constant 0 : index
    %swap3A_68 = arith.constant 0 : index
    %swap3A_69 = vector.load %arg8[%swap3A_67, %swap3A_68] : memref<1x1xf32, #tpu.memory_space<vmem>>, vector<1x1xf32>
    tpu.vector_store %arg8[%swap3A_67, %swap3A_68], %broadcast_in_dim3A_66 {strides = array<i32>} : memref<1x1xf32, #tpu.memory_space<vmem>>, vector<1x1xf32>,
    return
  }
  func.func @transform_0(%arg0: i32) -> (i32, i32) {
    %c0_i32 = arith.constant 0 : i32
    %c0_i32_0 = arith.constant 0 : i32
    return %arg0, %c0_i32 : i32, i32
  }
  func.func @transform_1(%arg0: i32) -> (i32, i32) {
    %c0_i32 = arith.constant 0 : i32
    %c0_i32_0 = arith.constant 0 : i32
    %c0_i32_1 = arith.constant 0 : i32
    return %c0_i32, %c0_i32_0 : i32, i32
  }
  func.func @transform_2(%arg0: i32) -> (i32, i32) {
    %c0_i32 = arith.constant 0 : i32
    %c0_i32_0 = arith.constant 0 : i32
    %c0_i32_1 = arith.constant 0 : i32
    return %c0_i32, %c0_i32_0 : i32, i32
  }
  func.func @transform_3(%arg0: i32) -> (i32, i32) {
    %c0_i32 = arith.constant 0 : i32
    %c0_i32_0 = arith.constant 0 : i32
    %c0_i32_1 = arith.constant 0 : i32
    return %c0_i32, %c0_i32_0 : i32, i32
  }
  func.func @transform_4(%arg0: i32) -> (i32, i32) {
    %c0_i32 = arith.constant 0 : i32
    %c0_i32_0 = arith.constant 0 : i32
    %c0_i32_1 = arith.constant 0 : i32
    return %c0_i32, %c0_i32_0 : i32, i32
  }
  func.func @transform_5(%arg0: i32) -> (i32, i32) {
    %c0_i32 = arith.constant 0 : i32
    %c0_i32_0 = arith.constant 0 : i32
    %c0_i32_1 = arith.constant 0 : i32
    return %c0_i32, %c0_i32_0 : i32, i32
  }
  func.func @transform_6(%arg0: i32) -> (i32, i32, i32) {
    %c0_i32 = arith.constant 0 : i32
    %c0_i32_0 = arith.constant 0 : i32
    %c0_i32_1 = arith.constant 0 : i32
    return %arg0, %c0_i32, %c0_i32_0 : i32, i32, i32
  }
  func.func @transform_7(%arg0: i32) -> (i32, i32) {
    %c0_i32 = arith.constant 0 : i32
    %c0_i32_0 = arith.constant 0 : i32
    %c0_i32_1 = arith.constant 0 : i32
    return %c0_i32, %c0_i32_0 : i32, i32
  }
}

module attributes {stable_mosaic.version = 14 : i64} {
  func.func @_dec_cb_body(%arg0: memref<512x256xf32, #tpu.memory_space<vmem>>, %arg1: memref<256x512xf32, #tpu.memory_space<vmem>>, %arg2: memref<1x512xf32, #tpu.memory_space<vmem>>, %arg3: memref<512x768xf32, #tpu.memory_space<vmem>>, %arg4: memref<1x768xf32, #tpu.memory_space<vmem>>, %arg5: memref<512x768xf32, #tpu.memory_space<vmem>>) attributes {dimension_semantics = [], scalar_prefetch = 0 : i64, scratch_operands = 0 : i64, tpu.core_type = #tpu.core_type<tc>} {
    %get3A = arith.constant 0 : index
    %get3A_0 = arith.constant 0 : index
    %get3A_1 = vector.load %arg0[%get3A, %get3A_0] : memref<512x256xf32, #tpu.memory_space<vmem>>, vector<512x256xf32>
    %get3A_2 = arith.constant 0 : index
    %get3A_3 = arith.constant 0 : index
    %get3A_4 = vector.load %arg1[%get3A_2, %get3A_3] : memref<256x512xf32, #tpu.memory_space<vmem>>, vector<256x512xf32>
    %dot_general3A = arith.constant dense<0.000000e+00> : vector<512x512xf32>
    %dot_general3A_5 = tpu.matmul %get3A_1, %get3A_4, %dot_general3A {dimension_numbers = #tpu.dot_dimension_numbers<[1], [0], [0], [1], [0, 0, 1, 1], [], []>, transpose_lhs_hint = false} : vector<512x256xf32>, vector<256x512xf32>, vector<512x512xf32> -> vector<512x512xf32>
    %get3A_6 = arith.constant 0 : index
    %get3A_7 = arith.constant 0 : index
    %get3A_8 = vector.load %arg2[%get3A_6, %get3A_7] : memref<1x512xf32, #tpu.memory_space<vmem>>, vector<1x512xf32>
    %add3A = vector.broadcast %get3A_8 : vector<1x512xf32> to vector<512x512xf32>
    %add3A_9 = arith.addf %dot_general3A_5, %add3A : vector<512x512xf32>
    %max3A = arith.constant 0.000000e+00 : f32
    %max3A_10 = vector.broadcast %max3A : f32 to vector<512x512xf32>
    %max3A_11 = arith.maximumf %add3A_9, %max3A_10 : vector<512x512xf32>
    %get3A_12 = arith.constant 0 : index
    %get3A_13 = arith.constant 0 : index
    %get3A_14 = vector.load %arg3[%get3A_12, %get3A_13] : memref<512x768xf32, #tpu.memory_space<vmem>>, vector<512x768xf32>
    %dot_general3A_15 = arith.constant dense<0.000000e+00> : vector<512x768xf32>
    %dot_general3A_16 = tpu.matmul %max3A_11, %get3A_14, %dot_general3A_15 {dimension_numbers = #tpu.dot_dimension_numbers<[1], [0], [0], [1], [0, 0, 1, 1], [], []>, transpose_lhs_hint = false} : vector<512x512xf32>, vector<512x768xf32>, vector<512x768xf32> -> vector<512x768xf32>
    %get3A_17 = arith.constant 0 : index
    %get3A_18 = arith.constant 0 : index
    %get3A_19 = vector.load %arg4[%get3A_17, %get3A_18] : memref<1x768xf32, #tpu.memory_space<vmem>>, vector<1x768xf32>
    %add3A_20 = vector.broadcast %get3A_19 : vector<1x768xf32> to vector<512x768xf32>
    %add3A_21 = arith.addf %dot_general3A_16, %add3A_20 : vector<512x768xf32>
    %swap3A = arith.constant 0 : index
    %swap3A_22 = arith.constant 0 : index
    %swap3A_23 = vector.load %arg5[%swap3A, %swap3A_22] : memref<512x768xf32, #tpu.memory_space<vmem>>, vector<512x768xf32>
    tpu.vector_store %arg5[%swap3A, %swap3A_22], %add3A_21 {strides = array<i32>} : memref<512x768xf32, #tpu.memory_space<vmem>>, vector<512x768xf32>,
    return
  }
}

</mosaic_0001>

<sc_bundles>
// kernel: kernel.5.cloned.1.call-start
scs
__scs_entry_jumppad:
0x0: {  	(pc) =	sbr.rel $0x88, $3  }
0x1: {  	(tag) =	ssettag $0x0;
	lr =	simm.s32 $0x1  }
0x2: {  	[smem:$0x3F97] =	sst lr;
	_ =	strace $0xD0000000  }
0x3: {  	_ = 	snop  }
0x4: {  	_ = 	snop  }
0x5: {  	_ = 	snop  }
0x6: {  	_ = 	snop  }
0x7: {  	_ = 	snop  }
__scs_overlays_trampoline_lowered:
0x8: {  	[smem:$0x3FA6] =	sst s0  }
0x9: {  	[smem:$0x3FA7] =	sst s1  }
0xa: {  	[smem:$0x3FA8] =	sst s2  }
0xb: {  	[smem:$0x3FA9] =	sst s3  }
0xc: {  	[smem:$0x3FAA] =	sst s4  }
0xd: {  	[smem:$0x3FAB] =	sst s5  }
0xe: {  	[smem:$0x3FAC] =	sst s6  }
0xf: {  	[smem:$0x3FAD] =	sst s7  }
0x10: {  	[smem:$0x3FAE] =	sst s8  }
0x11: {  	[smem:$0x3FAF] =	sst s9;
	s0 =	simm.s32 @!p0 $0x0  }
0x12: {  	s1 =	sld [smem:$0x3F95];
	s0 =	simm.s32 @p0 $0x1  }
0x13: {  	[smem:$0x3FB0] =	sst s0;
	s0 =	simm.s32 @!p1 $0x0  }
0x14: {  	s2 =	sld [smem:$0x3F94];
	s0 =	simm.s32 @p1 $0x1  }
0x15: {  	[smem:$0x3FB1] =	sst s0;
	s0 =	simm.s32 @!p2 $0x0  }
0x16: {  	s3 =	sld [smem:$0x3FDB];
	s0 =	simm.s32 @p2 $0x1  }
0x17: {  	s4 =	simm.s32 $0x1BF5;
	[smem:$0x3FB3] =	sst s0  }
0x18: {  	s0 =	sld [smem:$0x3F96];
	_ =	swait.ge [sflag:s4], $0x0  }
0x19: {  	s7 =	sld [smem:$0x3F97]  }
0x1a: {  	s8 =	sadd.s32 $0xFFFFE003, lr  }
0x1b: {  	s9 =	sadd.s32 $0xFFFFFEF7, lr;
	s5 =	simm.s32 $0xFFFFFFFF;
	p2 =	slt.u32 s8, $0xFFFFF086  }
0x1c: {  	p1 =	slt.u32 s9, $0xF7A;
	s5 =	simm.s32 @!p2 $0x0  }
0x1d: {  	s5 =	simm.s32 @p1 $0x1;
	p0 =	seq.s32 s7, s2  }
0x1e: {  	s7 =	smul.u32 @!p0 $0xF7A, s2;
	p2 =	seq.s32 @!p0 s5, $0x0  }
0x1f: {  	s9 =	smul.u32 $0xF7A, s1;
	s8 =	simm.s32 @!p0 $0x1BF5;
	p2 =	por !p2, p0  }
0x20: {  	[sflag:s8] =	ssyncset.s32 @!p0 $0xFFFFF086;
	s6 =	sadd.s32 @!p0 s3, s7;
	s7 =	simm.s32 @!p0 $0x108  }
0x21: {  	s3 =	sadd.s32 s3, s9;
	s6 =	sadd.s32 @!p0 $0x88, s6;
	s7 =	simm.s32 @p2 $0x1082  }
0x22: {  	[simem:s7], [sflag:s8] =	dma.local @!p0 [hbm:s6], $0xF7A  }
0x23: {  	s9 =	sor.u32 $0xD0000000, s2;
	s6 =	simm.s32 $0x108;
	_ =	swait.ge @!p0 [sflag:s8], $0x0  }
0x24: {  	s3 =	sadd.s32 $0x88, s3;
	s6 =	simm.s32 @!p1 $0x1082;
	[sflag:s4] =	ssyncset.s32 $0xFFFFF086  }
0x25: {  	[simem:s6], [sflag:s4] =	dma.local [hbm:s3], $0xF7A  }
0x26: {  	[smem:$0x3F97] =	sst s1;
	(tag) =	ssettag s2;
	_ =	strace s9  }
0x27: {  	s1 =	sld [smem:$0x3FA7]  }
0x28: {  	s2 =	sld [smem:$0x3FA8]  }
0x29: {  	s4 =	sld [smem:$0x3FAA]  }
0x2a: {  	p0 =	seq.s32 s5, $0x0;
	s5 =	sld [smem:$0x3FAB]  }
0x2b: {  	s6 =	sld [smem:$0x3FAC]  }
0x2c: {  	s7 =	sld [smem:$0x3FAD]  }
0x2d: {  	s3 =	simm.s32 $0x108;
	s8 =	sld [smem:$0x3FAE]  }
0x2e: {  	s3 =	simm.s32 @!p0 $0x1082;
	s9 =	sld [smem:$0x3FAF]  }
0x2f: {  	lr =	sadd.s32 s0, s3;
	s0 =	sld [smem:$0x3FA6]  }
0x30: {  	s3 =	sld [smem:$0x3FA9]  }
0x31: {  	[smem:$0x3FB2] =	sst s10  }
0x32: {  	s10 =	sld [smem:$0x3FB0];
	_ =	sdelay $0x3  }
0x33: {  	p0 =	seq.s32 s10, $0x1;
	s10 =	sld [smem:$0x3FB2];
	_ =	sdelay $0x3  }
0x34: {  	[smem:$0x3FB2] =	sst s10  }
0x35: {  	s10 =	sld [smem:$0x3FB1];
	_ =	sdelay $0x3  }
0x36: {  	p1 =	seq.s32 s10, $0x1;
	s10 =	sld [smem:$0x3FB2];
	_ =	sdelay $0x3  }
0x37: {  	[smem:$0x3FB2] =	sst s10  }
0x38: {  	s10 =	sld [smem:$0x3FB3]  }
0x39: {  	_ = 	snop;
	(pc) =	sbr.ind lr, $3  }
0x3a: {  	_ = 	snop  }
0x3b: {  	_ = 	snop  }
0x3c: {  	p2 =	seq.s32 s10, $0x1;
	s10 =	sld [smem:$0x3FB2]  }
0x3d: {  	_ =	shalt  }
0x3e: {  	_ =	shalt  }
0x3f: {  	_ =	shalt  }
0x40: {  	_ =	shalt  }
0x41: {  	_ =	shalt  }
0x42: {  	_ =	shalt  }
0x43: {  	_ =	shalt  }
0x44: {  	_ =	shalt  }
0x45: {  	_ =	shalt  }
0x46: {  	_ =	shalt  }
0x47: {  	_ =	shalt  }
0x48: {  	_ =	shalt  }
0x49: {  	_ =	shalt  }
0x4a: {  	_ =	shalt  }
0x4b: {  	_ =	shalt  }
0x4c: {  	_ =	shalt  }
0x4d: {  	_ =	shalt  }
0x4e: {  	_ =	shalt  }
0x4f: {  	_ =	shalt  }
0x50: {  	_ =	shalt  }
0x51: {  	_ =	shalt  }
0x52: {  	_ =	shalt  }
0x53: {  	_ =	shalt  }
0x54: {  	_ =	shalt  }
0x55: {  	_ =	shalt  }
0x56: {  	_ =	shalt  }
0x57: {  	_ =	shalt  }
0x58: {  	_ =	shalt  }
0x59: {  	_ =	shalt  }
0x5a: {  	_ =	shalt  }
0x5b: {  	_ =	shalt  }
0x5c: {  	_ =	shalt  }
0x5d: {  	_ =	shalt  }
0x5e: {  	_ =	shalt  }
0x5f: {  	_ =	shalt  }
0x60: {  	_ =	shalt  }
0x61: {  	_ =	shalt  }
0x62: {  	_ =	shalt  }
0x63: {  	_ =	shalt  }
0x64: {  	_ =	shalt  }
0x65: {  	_ =	shalt  }
0x66: {  	_ =	shalt  }
0x67: {  	_ =	shalt  }
0x68: {  	_ =	shalt  }
0x69: {  	_ =	shalt  }
0x6a: {  	_ =	shalt  }
0x6b: {  	_ =	shalt  }
0x6c: {  	_ =	shalt  }
0x6d: {  	_ =	shalt  }
0x6e: {  	_ =	shalt  }
0x6f: {  	_ =	shalt  }
0x70: {  	_ =	shalt  }
0x71: {  	_ =	shalt  }
0x72: {  	_ =	shalt  }
0x73: {  	_ =	shalt  }
0x74: {  	_ =	shalt  }
0x75: {  	_ =	shalt  }
0x76: {  	_ =	shalt  }
0x77: {  	_ =	shalt  }
0x78: {  	_ =	shalt  }
0x79: {  	_ =	shalt  }
0x7a: {  	_ =	shalt  }
0x7b: {  	_ =	shalt  }
0x7c: {  	_ =	shalt  }
0x7d: {  	_ =	shalt  }
0x7e: {  	_ =	shalt  }
0x7f: {  	_ =	shalt  }
0x80: {  	_ =	shalt  }
0x81: {  	_ =	shalt  }
0x82: {  	_ =	shalt  }
0x83: {  	_ =	shalt  }
0x84: {  	_ =	shalt  }
0x85: {  	_ =	shalt  }
0x86: {  	_ =	shalt  }
0x87: {  	_ =	shalt  }
.Lfunc_end0:
.L_simem_size_0:
called_computation_lowered:
.L_overlay_start_0:
0x88: {  	s2 =	sld [smem:$0x3FD9]  }
0x89: {  	s3 =	sld [smem:$0x3FFE];
	_ =	sdelay $0x1  }
0x8a: {  	s1 =	srdreg.scid  }
0x8b: {  	s0 =	sand.u32 $0x1, s1  }
0x8c: {  	s14 =	sshll.u32 s0, $0xA;
	s2 =	sadd.s32 s3, s2  }
0x8d: {  	s2 =	sadd.s32 s2, s14  }
0x8e: {  	[smem:$0x3FBE] =	sst s2  }
0x8f: {  	_ = 	snop  }
0x90: {  	s2 =	sld [smem:$0x3FD0];
	_ =	sdelay $0x2  }
0x91: {  	s15 =	simm.s32 $0xA;
	s4 =	simm.s32 $0x10  }
0x92: {  	[smem:s4], [sflag:s15] =	dma.local [hbm:s2], $0x1  }
0x93: {  	_ =	swait.eq [sflag:s15], $0x1  }
0x94: {  	[sflag:s15] =	ssyncset.done $0x0  }
0x95: {  	[sflag:s15] =	ssyncadd.s32 $0xFFFFFFFF  }
0x96: {  	s16 =	sld [smem:$0x10];
	(tm) =	ssettm $0x1  }
0x97: {  	s17 =	sld [smem:$0x3FFB];
	_ =	sdelay $0x3  }
0x98: {  	_ =	strace s17  }
0x99: {  	s3 =	sld [smem:$0x3FFC];
	_ =	sdelay $0x3  }
0x9a: {  	_ =	strace s3  }
0x9b: {  	s3 =	sld [smem:$0x3FFD];
	_ =	sdelay $0x3  }
0x9c: {  	_ =	strace s3  }
0x9d: {  	_ =	strace $0x8FFFFFFF  }
0x9e: {  	s18 =	sld [smem:$0x3FDB];
	_ =	sdelay $0x1  }
0x9f: {  	s19 =	simm.s32 $_scs_section_size  }
0xa0: {  	s5 =	simm.s32 $_size__tile_overlayer_lowered;
	s6 =	simm.s32 $_tile_overlayer_lowered  }
0xa1: {  	s22 =	simm.s32 $0x1BFF;
	s21 =	sshll.u32 s6, $0x1;
	s3 =	sadd.s32 s19, s18  }
0xa2: {  	s7 =	simm.s32 $0x0;
	s20 =	sshll.u32 s5, $0x1;
	s5 =	sadd.s32 s21, s3  }
0xa3: {  	[timem:s7], [sflag:s22] =	dma.local [hbm:s5], s20  }
0xa4: {  	_ =	swait.ge [sflag:s22], s20  }
0xa5: {  	s4 =	ssub.s32 $0x0, s20;
	[sflag:s22] =	ssyncset.done $0x0  }
0xa6: {  	[sflag:s22] =	ssyncadd.s32 s4;
	_ =	sdelay $0x1  }
0xa7: {  	s23 =	simm.s32 $0x1B8B  }
0xa8: {  	_ =	swait.ge [sflag:s23], $0x1  }
0xa9: {  	[sflag:s23] =	ssyncset.done $0x0  }
0xaa: {  	s25 =	simm.s32 $0x1B8E;
	s24 =	sld [smem:$0x3FFE];
	[sflag:s23] =	ssyncadd.s32 $0xFFFFFFFF  }
0xab: {  	s26 =	simm.s32 $execute0_lowered;
	[smem:$0x3FD2] =	sst s25  }
0xac: {  	s5 =	sshll.u32 s26, $0x1;
	_ =	strace $0x80000046;
	[dreg:$0x1] =	wrdreg $0xFFFFFFFF  }
0xad: {  	s28 =	simm.s32 $_size_execute0_lowered;
	s3 =	sadd.s32 s3, s5;
	[dreg:$0x0] =	wrdreg $0x0  }
0xae: {  	s5 =	sshll.u32 s28, $0x1;
	[dreg:$0x2] =	wrdreg s3  }
0xaf: {  	[dreg:$0x3] =	wrdreg s5  }
0xb0: {  	[dreg:$0x4] =	wrdreg $0xC0  }
0xb1: {  	_ =	task [dreg:s7], $0x5FFFF  }
0xb2: {  	[dreg:$0x1] =	wrdreg $0xFFFFFFFF  }
0xb3: {  	[dreg:$0x0] =	wrdreg $0x60  }
0xb4: {  	[dreg:$0x2] =	wrdreg s24  }
0xb5: {  	[dreg:$0x3] =	wrdreg s16  }
0xb6: {  	[dreg:$0x4] =	wrdreg $0x9  }
0xb7: {  	_ =	task.clear_ibuf [dreg:s7], $0x5FFFF;
	_ =	strace $0x90000046  }
0xb8: {  	s29 =	simm.s32 $0x9;
	_ =	strace $0x80000048  }
0xb9: {  	_ =	swait.ge [sflag:s29], $0x1  }
0xba: {  	[sflag:s29] =	ssyncadd.s32 $0xFFFFFFFF  }
0xbb: {  	_ =	strace $0x90000048  }
0xbc: {  	_ =	sfence  }
0xbd: {  	s30 =	sld [smem:$0x0];
	_ =	sdelay $0x2  }
0xbe: {  	s31 =	sshll.u32 s1, $0xD;
	s1 =	sshrl.u32 s1, $0x2  }
0xbf: {  	s3 =	sand.u32 $0x4000, s31;
	s1 =	sadd.s32 s1, s30  }
0xc0: {  	s0 =	sor.u32 s3, s0;
	s1 =	sshll.u32 s1, $0x11  }
0xc1: {  	s0 =	sor.u32 s1, s0  }
0xc2: {  	s0 =	sadd.s32 $0x8F2B, s0  }
0xc3: {  	[sflag:s0] =	ssyncadd.remote.s32 $0x1  }
0xc4: {  	_ =	sfence.sel $0xFFFF  }
0xc5: {  	[dreg:$0x0] =	wrdreg $0xFFFFFFFF;
	(pc) =	sbr.abs _section_cstart, $3  }
0xc6: {  	[dreg:$0x1] =	wrdreg $0xFFFFFFFF  }
0xc7: {  	_ =	task.clear_ibuf [dreg:s7], $0x2FFFF;
	_ =	strace $0x9FFFFFFF  }
0xc8: {  	(tm) =	ssettm $0x7FFFFFFF  }
0xc9: {  	_ =	shalt  }
tec
execute0_lowered:
.L_overlay_start_1:
0x0: {  	(tag) =	ssettag $0x1  }
0x1: {  	s0 =	srdreg.scid;
	s1 =	stileid.u32  }
0x2: {  	s0 =	sand.u32 $0x1, s0;
	s1 =	sshll.u32 s1, $0x1  }
0x3: {  	s1 =	sor.u32 s0, s1  }
0x4: {  	s1 =	smul.u32 $0x480, s1;
	_ =	sdelay $0x1  }
0x5: {  	s3 =	rddreg [dreg:$0x0];
	s1 =	sshrl.u32 s1, $0x3  }
0x6: {  	s4 =	rddreg [dreg:$0x1];
	s5 =	smul.u32 $0x1800, s1  }
0x7: {  	s2 =	simm.s32 $0x0;
	s6 =	sadd.s32 s1, s3;
	s1 =	smul.u32 $0x300, s1  }
0x8: {  	[smem:$0x7FF] =	sst s2;
	s6 =	sadd.s32 $0xDA00, s6  }
0x9: {  	_ =	strace $0x80000047;
	[dreg:$0x3] =	wrdreg s6;
	s12 =	sadd.s32 s4, s1  }
0xa: {  	s14 =	sadd.s32 $0x3000, s12;
	[dreg:$0x15] =	wrdreg s12  }
0xb: {  	s15 =	sadd.s32 $0x4800, s12;
	[dreg:$0x5] =	wrdreg s14  }
0xc: {  	s16 =	sadd.s32 $0x6000, s12;
	[dreg:$0x6] =	wrdreg s15  }
0xd: {  	s17 =	sadd.s32 $0x7800, s12;
	[dreg:$0x7] =	wrdreg s16  }
0xe: {  	s8 =	simm.s32 $0x3;
	s18 =	sadd.s32 $0x9000, s12;
	[dreg:$0x8] =	wrdreg s17  }
0xf: {  	s10 =	simm.s32 $0x2;
	s19 =	sadd.s32 $0xA800, s12;
	[dreg:$0x9] =	wrdreg s18  }
0x10: {  	s11 =	simm.s32 $0x4;
	s20 =	sadd.s32 $0xC000, s12;
	[dreg:$0xa] =	wrdreg s19  }
0x11: {  	s0 =	ssub.s32 $0x2, s0;
	s21 =	sadd.s32 $0xD800, s12;
	[dreg:$0xb] =	wrdreg s20  }
0x12: {  	s29 =	sshrl.u32 s0, $0x1;
	s22 =	sadd.s32 $0xF000, s12;
	[dreg:$0xc] =	wrdreg s21  }
0x13: {  	s0 =	ssub.s32 s0, s29;
	s23 =	sadd.s32 $0x10800, s12;
	[dreg:$0xd] =	wrdreg s22  }
0x14: {  	s5 =	sshrl.u32 s5, $0x3;
	s24 =	sadd.s32 $0x12000, s12;
	[dreg:$0xe] =	wrdreg s23  }
0x15: {  	s6 =	sadd.s32 $0x1C00, s3;
	s25 =	sadd.s32 $0x13800, s12;
	[dreg:$0xf] =	wrdreg s24  }
0x16: {  	s1 =	smax.u32 s0, $0x1;
	s26 =	sadd.s32 $0x15000, s12;
	[dreg:$0x10] =	wrdreg s25  }
0x17: {  	s0 =	simm.s32 $0x1;
	s28 =	sadd.s32 $0x16800, s12;
	[dreg:$0x11] =	wrdreg s26  }
0x18: {  	s5 =	sadd.s32 s4, s5;
	s30 =	sadd.s32 $0x18000, s12;
	[dreg:$0x12] =	wrdreg s28  }
0x19: {  	v2 =	vlaneseq.u32;
	s4 =	sadd.s32 $0x1A00, s3;
	s31 =	sadd.s32 $0x19800, s12;
	[dreg:$0x13] =	wrdreg s30  }
0x1a: {  	vm0 =	vmmov $0xffff;
	v1 =	vshrl.u32 v2, $0x3;
	s13 =	sadd.s32 $0x1800, s5;
	s5 =	sadd.s32 $0x1B00, s3;
	[dreg:$0x14] =	wrdreg s31  }
0x1b: {  	v0 =	vand.u32 $0x7, v2;
	v2 =	vor.u32 $0x8, v2;
	v1 =	vmul.u32 $0x8, v1;
	s14 =	simm.s32 $0x480;
	s3 =	simm.s32 $0xC480;
	[dreg:$0x4] =	wrdreg s13  }
.LBB2_1:
0x1c: {  	[dreg:$0x16] =	wrdreg s1  }
0x1d: {  	s12 =	rddreg [dreg:$0x3];
	s16 =	simm.s32 $0x5  }
0x1e: {  	[tilespmem:s2], [sflag:$0x5] =	stream.linear.gather [hbm4b:s12+s2], $0x480, $0x38;
	[tilespmem:$0x18480] =	vst v63  }
0x1f: {  	_ =	swait.ge [sflag:s16], $0x480  }
0x20: {  	[sflag:s16] =	ssyncset.done $0x0  }
0x21: {  	[sflag:s16] =	ssyncadd.s32 $0xFFFFFB80  }
0x22: {  	v3 =	vld [tilespmem:$0x0];
	_ =	sdelay $0x4  }
0x23: {  	v4 =	vshrl.u32 v3, $0x3  }
0x24: {  	v4 =	vmul.u32 $0x30, v4  }
0x25: {  	v3 =	vand.u32 $0x7, v3  }
0x26: {  	v3 =	vor.u32 v3, v4  }
0x27: {  	v4 =	vperm.xlane v3, v0;
	_ =	sdelay $0x1  }
0x28: {  	v4 =	vadd.s32 v1, v4;
	_ =	sdelay $0x3  }
0x29: {  	v3 =	vperm.xlane v3, v2  }
0x2a: {  	[tilespmem:s14], [sflag:$0x1] =	stream.indirect_vreg.gather [hbm4b:s4+s2], $0x80, v4, vm0, $0xb8;
	[tilespmem:$0x18480] =	vst v63  }
0x2b: {  	s17 =	simm.s32 $0xC80;
	v3 =	vadd.s32 v1, v3  }
0x2c: {  	[tilespmem:s17], [sflag:$0x1] =	stream.indirect_vreg.gather [hbm4b:s5+s2], $0x80, v4, vm0, $0xb8;
	[tilespmem:$0x18480] =	vst v63  }
0x2d: {  	s18 =	simm.s32 $0x1480  }
0x2e: {  	[tilespmem:s18], [sflag:$0x1] =	stream.indirect_vreg.gather [hbm4b:s6+s2], $0x80, v4, vm0, $0xb8;
	[tilespmem:$0x18480] =	vst v63  }
0x2f: {  	s19 =	simm.s32 $0x1C80  }
0x30: {  	[tilespmem:s19], [sflag:$0x1] =	stream.indirect_vreg.gather [hbm4b:s4+s2], $0x80, v3, vm0, $0xb8;
	[tilespmem:$0x18480] =	vst v63  }
0x31: {  	s20 =	simm.s32 $0x2480  }
0x32: {  	[tilespmem:s20], [sflag:$0x1] =	stream.indirect_vreg.gather [hbm4b:s5+s2], $0x80, v3, vm0, $0xb8;
	[tilespmem:$0x18480] =	vst v63  }
0x33: {  	s21 =	simm.s32 $0x2C80  }
0x34: {  	[tilespmem:s21], [sflag:$0x1] =	stream.indirect_vreg.gather [hbm4b:s6+s2], $0x80, v3, vm0, $0xb8;
	[tilespmem:$0x18480] =	vst v63  }
0x35: {  	v3 =	vld [tilespmem:$0x10];
	_ =	sdelay $0x4  }
0x36: {  	v49 =	vshrl.u32 v3, $0x3  }
0x37: {  	v4 =	vmul.u32 $0x30, v49  }
0x38: {  	v3 =	vand.u32 $0x7, v3  }
0x39: {  	v3 =	vor.u32 v3, v4  }
0x3a: {  	v4 =	vperm.xlane v3, v0;
	_ =	sdelay $0x1  }
0x3b: {  	v4 =	vadd.s32 v1, v4;
	_ =	sdelay $0x3  }
0x3c: {  	s22 =	simm.s32 $0x3480;
	v3 =	vperm.xlane v3, v2  }
0x3d: {  	[tilespmem:s22], [sflag:$0x1] =	stream.indirect_vreg.gather [hbm4b:s4+s2], $0x80, v4, vm0, $0xb8;
	[tilespmem:$0x18480] =	vst v63  }
0x3e: {  	s23 =	simm.s32 $0x3C80;
	v3 =	vadd.s32 v1, v3  }
0x3f: {  	[tilespmem:s23], [sflag:$0x1] =	stream.indirect_vreg.gather [hbm4b:s5+s2], $0x80, v4, vm0, $0xb8;
	[tilespmem:$0x18480] =	vst v63  }
0x40: {  	s24 =	simm.s32 $0x4480  }
0x41: {  	[tilespmem:s24], [sflag:$0x1] =	stream.indirect_vreg.gather [hbm4b:s6+s2], $0x80, v4, vm0, $0xb8;
	[tilespmem:$0x18480] =	vst v63  }
0x42: {  	s25 =	simm.s32 $0x4C80  }
0x43: {  	[tilespmem:s25], [sflag:$0x1] =	stream.indirect_vreg.gather [hbm4b:s4+s2], $0x80, v3, vm0, $0xb8;
	[tilespmem:$0x18480] =	vst v63  }
0x44: {  	s26 =	simm.s32 $0x5480  }
0x45: {  	[tilespmem:s26], [sflag:$0x1] =	stream.indirect_vreg.gather [hbm4b:s5+s2], $0x80, v3, vm0, $0xb8;
	[tilespmem:$0x18480] =	vst v63  }
0x46: {  	s28 =	simm.s32 $0x5C80  }
0x47: {  	[tilespmem:s28], [sflag:$0x1] =	stream.indirect_vreg.gather [hbm4b:s6+s2], $0x80, v3, vm0, $0xb8;
	[tilespmem:$0x18480] =	vst v63  }
0x48: {  	v3 =	vld [tilespmem:$0x20];
	_ =	sdelay $0x4  }
0x49: {  	v50 =	vshrl.u32 v3, $0x3  }
0x4a: {  	v4 =	vmul.u32 $0x30, v50  }
0x4b: {  	v3 =	vand.u32 $0x7, v3  }
0x4c: {  	v3 =	vor.u32 v3, v4  }
0x4d: {  	v4 =	vperm.xlane v3, v0;
	_ =	sdelay $0x1  }
0x4e: {  	v4 =	vadd.s32 v1, v4;
	_ =	sdelay $0x3  }
0x4f: {  	s29 =	simm.s32 $0x6480;
	v3 =	vperm.xlane v3, v2  }
0x50: {  	[tilespmem:s29], [sflag:$0x1] =	stream.indirect_vreg.gather [hbm4b:s4+s2], $0x80, v4, vm0, $0xb8;
	[tilespmem:$0x18480] =	vst v63  }
0x51: {  	s30 =	simm.s32 $0x6C80;
	v3 =	vadd.s32 v1, v3  }
0x52: {  	[tilespmem:s30], [sflag:$0x1] =	stream.indirect_vreg.gather [hbm4b:s5+s2], $0x80, v4, vm0, $0xb8;
	[tilespmem:$0x18480] =	vst v63  }
0x53: {  	s31 =	simm.s32 $0x7480  }
0x54: {  	[tilespmem:s31], [sflag:$0x1] =	stream.indirect_vreg.gather [hbm4b:s6+s2], $0x80, v4, vm0, $0xb8;
	[tilespmem:$0x18480] =	vst v63  }
0x55: {  	s9 =	simm.s32 $0x7C80  }
0x56: {  	[tilespmem:s9], [sflag:$0x1] =	stream.indirect_vreg.gather [hbm4b:s4+s2], $0x80, v3, vm0, $0xb8;
	[tilespmem:$0x18480] =	vst v63  }
0x57: {  	s12 =	simm.s32 $0x8480  }
0x58: {  	[tilespmem:s12], [sflag:$0x1] =	stream.indirect_vreg.gather [hbm4b:s5+s2], $0x80, v3, vm0, $0xb8;
	[tilespmem:$0x18480] =	vst v63  }
0x59: {  	s15 =	simm.s32 $0x8C80  }
0x5a: {  	[tilespmem:s15], [sflag:$0x1] =	stream.indirect_vreg.gather [hbm4b:s6+s2], $0x80, v3, vm0, $0xb8;
	[tilespmem:$0x18480] =	vst v63  }
0x5b: {  	v3 =	vld [tilespmem:$0x30];
	_ =	sdelay $0x4  }
0x5c: {  	v51 =	vshrl.u32 v3, $0x3  }
0x5d: {  	v4 =	vmul.u32 $0x30, v51  }
0x5e: {  	v3 =	vand.u32 $0x7, v3  }
0x5f: {  	v3 =	vor.u32 v3, v4  }
0x60: {  	v4 =	vperm.xlane v3, v0;
	_ =	sdelay $0x1  }
0x61: {  	v4 =	vadd.s32 v1, v4;
	_ =	sdelay $0x3  }
0x62: {  	s16 =	simm.s32 $0x9480;
	v3 =	vperm.xlane v3, v2  }
0x63: {  	[tilespmem:s16], [sflag:$0x1] =	stream.indirect_vreg.gather [hbm4b:s4+s2], $0x80, v4, vm0, $0xb8;
	[tilespmem:$0x18480] =	vst v63  }
0x64: {  	s17 =	simm.s32 $0x9C80;
	v3 =	vadd.s32 v1, v3  }
0x65: {  	[tilespmem:s17], [sflag:$0x1] =	stream.indirect_vreg.gather [hbm4b:s5+s2], $0x80, v4, vm0, $0xb8;
	[tilespmem:$0x18480] =	vst v63  }
0x66: {  	s18 =	simm.s32 $0xA480  }
0x67: {  	[tilespmem:s18], [sflag:$0x1] =	stream.indirect_vreg.gather [hbm4b:s6+s2], $0x80, v4, vm0, $0xb8;
	[tilespmem:$0x18480] =	vst v63  }
0x68: {  	s19 =	simm.s32 $0xAC80  }
0x69: {  	[tilespmem:s19], [sflag:$0x1] =	stream.indirect_vreg.gather [hbm4b:s4+s2], $0x80, v3, vm0, $0xb8;
	[tilespmem:$0x18480] =	vst v63  }
0x6a: {  	s20 =	simm.s32 $0xB480  }
0x6b: {  	[tilespmem:s20], [sflag:$0x1] =	stream.indirect_vreg.gather [hbm4b:s5+s2], $0x80, v3, vm0, $0xb8;
	[tilespmem:$0x18480] =	vst v63  }
0x6c: {  	s23 =	simm.s32 $0xBC80  }
0x6d: {  	[tilespmem:s23], [sflag:$0x1] =	stream.indirect_vreg.gather [hbm4b:s6+s2], $0x80, v3, vm0, $0xb8;
	[tilespmem:$0x18480] =	vst v63  }
0x6e: {  	v3 =	vld [tilespmem:$0x40];
	_ =	sdelay $0x4  }
0x6f: {  	v52 =	vshrl.u32 v3, $0x3  }
0x70: {  	v4 =	vmul.u32 $0x30, v52  }
0x71: {  	v3 =	vand.u32 $0x7, v3  }
0x72: {  	v3 =	vor.u32 v3, v4  }
0x73: {  	v4 =	vperm.xlane v3, v0;
	_ =	sdelay $0x1  }
0x74: {  	v4 =	vadd.s32 v1, v4;
	_ =	sdelay $0x3  }
0x75: {  	v3 =	vperm.xlane v3, v2  }
0x76: {  	[tilespmem:s3], [sflag:$0x2] =	stream.indirect_vreg.gather [hbm4b:s4+s2], $0x80, v4, vm0, $0xb8;
	[tilespmem:$0x18480] =	vst v63  }
0x77: {  	s24 =	simm.s32 $0xCC80;
	v3 =	vadd.s32 v1, v3  }
0x78: {  	[tilespmem:s24], [sflag:$0x2] =	stream.indirect_vreg.gather [hbm4b:s5+s2], $0x80, v4, vm0, $0xb8;
	[tilespmem:$0x18480] =	vst v63  }
0x79: {  	s29 =	simm.s32 $0xD480  }
0x7a: {  	[tilespmem:s29], [sflag:$0x2] =	stream.indirect_vreg.gather [hbm4b:s6+s2], $0x80, v4, vm0, $0xb8;
	[tilespmem:$0x18480] =	vst v63  }
0x7b: {  	s30 =	simm.s32 $0xDC80  }
0x7c: {  	[tilespmem:s30], [sflag:$0x2] =	stream.indirect_vreg.gather [hbm4b:s4+s2], $0x80, v3, vm0, $0xb8;
	[tilespmem:$0x18480] =	vst v63  }
0x7d: {  	s31 =	simm.s32 $0xE480  }
0x7e: {  	[tilespmem:s31], [sflag:$0x2] =	stream.indirect_vreg.gather [hbm4b:s5+s2], $0x80, v3, vm0, $0xb8;
	[tilespmem:$0x18480] =	vst v63  }
0x7f: {  	s1 =	simm.s32 $0xEC80  }
0x80: {  	[tilespmem:s1], [sflag:$0x2] =	stream.indirect_vreg.gather [hbm4b:s6+s2], $0x80, v3, vm0, $0xb8;
	[tilespmem:$0x18480] =	vst v63  }
0x81: {  	v3 =	vld [tilespmem:$0x50];
	_ =	sdelay $0x4  }
0x82: {  	v53 =	vshrl.u32 v3, $0x3  }
0x83: {  	v4 =	vmul.u32 $0x30, v53  }
0x84: {  	v3 =	vand.u32 $0x7, v3  }
0x85: {  	v3 =	vor.u32 v3, v4  }
0x86: {  	v4 =	vperm.xlane v3, v0;
	_ =	sdelay $0x1  }
0x87: {  	v4 =	vadd.s32 v1, v4;
	_ =	sdelay $0x3  }
0x88: {  	s9 =	simm.s32 $0xF480;
	v3 =	vperm.xlane v3, v2  }
0x89: {  	[tilespmem:s9], [sflag:$0x2] =	stream.indirect_vreg.gather [hbm4b:s4+s2], $0x80, v4, vm0, $0xb8;
	[tilespmem:$0x18480] =	vst v63  }
0x8a: {  	s15 =	simm.s32 $0xFC80;
	v3 =	vadd.s32 v1, v3  }
0x8b: {  	[tilespmem:s15], [sflag:$0x2] =	stream.indirect_vreg.gather [hbm4b:s5+s2], $0x80, v4, vm0, $0xb8;
	[tilespmem:$0x18480] =	vst v63  }
0x8c: {  	s16 =	simm.s32 $0x10480  }
0x8d: {  	[tilespmem:s16], [sflag:$0x2] =	stream.indirect_vreg.gather [hbm4b:s6+s2], $0x80, v4, vm0, $0xb8;
	[tilespmem:$0x18480] =	vst v63  }
0x8e: {  	s17 =	simm.s32 $0x10C80  }
0x8f: {  	[tilespmem:s17], [sflag:$0x2] =	stream.indirect_vreg.gather [hbm4b:s4+s2], $0x80, v3, vm0, $0xb8;
	[tilespmem:$0x18480] =	vst v63  }
0x90: {  	s18 =	simm.s32 $0x11480  }
0x91: {  	[tilespmem:s18], [sflag:$0x2] =	stream.indirect_vreg.gather [hbm4b:s5+s2], $0x80, v3, vm0, $0xb8;
	[tilespmem:$0x18480] =	vst v63  }
0x92: {  	s19 =	simm.s32 $0x11C80  }
0x93: {  	[tilespmem:s19], [sflag:$0x2] =	stream.indirect_vreg.gather [hbm4b:s6+s2], $0x80, v3, vm0, $0xb8;
	[tilespmem:$0x18480] =	vst v63  }
0x94: {  	v3 =	vld [tilespmem:$0x60];
	_ =	sdelay $0x4  }
0x95: {  	v54 =	vshrl.u32 v3, $0x3  }
0x96: {  	v4 =	vmul.u32 $0x30, v54  }
0x97: {  	v3 =	vand.u32 $0x7, v3  }
0x98: {  	v3 =	vor.u32 v3, v4  }
0x99: {  	v4 =	vperm.xlane v3, v0;
	_ =	sdelay $0x1  }
0x9a: {  	v4 =	vadd.s32 v1, v4;
	_ =	sdelay $0x3  }
0x9b: {  	s20 =	simm.s32 $0x12480;
	v3 =	vperm.xlane v3, v2  }
0x9c: {  	[tilespmem:s20], [sflag:$0x2] =	stream.indirect_vreg.gather [hbm4b:s4+s2], $0x80, v4, vm0, $0xb8;
	[tilespmem:$0x18480] =	vst v63  }
0x9d: {  	s23 =	simm.s32 $0x12C80;
	v3 =	vadd.s32 v1, v3  }
0x9e: {  	[tilespmem:s23], [sflag:$0x2] =	stream.indirect_vreg.gather [hbm4b:s5+s2], $0x80, v4, vm0, $0xb8;
	[tilespmem:$0x18480] =	vst v63  }
0x9f: {  	s24 =	simm.s32 $0x13480  }
0xa0: {  	[tilespmem:s24], [sflag:$0x2] =	stream.indirect_vreg.gather [hbm4b:s6+s2], $0x80, v4, vm0, $0xb8;
	[tilespmem:$0x18480] =	vst v63  }
0xa1: {  	s1 =	simm.s32 $0x13C80  }
0xa2: {  	[tilespmem:s1], [sflag:$0x2] =	stream.indirect_vreg.gather [hbm4b:s4+s2], $0x80, v3, vm0, $0xb8;
	[tilespmem:$0x18480] =	vst v63  }
0xa3: {  	s9 =	simm.s32 $0x14480  }
0xa4: {  	[tilespmem:s9], [sflag:$0x2] =	stream.indirect_vreg.gather [hbm4b:s5+s2], $0x80, v3, vm0, $0xb8;
	[tilespmem:$0x18480] =	vst v63  }
0xa5: {  	s15 =	simm.s32 $0x14C80  }
0xa6: {  	[tilespmem:s15], [sflag:$0x2] =	stream.indirect_vreg.gather [hbm4b:s6+s2], $0x80, v3, vm0, $0xb8;
	[tilespmem:$0x18480] =	vst v63  }
0xa7: {  	v3 =	vld [tilespmem:$0x70];
	_ =	sdelay $0x4  }
0xa8: {  	v55 =	vshrl.u32 v3, $0x3  }
0xa9: {  	v4 =	vmul.u32 $0x30, v55  }
0xaa: {  	v3 =	vand.u32 $0x7, v3  }
0xab: {  	v3 =	vor.u32 v3, v4  }
0xac: {  	v4 =	vperm.xlane v3, v0;
	_ =	sdelay $0x1  }
0xad: {  	v4 =	vadd.s32 v1, v4;
	_ =	sdelay $0x3  }
0xae: {  	s16 =	simm.s32 $0x15480;
	v3 =	vperm.xlane v3, v2  }
0xaf: {  	[tilespmem:s16], [sflag:$0x2] =	stream.indirect_vreg.gather [hbm4b:s4+s2], $0x80, v4, vm0, $0xb8;
	[tilespmem:$0x18480] =	vst v63  }
0xb0: {  	s17 =	simm.s32 $0x15C80;
	v3 =	vadd.s32 v1, v3  }
0xb1: {  	[tilespmem:s17], [sflag:$0x2] =	stream.indirect_vreg.gather [hbm4b:s5+s2], $0x80, v4, vm0, $0xb8;
	[tilespmem:$0x18480] =	vst v63  }
0xb2: {  	s18 =	simm.s32 $0x16480  }
0xb3: {  	[tilespmem:s18], [sflag:$0x2] =	stream.indirect_vreg.gather [hbm4b:s6+s2], $0x80, v4, vm0, $0xb8;
	[tilespmem:$0x18480] =	vst v63  }
0xb4: {  	s19 =	simm.s32 $0x16C80  }
0xb5: {  	[tilespmem:s19], [sflag:$0x2] =	stream.indirect_vreg.gather [hbm4b:s4+s2], $0x80, v3, vm0, $0xb8;
	[tilespmem:$0x18480] =	vst v63  }
0xb6: {  	s20 =	simm.s32 $0x17480  }
0xb7: {  	[tilespmem:s20], [sflag:$0x2] =	stream.indirect_vreg.gather [hbm4b:s5+s2], $0x80, v3, vm0, $0xb8;
	[tilespmem:$0x18480] =	vst v63  }
0xb8: {  	s23 =	simm.s32 $0x17C80  }
0xb9: {  	[tilespmem:s23], [sflag:$0x2] =	stream.indirect_vreg.gather [hbm4b:s6+s2], $0x80, v3, vm0, $0xb8;
	[tilespmem:$0x18480] =	vst v63  }
0xba: {  	_ =	swait.ge [sflag:s0], $0xC000  }
0xbb: {  	[sflag:s0] =	ssyncset.done $0x0  }
0xbc: {  	s24 =	rddreg [dreg:$0x15];
	[sflag:s0] =	ssyncadd.s32 $0xFFFF4000  }
0xbd: {  	[hbm4b:s24+s2] =	stream.linear.scatter [tilespmem:s14], [sflag:$0x3], $0xC000, $0x38;
	[tilespmem:$0x18480] =	vst v63  }
0xbe: {  	_ =	swait.ge [sflag:s8], $0xC000  }
0xbf: {  	[sflag:s8] =	ssyncset.done $0x0  }
0xc0: {  	[sflag:s8] =	ssyncadd.s32 $0xFFFF4000  }
0xc1: {  	v3 =	vld [tilespmem:$0x80];
	_ =	sdelay $0x4  }
0xc2: {  	v56 =	vshrl.u32 v3, $0x3  }
0xc3: {  	v4 =	vmul.u32 $0x30, v56  }
0xc4: {  	v3 =	vand.u32 $0x7, v3  }
0xc5: {  	v3 =	vor.u32 v3, v4  }
0xc6: {  	v4 =	vperm.xlane v3, v0;
	_ =	sdelay $0x1  }
0xc7: {  	v4 =	vadd.s32 v1, v4;
	_ =	sdelay $0x3  }
0xc8: {  	v3 =	vperm.xlane v3, v2  }
0xc9: {  	[tilespmem:s14], [sflag:$0x1] =	stream.indirect_vreg.gather [hbm4b:s4+s2], $0x80, v4, vm0, $0xb8;
	[tilespmem:$0x18480] =	vst v63  }
0xca: {  	s1 =	simm.s32 $0xC80;
	v3 =	vadd.s32 v1, v3  }
0xcb: {  	[tilespmem:s1], [sflag:$0x1] =	stream.indirect_vreg.gather [hbm4b:s5+s2], $0x80, v4, vm0, $0xb8;
	[tilespmem:$0x18480] =	vst v63  }
0xcc: {  	s9 =	simm.s32 $0x1480  }
0xcd: {  	[tilespmem:s9], [sflag:$0x1] =	stream.indirect_vreg.gather [hbm4b:s6+s2], $0x80, v4, vm0, $0xb8;
	[tilespmem:$0x18480] =	vst v63  }
0xce: {  	s15 =	simm.s32 $0x1C80  }
0xcf: {  	[tilespmem:s15], [sflag:$0x1] =	stream.indirect_vreg.gather [hbm4b:s4+s2], $0x80, v3, vm0, $0xb8;
	[tilespmem:$0x18480] =	vst v63  }
0xd0: {  	s16 =	simm.s32 $0x2480  }
0xd1: {  	[tilespmem:s16], [sflag:$0x1] =	stream.indirect_vreg.gather [hbm4b:s5+s2], $0x80, v3, vm0, $0xb8;
	[tilespmem:$0x18480] =	vst v63  }
0xd2: {  	s7 =	simm.s32 $0x2C80  }
0xd3: {  	[tilespmem:s7], [sflag:$0x1] =	stream.indirect_vreg.gather [hbm4b:s6+s2], $0x80, v3, vm0, $0xb8;
	[tilespmem:$0x18480] =	vst v63  }
0xd4: {  	v3 =	vld [tilespmem:$0x90];
	_ =	sdelay $0x4  }
0xd5: {  	v57 =	vshrl.u32 v3, $0x3  }
0xd6: {  	v4 =	vmul.u32 $0x30, v57  }
0xd7: {  	v3 =	vand.u32 $0x7, v3  }
0xd8: {  	v3 =	vor.u32 v3, v4  }
0xd9: {  	v4 =	vperm.xlane v3, v0;
	_ =	sdelay $0x1  }
0xda: {  	v4 =	vadd.s32 v1, v4;
	_ =	sdelay $0x3  }
0xdb: {  	s13 =	simm.s32 $0x3480;
	v3 =	vperm.xlane v3, v2  }
0xdc: {  	[tilespmem:s13], [sflag:$0x1] =	stream.indirect_vreg.gather [hbm4b:s4+s2], $0x80, v4, vm0, $0xb8;
	[tilespmem:$0x18480] =	vst v63  }
0xdd: {  	s17 =	simm.s32 $0x3C80;
	v3 =	vadd.s32 v1, v3  }
0xde: {  	[tilespmem:s17], [sflag:$0x1] =	stream.indirect_vreg.gather [hbm4b:s5+s2], $0x80, v4, vm0, $0xb8;
	[tilespmem:$0x18480] =	vst v63  }
0xdf: {  	s18 =	simm.s32 $0x4480  }
0xe0: {  	[tilespmem:s18], [sflag:$0x1] =	stream.indirect_vreg.gather [hbm4b:s6+s2], $0x80, v4, vm0, $0xb8;
	[tilespmem:$0x18480] =	vst v63  }
0xe1: {  	s19 =	simm.s32 $0x4C80  }
0xe2: {  	[tilespmem:s19], [sflag:$0x1] =	stream.indirect_vreg.gather [hbm4b:s4+s2], $0x80, v3, vm0, $0xb8;
	[tilespmem:$0x18480] =	vst v63  }
0xe3: {  	s20 =	simm.s32 $0x5480  }
0xe4: {  	[tilespmem:s20], [sflag:$0x1] =	stream.indirect_vreg.gather [hbm4b:s5+s2], $0x80, v3, vm0, $0xb8;
	[tilespmem:$0x18480] =	vst v63  }
0xe5: {  	s21 =	simm.s32 $0x5C80  }
0xe6: {  	[tilespmem:s21], [sflag:$0x1] =	stream.indirect_vreg.gather [hbm4b:s6+s2], $0x80, v3, vm0, $0xb8;
	[tilespmem:$0x18480] =	vst v63  }
0xe7: {  	v3 =	vld [tilespmem:$0xA0];
	_ =	sdelay $0x4  }
0xe8: {  	v58 =	vshrl.u32 v3, $0x3  }
0xe9: {  	v4 =	vmul.u32 $0x30, v58  }
0xea: {  	v3 =	vand.u32 $0x7, v3  }
0xeb: {  	v3 =	vor.u32 v3, v4  }
0xec: {  	v4 =	vperm.xlane v3, v0;
	_ =	sdelay $0x1  }
0xed: {  	v4 =	vadd.s32 v1, v4;
	_ =	sdelay $0x3  }
0xee: {  	s22 =	simm.s32 $0x6480;
	v3 =	vperm.xlane v3, v2  }
0xef: {  	[tilespmem:s22], [sflag:$0x1] =	stream.indirect_vreg.gather [hbm4b:s4+s2], $0x80, v4, vm0, $0xb8;
	[tilespmem:$0x18480] =	vst v63  }
0xf0: {  	s21 =	simm.s32 $0x6C80;
	v3 =	vadd.s32 v1, v3  }
0xf1: {  	[tilespmem:s21], [sflag:$0x1] =	stream.indirect_vreg.gather [hbm4b:s5+s2], $0x80, v4, vm0, $0xb8;
	[tilespmem:$0x18480] =	vst v63  }
0xf2: {  	s22 =	simm.s32 $0x7480  }
0xf3: {  	[tilespmem:s22], [sflag:$0x1] =	stream.indirect_vreg.gather [hbm4b:s6+s2], $0x80, v4, vm0, $0xb8;
	[tilespmem:$0x18480] =	vst v63  }
0xf4: {  	s23 =	simm.s32 $0x7C80  }
0xf5: {  	[tilespmem:s23], [sflag:$0x1] =	stream.indirect_vreg.gather [hbm4b:s4+s2], $0x80, v3, vm0, $0xb8;
	[tilespmem:$0x18480] =	vst v63  }
0xf6: {  	s24 =	simm.s32 $0x8480  }
0xf7: {  	[tilespmem:s24], [sflag:$0x1] =	stream.indirect_vreg.gather [hbm4b:s5+s2], $0x80, v3, vm0, $0xb8;
	[tilespmem:$0x18480] =	vst v63  }
0xf8: {  	s25 =	simm.s32 $0x8C80  }
0xf9: {  	[tilespmem:s25], [sflag:$0x1] =	stream.indirect_vreg.gather [hbm4b:s6+s2], $0x80, v3, vm0, $0xb8;
	[tilespmem:$0x18480] =	vst v63  }
0xfa: {  	v3 =	vld [tilespmem:$0xB0];
	_ =	sdelay $0x4  }
0xfb: {  	v59 =	vshrl.u32 v3, $0x3  }
0xfc: {  	v4 =	vmul.u32 $0x30, v59  }
0xfd: {  	v3 =	vand.u32 $0x7, v3  }
0xfe: {  	v3 =	vor.u32 v3, v4  }
0xff: {  	v4 =	vperm.xlane v3, v0;
	_ =	sdelay $0x1  }
0x100: {  	v4 =	vadd.s32 v1, v4;
	_ =	sdelay $0x3  }
0x101: {  	s26 =	simm.s32 $0x9480;
	v3 =	vperm.xlane v3, v2  }
0x102: {  	[tilespmem:s26], [sflag:$0x1] =	stream.indirect_vreg.gather [hbm4b:s4+s2], $0x80, v4, vm0, $0xb8;
	[tilespmem:$0x18480] =	vst v63  }
0x103: {  	s25 =	simm.s32 $0x9C80;
	v3 =	vadd.s32 v1, v3  }
0x104: {  	[tilespmem:s25], [sflag:$0x1] =	stream.indirect_vreg.gather [hbm4b:s5+s2], $0x80, v4, vm0, $0xb8;
	[tilespmem:$0x18480] =	vst v63  }
0x105: {  	s26 =	simm.s32 $0xA480  }
0x106: {  	[tilespmem:s26], [sflag:$0x1] =	stream.indirect_vreg.gather [hbm4b:s6+s2], $0x80, v4, vm0, $0xb8;
	[tilespmem:$0x18480] =	vst v63  }
0x107: {  	s7 =	simm.s32 $0xAC80  }
0x108: {  	[tilespmem:s7], [sflag:$0x1] =	stream.indirect_vreg.gather [hbm4b:s4+s2], $0x80, v3, vm0, $0xb8;
	[tilespmem:$0x18480] =	vst v63  }
0x109: {  	s13 =	simm.s32 $0xB480  }
0x10a: {  	[tilespmem:s13], [sflag:$0x1] =	stream.indirect_vreg.gather [hbm4b:s5+s2], $0x80, v3, vm0, $0xb8;
	[tilespmem:$0x18480] =	vst v63  }
0x10b: {  	s28 =	simm.s32 $0xBC80  }
0x10c: {  	[tilespmem:s28], [sflag:$0x1] =	stream.indirect_vreg.gather [hbm4b:s6+s2], $0x80, v3, vm0, $0xb8;
	[tilespmem:$0x18480] =	vst v63  }
0x10d: {  	_ =	swait.ge [sflag:s10], $0xC000  }
0x10e: {  	[sflag:s10] =	ssyncset.done $0x0  }
0x10f: {  	s28 =	rddreg [dreg:$0x4];
	[sflag:s10] =	ssyncadd.s32 $0xFFFF4000  }
0x110: {  	[hbm4b:s28+s2] =	stream.linear.scatter [tilespmem:s3], [sflag:$0x4], $0xC000, $0x38;
	[tilespmem:$0x18480] =	vst v63  }
0x111: {  	_ =	swait.ge [sflag:s11], $0xC000  }
0x112: {  	[sflag:s11] =	ssyncset.done $0x0  }
0x113: {  	[sflag:s11] =	ssyncadd.s32 $0xFFFF4000  }
0x114: {  	v3 =	vld [tilespmem:$0xC0];
	_ =	sdelay $0x4  }
0x115: {  	v60 =	vshrl.u32 v3, $0x3  }
0x116: {  	v4 =	vmul.u32 $0x30, v60  }
0x117: {  	v3 =	vand.u32 $0x7, v3  }
0x118: {  	v3 =	vor.u32 v3, v4  }
0x119: {  	v4 =	vperm.xlane v3, v0;
	_ =	sdelay $0x1  }
0x11a: {  	v4 =	vadd.s32 v1, v4;
	_ =	sdelay $0x3  }
0x11b: {  	v3 =	vperm.xlane v3, v2  }
0x11c: {  	[tilespmem:s3], [sflag:$0x2] =	stream.indirect_vreg.gather [hbm4b:s4+s2], $0x80, v4, vm0, $0xb8;
	[tilespmem:$0x18480] =	vst v63  }
0x11d: {  	s28 =	simm.s32 $0xCC80;
	v3 =	vadd.s32 v1, v3  }
0x11e: {  	[tilespmem:s28], [sflag:$0x2] =	stream.indirect_vreg.gather [hbm4b:s5+s2], $0x80, v4, vm0, $0xb8;
	[tilespmem:$0x18480] =	vst v63  }
0x11f: {  	s12 =	simm.s32 $0xD480  }
0x120: {  	[tilespmem:s12], [sflag:$0x2] =	stream.indirect_vreg.gather [hbm4b:s6+s2], $0x80, v4, vm0, $0xb8;
	[tilespmem:$0x18480] =	vst v63  }
0x121: {  	s12 =	simm.s32 $0xDC80  }
0x122: {  	[tilespmem:s12], [sflag:$0x2] =	stream.indirect_vreg.gather [hbm4b:s4+s2], $0x80, v3, vm0, $0xb8;
	[tilespmem:$0x18480] =	vst v63  }
0x123: {  	s12 =	simm.s32 $0xE480  }
0x124: {  	[tilespmem:s12], [sflag:$0x2] =	stream.indirect_vreg.gather [hbm4b:s5+s2], $0x80, v3, vm0, $0xb8;
	[tilespmem:$0x18480] =	vst v63  }
0x125: {  	s12 =	simm.s32 $0xEC80  }
0x126: {  	[tilespmem:s12], [sflag:$0x2] =	stream.indirect_vreg.gather [hbm4b:s6+s2], $0x80, v3, vm0, $0xb8;
	[tilespmem:$0x18480] =	vst v63  }
0x127: {  	v3 =	vld [tilespmem:$0xD0];
	_ =	sdelay $0x4  }
0x128: {  	v61 =	vshrl.u32 v3, $0x3  }
0x129: {  	v4 =	vmul.u32 $0x30, v61  }
0x12a: {  	v3 =	vand.u32 $0x7, v3  }
0x12b: {  	v3 =	vor.u32 v3, v4  }
0x12c: {  	v4 =	vperm.xlane v3, v0;
	_ =	sdelay $0x1  }
0x12d: {  	v4 =	vadd.s32 v1, v4;
	_ =	sdelay $0x3  }
0x12e: {  	s29 =	simm.s32 $0xF480;
	v3 =	vperm.xlane v3, v2  }
0x12f: {  	[tilespmem:s29], [sflag:$0x2] =	stream.indirect_vreg.gather [hbm4b:s4+s2], $0x80, v4, vm0, $0xb8;
	[tilespmem:$0x18480] =	vst v63  }
0x130: {  	v3 =	vadd.s32 v1, v3;
	s29 =	simm.s32 $0xFC80  }
0x131: {  	[tilespmem:s29], [sflag:$0x2] =	stream.indirect_vreg.gather [hbm4b:s5+s2], $0x80, v4, vm0, $0xb8;
	[tilespmem:$0x18480] =	vst v63  }
0x132: {  	s12 =	simm.s32 $0x10480  }
0x133: {  	[tilespmem:s12], [sflag:$0x2] =	stream.indirect_vreg.gather [hbm4b:s6+s2], $0x80, v4, vm0, $0xb8;
	[tilespmem:$0x18480] =	vst v63  }
0x134: {  	s12 =	simm.s32 $0x10C80  }
0x135: {  	[tilespmem:s12], [sflag:$0x2] =	stream.indirect_vreg.gather [hbm4b:s4+s2], $0x80, v3, vm0, $0xb8;
	[tilespmem:$0x18480] =	vst v63  }
0x136: {  	s12 =	simm.s32 $0x11480  }
0x137: {  	[tilespmem:s12], [sflag:$0x2] =	stream.indirect_vreg.gather [hbm4b:s5+s2], $0x80, v3, vm0, $0xb8;
	[tilespmem:$0x18480] =	vst v63  }
0x138: {  	s30 =	simm.s32 $0x11C80  }
0x139: {  	[tilespmem:s30], [sflag:$0x2] =	stream.indirect_vreg.gather [hbm4b:s6+s2], $0x80, v3, vm0, $0xb8;
	[tilespmem:$0x18480] =	vst v63  }
0x13a: {  	v3 =	vld [tilespmem:$0xE0];
	_ =	sdelay $0x4  }
0x13b: {  	v62 =	vshrl.u32 v3, $0x3  }
0x13c: {  	v4 =	vmul.u32 $0x30, v62  }
0x13d: {  	v3 =	vand.u32 $0x7, v3  }
0x13e: {  	v3 =	vor.u32 v3, v4  }
0x13f: {  	v4 =	vperm.xlane v3, v0;
	_ =	sdelay $0x1  }
0x140: {  	v4 =	vadd.s32 v1, v4;
	_ =	sdelay $0x3  }
0x141: {  	s31 =	simm.s32 $0x12480;
	v3 =	vperm.xlane v3, v2  }
0x142: {  	[tilespmem:s31], [sflag:$0x2] =	stream.indirect_vreg.gather [hbm4b:s4+s2], $0x80, v4, vm0, $0xb8;
	[tilespmem:$0x18480] =	vst v63  }
0x143: {  	s30 =	simm.s32 $0x12C80;
	v3 =	vadd.s32 v1, v3  }
0x144: {  	[tilespmem:s30], [sflag:$0x2] =	stream.indirect_vreg.gather [hbm4b:s5+s2], $0x80, v4, vm0, $0xb8;
	[tilespmem:$0x18480] =	vst v63  }
0x145: {  	s31 =	simm.s32 $0x13480  }
0x146: {  	[tilespmem:s31], [sflag:$0x2] =	stream.indirect_vreg.gather [hbm4b:s6+s2], $0x80, v4, vm0, $0xb8;
	[tilespmem:$0x18480] =	vst v63  }
0x147: {  	s12 =	simm.s32 $0x13C80  }
0x148: {  	[tilespmem:s12], [sflag:$0x2] =	stream.indirect_vreg.gather [hbm4b:s4+s2], $0x80, v3, vm0, $0xb8;
	[tilespmem:$0x18480] =	vst v63  }
0x149: {  	s12 =	simm.s32 $0x14480  }
0x14a: {  	[tilespmem:s12], [sflag:$0x2] =	stream.indirect_vreg.gather [hbm4b:s5+s2], $0x80, v3, vm0, $0xb8;
	[tilespmem:$0x18480] =	vst v63  }
0x14b: {  	s12 =	simm.s32 $0x14C80  }
0x14c: {  	[tilespmem:s12], [sflag:$0x2] =	stream.indirect_vreg.gather [hbm4b:s6+s2], $0x80, v3, vm0, $0xb8;
	[tilespmem:$0x18480] =	vst v63  }
0x14d: {  	v3 =	vld [tilespmem:$0xF0];
	_ =	sdelay $0x4  }
0x14e: {  	v63 =	vshrl.u32 v3, $0x3  }
0x14f: {  	v4 =	vmul.u32 $0x30, v63  }
0x150: {  	v3 =	vand.u32 $0x7, v3  }
0x151: {  	v3 =	vor.u32 v3, v4  }
0x152: {  	v4 =	vperm.xlane v3, v0;
	_ =	sdelay $0x1  }
0x153: {  	v4 =	vadd.s32 v1, v4;
	_ =	sdelay $0x3  }
0x154: {  	s12 =	simm.s32 $0x15480;
	v3 =	vperm.xlane v3, v2  }
0x155: {  	[tilespmem:s12], [sflag:$0x2] =	stream.indirect_vreg.gather [hbm4b:s4+s2], $0x80, v4, vm0, $0xb8;
	[tilespmem:$0x18480] =	vst v63  }
0x156: {  	v3 =	vadd.s32 v1, v3;
	s12 =	simm.s32 $0x15C80  }
0x157: {  	[tilespmem:s12], [sflag:$0x2] =	stream.indirect_vreg.gather [hbm4b:s5+s2], $0x80, v4, vm0, $0xb8;
	[tilespmem:$0x18480] =	vst v63  }
0x158: {  	s12 =	simm.s32 $0x16480  }
0x159: {  	[tilespmem:s12], [sflag:$0x2] =	stream.indirect_vreg.gather [hbm4b:s6+s2], $0x80, v4, vm0, $0xb8;
	[tilespmem:$0x18480] =	vst v63  }
0x15a: {  	s12 =	simm.s32 $0x16C80  }
0x15b: {  	[tilespmem:s12], [sflag:$0x2] =	stream.indirect_vreg.gather [hbm4b:s4+s2], $0x80, v3, vm0, $0xb8;
	[tilespmem:$0x18480] =	vst v63  }
0x15c: {  	s12 =	simm.s32 $0x17480  }
0x15d: {  	[tilespmem:s12], [sflag:$0x2] =	stream.indirect_vreg.gather [hbm4b:s5+s2], $0x80, v3, vm0, $0xb8;
	[tilespmem:$0x18480] =	vst v63  }
0x15e: {  	s12 =	simm.s32 $0x17C80  }
0x15f: {  	[tilespmem:s12], [sflag:$0x2] =	stream.indirect_vreg.gather [hbm4b:s6+s2], $0x80, v3, vm0, $0xb8;
	[tilespmem:$0x18480] =	vst v63  }
0x160: {  	_ =	swait.ge [sflag:s0], $0xC000  }
0x161: {  	[sflag:s0] =	ssyncset.done $0x0  }
0x162: {  	s12 =	rddreg [dreg:$0x5];
	[sflag:s0] =	ssyncadd.s32 $0xFFFF4000  }
0x163: {  	[hbm4b:s12+s2] =	stream.linear.scatter [tilespmem:s14], [sflag:$0x3], $0xC000, $0x38;
	[tilespmem:$0x18480] =	vst v63  }
0x164: {  	_ =	swait.ge [sflag:s8], $0xC000  }
0x165: {  	[sflag:s8] =	ssyncset.done $0x0  }
0x166: {  	[sflag:s8] =	ssyncadd.s32 $0xFFFF4000  }
0x167: {  	v3 =	vld [tilespmem:$0x100];
	_ =	sdelay $0x4  }
0x168: {  	v8 =	vshrl.u32 v3, $0x3  }
0x169: {  	v4 =	vmul.u32 $0x30, v8  }
0x16a: {  	v3 =	vand.u32 $0x7, v3  }
0x16b: {  	v3 =	vor.u32 v3, v4  }
0x16c: {  	v4 =	vperm.xlane v3, v0;
	_ =	sdelay $0x1  }
0x16d: {  	v4 =	vadd.s32 v1, v4;
	_ =	sdelay $0x3  }
0x16e: {  	v3 =	vperm.xlane v3, v2  }
0x16f: {  	[tilespmem:s14], [sflag:$0x1] =	stream.indirect_vreg.gather [hbm4b:s4+s2], $0x80, v4, vm0, $0xb8;
	[tilespmem:$0x18480] =	vst v63  }
0x170: {  	v3 =	vadd.s32 v1, v3  }
0x171: {  	[tilespmem:s1], [sflag:$0x1] =	stream.indirect_vreg.gather [hbm4b:s5+s2], $0x80, v4, vm0, $0xb8;
	[tilespmem:$0x18480] =	vst v63  }
0x172: {  	_ = 	snop  }
0x173: {  	[tilespmem:s9], [sflag:$0x1] =	stream.indirect_vreg.gather [hbm4b:s6+s2], $0x80, v4, vm0, $0xb8;
	[tilespmem:$0x18480] =	vst v63  }
0x174: {  	_ = 	snop  }
0x175: {  	[tilespmem:s15], [sflag:$0x1] =	stream.indirect_vreg.gather [hbm4b:s4+s2], $0x80, v3, vm0, $0xb8;
	[tilespmem:$0x18480] =	vst v63  }
0x176: {  	_ = 	snop  }
0x177: {  	[tilespmem:s16], [sflag:$0x1] =	stream.indirect_vreg.gather [hbm4b:s5+s2], $0x80, v3, vm0, $0xb8;
	[tilespmem:$0x18480] =	vst v63  }
0x178: {  	s16 =	simm.s32 $0x2C80  }
0x179: {  	[tilespmem:s16], [sflag:$0x1] =	stream.indirect_vreg.gather [hbm4b:s6+s2], $0x80, v3, vm0, $0xb8;
	[tilespmem:$0x18480] =	vst v63  }
0x17a: {  	v3 =	vld [tilespmem:$0x110];
	_ =	sdelay $0x4  }
0x17b: {  	v9 =	vshrl.u32 v3, $0x3  }
0x17c: {  	v4 =	vmul.u32 $0x30, v9  }
0x17d: {  	v3 =	vand.u32 $0x7, v3  }
0x17e: {  	v3 =	vor.u32 v3, v4  }
0x17f: {  	v4 =	vperm.xlane v3, v0;
	_ =	sdelay $0x1  }
0x180: {  	v4 =	vadd.s32 v1, v4;
	_ =	sdelay $0x3  }
0x181: {  	s16 =	simm.s32 $0x3480;
	v3 =	vperm.xlane v3, v2  }
0x182: {  	[tilespmem:s16], [sflag:$0x1] =	stream.indirect_vreg.gather [hbm4b:s4+s2], $0x80, v4, vm0, $0xb8;
	[tilespmem:$0x18480] =	vst v63  }
0x183: {  	v3 =	vadd.s32 v1, v3  }
0x184: {  	[tilespmem:s17], [sflag:$0x1] =	stream.indirect_vreg.gather [hbm4b:s5+s2], $0x80, v4, vm0, $0xb8;
	[tilespmem:$0x18480] =	vst v63  }
0x185: {  	_ = 	snop  }
0x186: {  	[tilespmem:s18], [sflag:$0x1] =	stream.indirect_vreg.gather [hbm4b:s6+s2], $0x80, v4, vm0, $0xb8;
	[tilespmem:$0x18480] =	vst v63  }
0x187: {  	_ = 	snop  }
0x188: {  	[tilespmem:s19], [sflag:$0x1] =	stream.indirect_vreg.gather [hbm4b:s4+s2], $0x80, v3, vm0, $0xb8;
	[tilespmem:$0x18480] =	vst v63  }
0x189: {  	_ = 	snop  }
0x18a: {  	[tilespmem:s20], [sflag:$0x1] =	stream.indirect_vreg.gather [hbm4b:s5+s2], $0x80, v3, vm0, $0xb8;
	[tilespmem:$0x18480] =	vst v63  }
0x18b: {  	s20 =	simm.s32 $0x5C80  }
0x18c: {  	[tilespmem:s20], [sflag:$0x1] =	stream.indirect_vreg.gather [hbm4b:s6+s2], $0x80, v3, vm0, $0xb8;
	[tilespmem:$0x18480] =	vst v63  }
0x18d: {  	v3 =	vld [tilespmem:$0x120];
	_ =	sdelay $0x4  }
0x18e: {  	v10 =	vshrl.u32 v3, $0x3  }
0x18f: {  	v4 =	vmul.u32 $0x30, v10  }
0x190: {  	v3 =	vand.u32 $0x7, v3  }
0x191: {  	v3 =	vor.u32 v3, v4  }
0x192: {  	v4 =	vperm.xlane v3, v0;
	_ =	sdelay $0x1  }
0x193: {  	v4 =	vadd.s32 v1, v4;
	_ =	sdelay $0x3  }
0x194: {  	s20 =	simm.s32 $0x6480;
	v3 =	vperm.xlane v3, v2  }
0x195: {  	[tilespmem:s20], [sflag:$0x1] =	stream.indirect_vreg.gather [hbm4b:s4+s2], $0x80, v4, vm0, $0xb8;
	[tilespmem:$0x18480] =	vst v63  }
0x196: {  	v3 =	vadd.s32 v1, v3  }
0x197: {  	[tilespmem:s21], [sflag:$0x1] =	stream.indirect_vreg.gather [hbm4b:s5+s2], $0x80, v4, vm0, $0xb8;
	[tilespmem:$0x18480] =	vst v63  }
0x198: {  	_ = 	snop  }
0x199: {  	[tilespmem:s22], [sflag:$0x1] =	stream.indirect_vreg.gather [hbm4b:s6+s2], $0x80, v4, vm0, $0xb8;
	[tilespmem:$0x18480] =	vst v63  }
0x19a: {  	_ = 	snop  }
0x19b: {  	[tilespmem:s23], [sflag:$0x1] =	stream.indirect_vreg.gather [hbm4b:s4+s2], $0x80, v3, vm0, $0xb8;
	[tilespmem:$0x18480] =	vst v63  }
0x19c: {  	_ = 	snop  }
0x19d: {  	[tilespmem:s24], [sflag:$0x1] =	stream.indirect_vreg.gather [hbm4b:s5+s2], $0x80, v3, vm0, $0xb8;
	[tilespmem:$0x18480] =	vst v63  }
0x19e: {  	s24 =	simm.s32 $0x8C80  }
0x19f: {  	[tilespmem:s24], [sflag:$0x1] =	stream.indirect_vreg.gather [hbm4b:s6+s2], $0x80, v3, vm0, $0xb8;
	[tilespmem:$0x18480] =	vst v63  }
0x1a0: {  	v3 =	vld [tilespmem:$0x130];
	_ =	sdelay $0x4  }
0x1a1: {  	v11 =	vshrl.u32 v3, $0x3  }
0x1a2: {  	v4 =	vmul.u32 $0x30, v11  }
0x1a3: {  	v3 =	vand.u32 $0x7, v3  }
0x1a4: {  	v3 =	vor.u32 v3, v4  }
0x1a5: {  	v4 =	vperm.xlane v3, v0;
	_ =	sdelay $0x1  }
0x1a6: {  	v4 =	vadd.s32 v1, v4;
	_ =	sdelay $0x3  }
0x1a7: {  	s24 =	simm.s32 $0x9480;
	v3 =	vperm.xlane v3, v2  }
0x1a8: {  	[tilespmem:s24], [sflag:$0x1] =	stream.indirect_vreg.gather [hbm4b:s4+s2], $0x80, v4, vm0, $0xb8;
	[tilespmem:$0x18480] =	vst v63  }
0x1a9: {  	v3 =	vadd.s32 v1, v3  }
0x1aa: {  	[tilespmem:s25], [sflag:$0x1] =	stream.indirect_vreg.gather [hbm4b:s5+s2], $0x80, v4, vm0, $0xb8;
	[tilespmem:$0x18480] =	vst v63  }
0x1ab: {  	_ = 	snop  }
0x1ac: {  	[tilespmem:s26], [sflag:$0x1] =	stream.indirect_vreg.gather [hbm4b:s6+s2], $0x80, v4, vm0, $0xb8;
	[tilespmem:$0x18480] =	vst v63  }
0x1ad: {  	_ = 	snop  }
0x1ae: {  	[tilespmem:s7], [sflag:$0x1] =	stream.indirect_vreg.gather [hbm4b:s4+s2], $0x80, v3, vm0, $0xb8;
	[tilespmem:$0x18480] =	vst v63  }
0x1af: {  	_ = 	snop  }
0x1b0: {  	[tilespmem:s13], [sflag:$0x1] =	stream.indirect_vreg.gather [hbm4b:s5+s2], $0x80, v3, vm0, $0xb8;
	[tilespmem:$0x18480] =	vst v63  }
0x1b1: {  	s26 =	simm.s32 $0xBC80  }
0x1b2: {  	[tilespmem:s26], [sflag:$0x1] =	stream.indirect_vreg.gather [hbm4b:s6+s2], $0x80, v3, vm0, $0xb8;
	[tilespmem:$0x18480] =	vst v63  }
0x1b3: {  	_ =	swait.ge [sflag:s10], $0xC000  }
0x1b4: {  	[sflag:s10] =	ssyncset.done $0x0  }
0x1b5: {  	s26 =	rddreg [dreg:$0x6];
	[sflag:s10] =	ssyncadd.s32 $0xFFFF4000  }
0x1b6: {  	[hbm4b:s26+s2] =	stream.linear.scatter [tilespmem:s3], [sflag:$0x4], $0xC000, $0x38;
	[tilespmem:$0x18480] =	vst v63  }
0x1b7: {  	_ =	swait.ge [sflag:s11], $0xC000  }
0x1b8: {  	[sflag:s11] =	ssyncset.done $0x0  }
0x1b9: {  	[sflag:s11] =	ssyncadd.s32 $0xFFFF4000  }
0x1ba: {  	v3 =	vld [tilespmem:$0x140];
	_ =	sdelay $0x4  }
0x1bb: {  	v12 =	vshrl.u32 v3, $0x3  }
0x1bc: {  	v4 =	vmul.u32 $0x30, v12  }
0x1bd: {  	v3 =	vand.u32 $0x7, v3  }
0x1be: {  	v3 =	vor.u32 v3, v4  }
0x1bf: {  	v4 =	vperm.xlane v3, v0;
	_ =	sdelay $0x1  }
0x1c0: {  	v4 =	vadd.s32 v1, v4;
	_ =	sdelay $0x3  }
0x1c1: {  	v3 =	vperm.xlane v3, v2  }
0x1c2: {  	[tilespmem:s3], [sflag:$0x2] =	stream.indirect_vreg.gather [hbm4b:s4+s2], $0x80, v4, vm0, $0xb8;
	[tilespmem:$0x18480] =	vst v63  }
0x1c3: {  	s28 =	simm.s32 $0xCC80;
	v3 =	vadd.s32 v1, v3  }
0x1c4: {  	[tilespmem:s28], [sflag:$0x2] =	stream.indirect_vreg.gather [hbm4b:s5+s2], $0x80, v4, vm0, $0xb8;
	[tilespmem:$0x18480] =	vst v63  }
0x1c5: {  	s28 =	simm.s32 $0xD480  }
0x1c6: {  	[tilespmem:s28], [sflag:$0x2] =	stream.indirect_vreg.gather [hbm4b:s6+s2], $0x80, v4, vm0, $0xb8;
	[tilespmem:$0x18480] =	vst v63  }
0x1c7: {  	s12 =	simm.s32 $0xDC80  }
0x1c8: {  	[tilespmem:s12], [sflag:$0x2] =	stream.indirect_vreg.gather [hbm4b:s4+s2], $0x80, v3, vm0, $0xb8;
	[tilespmem:$0x18480] =	vst v63  }
0x1c9: {  	s12 =	simm.s32 $0xE480  }
0x1ca: {  	[tilespmem:s12], [sflag:$0x2] =	stream.indirect_vreg.gather [hbm4b:s5+s2], $0x80, v3, vm0, $0xb8;
	[tilespmem:$0x18480] =	vst v63  }
0x1cb: {  	s12 =	simm.s32 $0xEC80  }
0x1cc: {  	[tilespmem:s12], [sflag:$0x2] =	stream.indirect_vreg.gather [hbm4b:s6+s2], $0x80, v3, vm0, $0xb8;
	[tilespmem:$0x18480] =	vst v63  }
0x1cd: {  	v3 =	vld [tilespmem:$0x150];
	_ =	sdelay $0x4  }
0x1ce: {  	v13 =	vshrl.u32 v3, $0x3  }
0x1cf: {  	v4 =	vmul.u32 $0x30, v13  }
0x1d0: {  	v3 =	vand.u32 $0x7, v3  }
0x1d1: {  	v3 =	vor.u32 v3, v4  }
0x1d2: {  	v4 =	vperm.xlane v3, v0;
	_ =	sdelay $0x1  }
0x1d3: {  	v4 =	vadd.s32 v1, v4;
	_ =	sdelay $0x3  }
0x1d4: {  	s12 =	simm.s32 $0xF480;
	v3 =	vperm.xlane v3, v2  }
0x1d5: {  	[tilespmem:s12], [sflag:$0x2] =	stream.indirect_vreg.gather [hbm4b:s4+s2], $0x80, v4, vm0, $0xb8;
	[tilespmem:$0x18480] =	vst v63  }
0x1d6: {  	s29 =	simm.s32 $0xFC80;
	v3 =	vadd.s32 v1, v3  }
0x1d7: {  	[tilespmem:s29], [sflag:$0x2] =	stream.indirect_vreg.gather [hbm4b:s5+s2], $0x80, v4, vm0, $0xb8;
	[tilespmem:$0x18480] =	vst v63  }
0x1d8: {  	s12 =	simm.s32 $0x10480  }
0x1d9: {  	[tilespmem:s12], [sflag:$0x2] =	stream.indirect_vreg.gather [hbm4b:s6+s2], $0x80, v4, vm0, $0xb8;
	[tilespmem:$0x18480] =	vst v63  }
0x1da: {  	s12 =	simm.s32 $0x10C80  }
0x1db: {  	[tilespmem:s12], [sflag:$0x2] =	stream.indirect_vreg.gather [hbm4b:s4+s2], $0x80, v3, vm0, $0xb8;
	[tilespmem:$0x18480] =	vst v63  }
0x1dc: {  	s12 =	simm.s32 $0x11480  }
0x1dd: {  	[tilespmem:s12], [sflag:$0x2] =	stream.indirect_vreg.gather [hbm4b:s5+s2], $0x80, v3, vm0, $0xb8;
	[tilespmem:$0x18480] =	vst v63  }
0x1de: {  	s12 =	simm.s32 $0x11C80  }
0x1df: {  	[tilespmem:s12], [sflag:$0x2] =	stream.indirect_vreg.gather [hbm4b:s6+s2], $0x80, v3, vm0, $0xb8;
	[tilespmem:$0x18480] =	vst v63  }
0x1e0: {  	v3 =	vld [tilespmem:$0x160];
	_ =	sdelay $0x4  }
0x1e1: {  	v14 =	vshrl.u32 v3, $0x3  }
0x1e2: {  	v4 =	vmul.u32 $0x30, v14  }
0x1e3: {  	v3 =	vand.u32 $0x7, v3  }
0x1e4: {  	v3 =	vor.u32 v3, v4  }
0x1e5: {  	v4 =	vperm.xlane v3, v0;
	_ =	sdelay $0x1  }
0x1e6: {  	v4 =	vadd.s32 v1, v4;
	_ =	sdelay $0x3  }
0x1e7: {  	s12 =	simm.s32 $0x12480;
	v3 =	vperm.xlane v3, v2  }
0x1e8: {  	[tilespmem:s12], [sflag:$0x2] =	stream.indirect_vreg.gather [hbm4b:s4+s2], $0x80, v4, vm0, $0xb8;
	[tilespmem:$0x18480] =	vst v63  }
0x1e9: {  	s30 =	simm.s32 $0x12C80;
	v3 =	vadd.s32 v1, v3  }
0x1ea: {  	[tilespmem:s30], [sflag:$0x2] =	stream.indirect_vreg.gather [hbm4b:s5+s2], $0x80, v4, vm0, $0xb8;
	[tilespmem:$0x18480] =	vst v63  }
0x1eb: {  	s31 =	simm.s32 $0x13480  }
0x1ec: {  	[tilespmem:s31], [sflag:$0x2] =	stream.indirect_vreg.gather [hbm4b:s6+s2], $0x80, v4, vm0, $0xb8;
	[tilespmem:$0x18480] =	vst v63  }
0x1ed: {  	s12 =	simm.s32 $0x13C80  }
0x1ee: {  	[tilespmem:s12], [sflag:$0x2] =	stream.indirect_vreg.gather [hbm4b:s4+s2], $0x80, v3, vm0, $0xb8;
	[tilespmem:$0x18480] =	vst v63  }
0x1ef: {  	s12 =	simm.s32 $0x14480  }
0x1f0: {  	[tilespmem:s12], [sflag:$0x2] =	stream.indirect_vreg.gather [hbm4b:s5+s2], $0x80, v3, vm0, $0xb8;
	[tilespmem:$0x18480] =	vst v63  }
0x1f1: {  	s12 =	simm.s32 $0x14C80  }
0x1f2: {  	[tilespmem:s12], [sflag:$0x2] =	stream.indirect_vreg.gather [hbm4b:s6+s2], $0x80, v3, vm0, $0xb8;
	[tilespmem:$0x18480] =	vst v63  }
0x1f3: {  	v3 =	vld [tilespmem:$0x170];
	_ =	sdelay $0x4  }
0x1f4: {  	v15 =	vshrl.u32 v3, $0x3  }
0x1f5: {  	v4 =	vmul.u32 $0x30, v15  }
0x1f6: {  	v3 =	vand.u32 $0x7, v3  }
0x1f7: {  	v3 =	vor.u32 v3, v4  }
0x1f8: {  	v4 =	vperm.xlane v3, v0;
	_ =	sdelay $0x1  }
0x1f9: {  	v4 =	vadd.s32 v1, v4;
	_ =	sdelay $0x3  }
0x1fa: {  	s12 =	simm.s32 $0x15480;
	v3 =	vperm.xlane v3, v2  }
0x1fb: {  	[tilespmem:s12], [sflag:$0x2] =	stream.indirect_vreg.gather [hbm4b:s4+s2], $0x80, v4, vm0, $0xb8;
	[tilespmem:$0x18480] =	vst v63  }
0x1fc: {  	v3 =	vadd.s32 v1, v3;
	s12 =	simm.s32 $0x15C80  }
0x1fd: {  	[tilespmem:s12], [sflag:$0x2] =	stream.indirect_vreg.gather [hbm4b:s5+s2], $0x80, v4, vm0, $0xb8;
	[tilespmem:$0x18480] =	vst v63  }
0x1fe: {  	s12 =	simm.s32 $0x16480  }
0x1ff: {  	[tilespmem:s12], [sflag:$0x2] =	stream.indirect_vreg.gather [hbm4b:s6+s2], $0x80, v4, vm0, $0xb8;
	[tilespmem:$0x18480] =	vst v63  }
0x200: {  	s12 =	simm.s32 $0x16C80  }
0x201: {  	[tilespmem:s12], [sflag:$0x2] =	stream.indirect_vreg.gather [hbm4b:s4+s2], $0x80, v3, vm0, $0xb8;
	[tilespmem:$0x18480] =	vst v63  }
0x202: {  	s12 =	simm.s32 $0x17480  }
0x203: {  	[tilespmem:s12], [sflag:$0x2] =	stream.indirect_vreg.gather [hbm4b:s5+s2], $0x80, v3, vm0, $0xb8;
	[tilespmem:$0x18480] =	vst v63  }
0x204: {  	s12 =	simm.s32 $0x17C80  }
0x205: {  	[tilespmem:s12], [sflag:$0x2] =	stream.indirect_vreg.gather [hbm4b:s6+s2], $0x80, v3, vm0, $0xb8;
	[tilespmem:$0x18480] =	vst v63  }
0x206: {  	_ =	swait.ge [sflag:s0], $0xC000  }
0x207: {  	[sflag:s0] =	ssyncset.done $0x0  }
0x208: {  	s12 =	rddreg [dreg:$0x7];
	[sflag:s0] =	ssyncadd.s32 $0xFFFF4000  }
0x209: {  	[hbm4b:s12+s2] =	stream.linear.scatter [tilespmem:s14], [sflag:$0x3], $0xC000, $0x38;
	[tilespmem:$0x18480] =	vst v63  }
0x20a: {  	_ =	swait.ge [sflag:s8], $0xC000  }
0x20b: {  	[sflag:s8] =	ssyncset.done $0x0  }
0x20c: {  	[sflag:s8] =	ssyncadd.s32 $0xFFFF4000  }
0x20d: {  	v3 =	vld [tilespmem:$0x180];
	_ =	sdelay $0x4  }
0x20e: {  	v16 =	vshrl.u32 v3, $0x3  }
0x20f: {  	v4 =	vmul.u32 $0x30, v16  }
0x210: {  	v3 =	vand.u32 $0x7, v3  }
0x211: {  	v3 =	vor.u32 v3, v4  }
0x212: {  	v4 =	vperm.xlane v3, v0;
	_ =	sdelay $0x1  }
0x213: {  	v4 =	vadd.s32 v1, v4;
	_ =	sdelay $0x3  }
0x214: {  	v3 =	vperm.xlane v3, v2  }
0x215: {  	[tilespmem:s14], [sflag:$0x1] =	stream.indirect_vreg.gather [hbm4b:s4+s2], $0x80, v4, vm0, $0xb8;
	[tilespmem:$0x18480] =	vst v63  }
0x216: {  	s12 =	simm.s32 $0xC80;
	v3 =	vadd.s32 v1, v3  }
0x217: {  	[tilespmem:s12], [sflag:$0x1] =	stream.indirect_vreg.gather [hbm4b:s5+s2], $0x80, v4, vm0, $0xb8;
	[tilespmem:$0x18480] =	vst v63  }
0x218: {  	s1 =	simm.s32 $0x1480  }
0x219: {  	[tilespmem:s1], [sflag:$0x1] =	stream.indirect_vreg.gather [hbm4b:s6+s2], $0x80, v4, vm0, $0xb8;
	[tilespmem:$0x18480] =	vst v63  }
0x21a: {  	s15 =	simm.s32 $0x1C80  }
0x21b: {  	[tilespmem:s15], [sflag:$0x1] =	stream.indirect_vreg.gather [hbm4b:s4+s2], $0x80, v3, vm0, $0xb8;
	[tilespmem:$0x18480] =	vst v63  }
0x21c: {  	s9 =	simm.s32 $0x2480  }
0x21d: {  	[tilespmem:s9], [sflag:$0x1] =	stream.indirect_vreg.gather [hbm4b:s5+s2], $0x80, v3, vm0, $0xb8;
	[tilespmem:$0x18480] =	vst v63  }
0x21e: {  	s12 =	simm.s32 $0x2C80  }
0x21f: {  	[tilespmem:s12], [sflag:$0x1] =	stream.indirect_vreg.gather [hbm4b:s6+s2], $0x80, v3, vm0, $0xb8;
	[tilespmem:$0x18480] =	vst v63  }
0x220: {  	v3 =	vld [tilespmem:$0x190];
	_ =	sdelay $0x4  }
0x221: {  	v17 =	vshrl.u32 v3, $0x3  }
0x222: {  	v4 =	vmul.u32 $0x30, v17  }
0x223: {  	v3 =	vand.u32 $0x7, v3  }
0x224: {  	v3 =	vor.u32 v3, v4  }
0x225: {  	v4 =	vperm.xlane v3, v0;
	_ =	sdelay $0x1  }
0x226: {  	v4 =	vadd.s32 v1, v4;
	_ =	sdelay $0x3  }
0x227: {  	s12 =	simm.s32 $0x3480;
	v3 =	vperm.xlane v3, v2  }
0x228: {  	[tilespmem:s12], [sflag:$0x1] =	stream.indirect_vreg.gather [hbm4b:s4+s2], $0x80, v4, vm0, $0xb8;
	[tilespmem:$0x18480] =	vst v63  }
0x229: {  	s16 =	simm.s32 $0x3C80;
	v3 =	vadd.s32 v1, v3  }
0x22a: {  	[tilespmem:s16], [sflag:$0x1] =	stream.indirect_vreg.gather [hbm4b:s5+s2], $0x80, v4, vm0, $0xb8;
	[tilespmem:$0x18480] =	vst v63  }
0x22b: {  	s17 =	simm.s32 $0x4480  }
0x22c: {  	[tilespmem:s17], [sflag:$0x1] =	stream.indirect_vreg.gather [hbm4b:s6+s2], $0x80, v4, vm0, $0xb8;
	[tilespmem:$0x18480] =	vst v63  }
0x22d: {  	s18 =	simm.s32 $0x4C80  }
0x22e: {  	[tilespmem:s18], [sflag:$0x1] =	stream.indirect_vreg.gather [hbm4b:s4+s2], $0x80, v3, vm0, $0xb8;
	[tilespmem:$0x18480] =	vst v63  }
0x22f: {  	s19 =	simm.s32 $0x5480  }
0x230: {  	[tilespmem:s19], [sflag:$0x1] =	stream.indirect_vreg.gather [hbm4b:s5+s2], $0x80, v3, vm0, $0xb8;
	[tilespmem:$0x18480] =	vst v63  }
0x231: {  	s12 =	simm.s32 $0x5C80  }
0x232: {  	[tilespmem:s12], [sflag:$0x1] =	stream.indirect_vreg.gather [hbm4b:s6+s2], $0x80, v3, vm0, $0xb8;
	[tilespmem:$0x18480] =	vst v63  }
0x233: {  	v3 =	vld [tilespmem:$0x1A0];
	_ =	sdelay $0x4  }
0x234: {  	v18 =	vshrl.u32 v3, $0x3  }
0x235: {  	v4 =	vmul.u32 $0x30, v18  }
0x236: {  	v3 =	vand.u32 $0x7, v3  }
0x237: {  	v3 =	vor.u32 v3, v4  }
0x238: {  	v4 =	vperm.xlane v3, v0;
	_ =	sdelay $0x1  }
0x239: {  	v4 =	vadd.s32 v1, v4;
	_ =	sdelay $0x3  }
0x23a: {  	s12 =	simm.s32 $0x6480;
	v3 =	vperm.xlane v3, v2  }
0x23b: {  	[tilespmem:s12], [sflag:$0x1] =	stream.indirect_vreg.gather [hbm4b:s4+s2], $0x80, v4, vm0, $0xb8;
	[tilespmem:$0x18480] =	vst v63  }
0x23c: {  	s20 =	simm.s32 $0x6C80;
	v3 =	vadd.s32 v1, v3  }
0x23d: {  	[tilespmem:s20], [sflag:$0x1] =	stream.indirect_vreg.gather [hbm4b:s5+s2], $0x80, v4, vm0, $0xb8;
	[tilespmem:$0x18480] =	vst v63  }
0x23e: {  	s21 =	simm.s32 $0x7480  }
0x23f: {  	[tilespmem:s21], [sflag:$0x1] =	stream.indirect_vreg.gather [hbm4b:s6+s2], $0x80, v4, vm0, $0xb8;
	[tilespmem:$0x18480] =	vst v63  }
0x240: {  	s22 =	simm.s32 $0x7C80  }
0x241: {  	[tilespmem:s22], [sflag:$0x1] =	stream.indirect_vreg.gather [hbm4b:s4+s2], $0x80, v3, vm0, $0xb8;
	[tilespmem:$0x18480] =	vst v63  }
0x242: {  	s23 =	simm.s32 $0x8480  }
0x243: {  	[tilespmem:s23], [sflag:$0x1] =	stream.indirect_vreg.gather [hbm4b:s5+s2], $0x80, v3, vm0, $0xb8;
	[tilespmem:$0x18480] =	vst v63  }
0x244: {  	s12 =	simm.s32 $0x8C80  }
0x245: {  	[tilespmem:s12], [sflag:$0x1] =	stream.indirect_vreg.gather [hbm4b:s6+s2], $0x80, v3, vm0, $0xb8;
	[tilespmem:$0x18480] =	vst v63  }
0x246: {  	v3 =	vld [tilespmem:$0x1B0];
	_ =	sdelay $0x4  }
0x247: {  	v19 =	vshrl.u32 v3, $0x3  }
0x248: {  	v4 =	vmul.u32 $0x30, v19  }
0x249: {  	v3 =	vand.u32 $0x7, v3  }
0x24a: {  	v3 =	vor.u32 v3, v4  }
0x24b: {  	v4 =	vperm.xlane v3, v0;
	_ =	sdelay $0x1  }
0x24c: {  	v4 =	vadd.s32 v1, v4;
	_ =	sdelay $0x3  }
0x24d: {  	s12 =	simm.s32 $0x9480;
	v3 =	vperm.xlane v3, v2  }
0x24e: {  	[tilespmem:s12], [sflag:$0x1] =	stream.indirect_vreg.gather [hbm4b:s4+s2], $0x80, v4, vm0, $0xb8;
	[tilespmem:$0x18480] =	vst v63  }
0x24f: {  	s24 =	simm.s32 $0x9C80;
	v3 =	vadd.s32 v1, v3  }
0x250: {  	[tilespmem:s24], [sflag:$0x1] =	stream.indirect_vreg.gather [hbm4b:s5+s2], $0x80, v4, vm0, $0xb8;
	[tilespmem:$0x18480] =	vst v63  }
0x251: {  	s25 =	simm.s32 $0xA480  }
0x252: {  	[tilespmem:s25], [sflag:$0x1] =	stream.indirect_vreg.gather [hbm4b:s6+s2], $0x80, v4, vm0, $0xb8;
	[tilespmem:$0x18480] =	vst v63  }
0x253: {  	s7 =	simm.s32 $0xAC80  }
0x254: {  	[tilespmem:s7], [sflag:$0x1] =	stream.indirect_vreg.gather [hbm4b:s4+s2], $0x80, v3, vm0, $0xb8;
	[tilespmem:$0x18480] =	vst v63  }
0x255: {  	s13 =	simm.s32 $0xB480  }
0x256: {  	[tilespmem:s13], [sflag:$0x1] =	stream.indirect_vreg.gather [hbm4b:s5+s2], $0x80, v3, vm0, $0xb8;
	[tilespmem:$0x18480] =	vst v63  }
0x257: {  	s12 =	simm.s32 $0xBC80  }
0x258: {  	[tilespmem:s12], [sflag:$0x1] =	stream.indirect_vreg.gather [hbm4b:s6+s2], $0x80, v3, vm0, $0xb8;
	[tilespmem:$0x18480] =	vst v63  }
0x259: {  	_ =	swait.ge [sflag:s10], $0xC000  }
0x25a: {  	[sflag:s10] =	ssyncset.done $0x0  }
0x25b: {  	s12 =	rddreg [dreg:$0x8];
	[sflag:s10] =	ssyncadd.s32 $0xFFFF4000  }
0x25c: {  	[hbm4b:s12+s2] =	stream.linear.scatter [tilespmem:s3], [sflag:$0x4], $0xC000, $0x38;
	[tilespmem:$0x18480] =	vst v63  }
0x25d: {  	_ =	swait.ge [sflag:s11], $0xC000  }
0x25e: {  	[sflag:s11] =	ssyncset.done $0x0  }
0x25f: {  	[sflag:s11] =	ssyncadd.s32 $0xFFFF4000  }
0x260: {  	v3 =	vld [tilespmem:$0x1C0];
	_ =	sdelay $0x4  }
0x261: {  	v20 =	vshrl.u32 v3, $0x3  }
0x262: {  	v4 =	vmul.u32 $0x30, v20  }
0x263: {  	v3 =	vand.u32 $0x7, v3  }
0x264: {  	v3 =	vor.u32 v3, v4  }
0x265: {  	v4 =	vperm.xlane v3, v0;
	_ =	sdelay $0x1  }
0x266: {  	v4 =	vadd.s32 v1, v4;
	_ =	sdelay $0x3  }
0x267: {  	v3 =	vperm.xlane v3, v2  }
0x268: {  	[tilespmem:s3], [sflag:$0x2] =	stream.indirect_vreg.gather [hbm4b:s4+s2], $0x80, v4, vm0, $0xb8;
	[tilespmem:$0x18480] =	vst v63  }
0x269: {  	s26 =	simm.s32 $0xCC80;
	v3 =	vadd.s32 v1, v3  }
0x26a: {  	[tilespmem:s26], [sflag:$0x2] =	stream.indirect_vreg.gather [hbm4b:s5+s2], $0x80, v4, vm0, $0xb8;
	[tilespmem:$0x18480] =	vst v63  }
0x26b: {  	s28 =	simm.s32 $0xD480  }
0x26c: {  	[tilespmem:s28], [sflag:$0x2] =	stream.indirect_vreg.gather [hbm4b:s6+s2], $0x80, v4, vm0, $0xb8;
	[tilespmem:$0x18480] =	vst v63  }
0x26d: {  	s12 =	simm.s32 $0xDC80  }
0x26e: {  	[tilespmem:s12], [sflag:$0x2] =	stream.indirect_vreg.gather [hbm4b:s4+s2], $0x80, v3, vm0, $0xb8;
	[tilespmem:$0x18480] =	vst v63  }
0x26f: {  	s12 =	simm.s32 $0xE480  }
0x270: {  	[tilespmem:s12], [sflag:$0x2] =	stream.indirect_vreg.gather [hbm4b:s5+s2], $0x80, v3, vm0, $0xb8;
	[tilespmem:$0x18480] =	vst v63  }
0x271: {  	s12 =	simm.s32 $0xEC80  }
0x272: {  	[tilespmem:s12], [sflag:$0x2] =	stream.indirect_vreg.gather [hbm4b:s6+s2], $0x80, v3, vm0, $0xb8;
	[tilespmem:$0x18480] =	vst v63  }
0x273: {  	v3 =	vld [tilespmem:$0x1D0];
	_ =	sdelay $0x4  }
0x274: {  	v21 =	vshrl.u32 v3, $0x3  }
0x275: {  	v4 =	vmul.u32 $0x30, v21  }
0x276: {  	v3 =	vand.u32 $0x7, v3  }
0x277: {  	v3 =	vor.u32 v3, v4  }
0x278: {  	v4 =	vperm.xlane v3, v0;
	_ =	sdelay $0x1  }
0x279: {  	v4 =	vadd.s32 v1, v4;
	_ =	sdelay $0x3  }
0x27a: {  	s12 =	simm.s32 $0xF480;
	v3 =	vperm.xlane v3, v2  }
0x27b: {  	[tilespmem:s12], [sflag:$0x2] =	stream.indirect_vreg.gather [hbm4b:s4+s2], $0x80, v4, vm0, $0xb8;
	[tilespmem:$0x18480] =	vst v63  }
0x27c: {  	s29 =	simm.s32 $0xFC80;
	v3 =	vadd.s32 v1, v3  }
0x27d: {  	[tilespmem:s29], [sflag:$0x2] =	stream.indirect_vreg.gather [hbm4b:s5+s2], $0x80, v4, vm0, $0xb8;
	[tilespmem:$0x18480] =	vst v63  }
0x27e: {  	s12 =	simm.s32 $0x10480  }
0x27f: {  	[tilespmem:s12], [sflag:$0x2] =	stream.indirect_vreg.gather [hbm4b:s6+s2], $0x80, v4, vm0, $0xb8;
	[tilespmem:$0x18480] =	vst v63  }
0x280: {  	s12 =	simm.s32 $0x10C80  }
0x281: {  	[tilespmem:s12], [sflag:$0x2] =	stream.indirect_vreg.gather [hbm4b:s4+s2], $0x80, v3, vm0, $0xb8;
	[tilespmem:$0x18480] =	vst v63  }
0x282: {  	s12 =	simm.s32 $0x11480  }
0x283: {  	[tilespmem:s12], [sflag:$0x2] =	stream.indirect_vreg.gather [hbm4b:s5+s2], $0x80, v3, vm0, $0xb8;
	[tilespmem:$0x18480] =	vst v63  }
0x284: {  	s12 =	simm.s32 $0x11C80  }
0x285: {  	[tilespmem:s12], [sflag:$0x2] =	stream.indirect_vreg.gather [hbm4b:s6+s2], $0x80, v3, vm0, $0xb8;
	[tilespmem:$0x18480] =	vst v63  }
0x286: {  	v3 =	vld [tilespmem:$0x1E0];
	_ =	sdelay $0x4  }
0x287: {  	v22 =	vshrl.u32 v3, $0x3  }
0x288: {  	v4 =	vmul.u32 $0x30, v22  }
0x289: {  	v3 =	vand.u32 $0x7, v3  }
0x28a: {  	v3 =	vor.u32 v3, v4  }
0x28b: {  	v4 =	vperm.xlane v3, v0;
	_ =	sdelay $0x1  }
0x28c: {  	v4 =	vadd.s32 v1, v4;
	_ =	sdelay $0x3  }
0x28d: {  	s12 =	simm.s32 $0x12480;
	v3 =	vperm.xlane v3, v2  }
0x28e: {  	[tilespmem:s12], [sflag:$0x2] =	stream.indirect_vreg.gather [hbm4b:s4+s2], $0x80, v4, vm0, $0xb8;
	[tilespmem:$0x18480] =	vst v63  }
0x28f: {  	s30 =	simm.s32 $0x12C80;
	v3 =	vadd.s32 v1, v3  }
0x290: {  	[tilespmem:s30], [sflag:$0x2] =	stream.indirect_vreg.gather [hbm4b:s5+s2], $0x80, v4, vm0, $0xb8;
	[tilespmem:$0x18480] =	vst v63  }
0x291: {  	s31 =	simm.s32 $0x13480  }
0x292: {  	[tilespmem:s31], [sflag:$0x2] =	stream.indirect_vreg.gather [hbm4b:s6+s2], $0x80, v4, vm0, $0xb8;
	[tilespmem:$0x18480] =	vst v63  }
0x293: {  	s12 =	simm.s32 $0x13C80  }
0x294: {  	[tilespmem:s12], [sflag:$0x2] =	stream.indirect_vreg.gather [hbm4b:s4+s2], $0x80, v3, vm0, $0xb8;
	[tilespmem:$0x18480] =	vst v63  }
0x295: {  	s12 =	simm.s32 $0x14480  }
0x296: {  	[tilespmem:s12], [sflag:$0x2] =	stream.indirect_vreg.gather [hbm4b:s5+s2], $0x80, v3, vm0, $0xb8;
	[tilespmem:$0x18480] =	vst v63  }
0x297: {  	s12 =	simm.s32 $0x14C80  }
0x298: {  	[tilespmem:s12], [sflag:$0x2] =	stream.indirect_vreg.gather [hbm4b:s6+s2], $0x80, v3, vm0, $0xb8;
	[tilespmem:$0x18480] =	vst v63  }
0x299: {  	v3 =	vld [tilespmem:$0x1F0];
	_ =	sdelay $0x4  }
0x29a: {  	v23 =	vshrl.u32 v3, $0x3  }
0x29b: {  	v4 =	vmul.u32 $0x30, v23  }
0x29c: {  	v3 =	vand.u32 $0x7, v3  }
0x29d: {  	v3 =	vor.u32 v3, v4  }
0x29e: {  	v4 =	vperm.xlane v3, v0;
	_ =	sdelay $0x1  }
0x29f: {  	v4 =	vadd.s32 v1, v4;
	_ =	sdelay $0x3  }
0x2a0: {  	s12 =	simm.s32 $0x15480;
	v3 =	vperm.xlane v3, v2  }
0x2a1: {  	[tilespmem:s12], [sflag:$0x2] =	stream.indirect_vreg.gather [hbm4b:s4+s2], $0x80, v4, vm0, $0xb8;
	[tilespmem:$0x18480] =	vst v63  }
0x2a2: {  	v3 =	vadd.s32 v1, v3;
	s12 =	simm.s32 $0x15C80  }
0x2a3: {  	[tilespmem:s12], [sflag:$0x2] =	stream.indirect_vreg.gather [hbm4b:s5+s2], $0x80, v4, vm0, $0xb8;
	[tilespmem:$0x18480] =	vst v63  }
0x2a4: {  	s12 =	simm.s32 $0x16480  }
0x2a5: {  	[tilespmem:s12], [sflag:$0x2] =	stream.indirect_vreg.gather [hbm4b:s6+s2], $0x80, v4, vm0, $0xb8;
	[tilespmem:$0x18480] =	vst v63  }
0x2a6: {  	s12 =	simm.s32 $0x16C80  }
0x2a7: {  	[tilespmem:s12], [sflag:$0x2] =	stream.indirect_vreg.gather [hbm4b:s4+s2], $0x80, v3, vm0, $0xb8;
	[tilespmem:$0x18480] =	vst v63  }
0x2a8: {  	s12 =	simm.s32 $0x17480  }
0x2a9: {  	[tilespmem:s12], [sflag:$0x2] =	stream.indirect_vreg.gather [hbm4b:s5+s2], $0x80, v3, vm0, $0xb8;
	[tilespmem:$0x18480] =	vst v63  }
0x2aa: {  	s12 =	simm.s32 $0x17C80  }
0x2ab: {  	[tilespmem:s12], [sflag:$0x2] =	stream.indirect_vreg.gather [hbm4b:s6+s2], $0x80, v3, vm0, $0xb8;
	[tilespmem:$0x18480] =	vst v63  }
0x2ac: {  	_ =	swait.ge [sflag:s0], $0xC000  }
0x2ad: {  	[sflag:s0] =	ssyncset.done $0x0  }
0x2ae: {  	s12 =	rddreg [dreg:$0x9];
	[sflag:s0] =	ssyncadd.s32 $0xFFFF4000  }
0x2af: {  	[hbm4b:s12+s2] =	stream.linear.scatter [tilespmem:s14], [sflag:$0x3], $0xC000, $0x38;
	[tilespmem:$0x18480] =	vst v63  }
0x2b0: {  	_ =	swait.ge [sflag:s8], $0xC000  }
0x2b1: {  	[sflag:s8] =	ssyncset.done $0x0  }
0x2b2: {  	[sflag:s8] =	ssyncadd.s32 $0xFFFF4000  }
0x2b3: {  	v3 =	vld [tilespmem:$0x200];
	_ =	sdelay $0x4  }
0x2b4: {  	v24 =	vshrl.u32 v3, $0x3  }
0x2b5: {  	v4 =	vmul.u32 $0x30, v24  }
0x2b6: {  	v3 =	vand.u32 $0x7, v3  }
0x2b7: {  	v3 =	vor.u32 v3, v4  }
0x2b8: {  	v4 =	vperm.xlane v3, v0;
	_ =	sdelay $0x1  }
0x2b9: {  	v4 =	vadd.s32 v1, v4;
	_ =	sdelay $0x3  }
0x2ba: {  	v3 =	vperm.xlane v3, v2  }
0x2bb: {  	[tilespmem:s14], [sflag:$0x1] =	stream.indirect_vreg.gather [hbm4b:s4+s2], $0x80, v4, vm0, $0xb8;
	[tilespmem:$0x18480] =	vst v63  }
0x2bc: {  	s12 =	simm.s32 $0xC80;
	v3 =	vadd.s32 v1, v3  }
0x2bd: {  	[tilespmem:s12], [sflag:$0x1] =	stream.indirect_vreg.gather [hbm4b:s5+s2], $0x80, v4, vm0, $0xb8;
	[tilespmem:$0x18480] =	vst v63  }
0x2be: {  	s1 =	simm.s32 $0x1480  }
0x2bf: {  	[tilespmem:s1], [sflag:$0x1] =	stream.indirect_vreg.gather [hbm4b:s6+s2], $0x80, v4, vm0, $0xb8;
	[tilespmem:$0x18480] =	vst v63  }
0x2c0: {  	s15 =	simm.s32 $0x1C80  }
0x2c1: {  	[tilespmem:s15], [sflag:$0x1] =	stream.indirect_vreg.gather [hbm4b:s4+s2], $0x80, v3, vm0, $0xb8;
	[tilespmem:$0x18480] =	vst v63  }
0x2c2: {  	s9 =	simm.s32 $0x2480  }
0x2c3: {  	[tilespmem:s9], [sflag:$0x1] =	stream.indirect_vreg.gather [hbm4b:s5+s2], $0x80, v3, vm0, $0xb8;
	[tilespmem:$0x18480] =	vst v63  }
0x2c4: {  	s15 =	simm.s32 $0x2C80  }
0x2c5: {  	[tilespmem:s15], [sflag:$0x1] =	stream.indirect_vreg.gather [hbm4b:s6+s2], $0x80, v3, vm0, $0xb8;
	[tilespmem:$0x18480] =	vst v63  }
0x2c6: {  	v3 =	vld [tilespmem:$0x210];
	_ =	sdelay $0x4  }
0x2c7: {  	v25 =	vshrl.u32 v3, $0x3  }
0x2c8: {  	v4 =	vmul.u32 $0x30, v25  }
0x2c9: {  	v3 =	vand.u32 $0x7, v3  }
0x2ca: {  	v3 =	vor.u32 v3, v4  }
0x2cb: {  	v4 =	vperm.xlane v3, v0;
	_ =	sdelay $0x1  }
0x2cc: {  	v4 =	vadd.s32 v1, v4;
	_ =	sdelay $0x3  }
0x2cd: {  	s15 =	simm.s32 $0x3480;
	v3 =	vperm.xlane v3, v2  }
0x2ce: {  	[tilespmem:s15], [sflag:$0x1] =	stream.indirect_vreg.gather [hbm4b:s4+s2], $0x80, v4, vm0, $0xb8;
	[tilespmem:$0x18480] =	vst v63  }
0x2cf: {  	s16 =	simm.s32 $0x3C80;
	v3 =	vadd.s32 v1, v3  }
0x2d0: {  	[tilespmem:s16], [sflag:$0x1] =	stream.indirect_vreg.gather [hbm4b:s5+s2], $0x80, v4, vm0, $0xb8;
	[tilespmem:$0x18480] =	vst v63  }
0x2d1: {  	s17 =	simm.s32 $0x4480  }
0x2d2: {  	[tilespmem:s17], [sflag:$0x1] =	stream.indirect_vreg.gather [hbm4b:s6+s2], $0x80, v4, vm0, $0xb8;
	[tilespmem:$0x18480] =	vst v63  }
0x2d3: {  	s18 =	simm.s32 $0x4C80  }
0x2d4: {  	[tilespmem:s18], [sflag:$0x1] =	stream.indirect_vreg.gather [hbm4b:s4+s2], $0x80, v3, vm0, $0xb8;
	[tilespmem:$0x18480] =	vst v63  }
0x2d5: {  	s19 =	simm.s32 $0x5480  }
0x2d6: {  	[tilespmem:s19], [sflag:$0x1] =	stream.indirect_vreg.gather [hbm4b:s5+s2], $0x80, v3, vm0, $0xb8;
	[tilespmem:$0x18480] =	vst v63  }
0x2d7: {  	s19 =	simm.s32 $0x5C80  }
0x2d8: {  	[tilespmem:s19], [sflag:$0x1] =	stream.indirect_vreg.gather [hbm4b:s6+s2], $0x80, v3, vm0, $0xb8;
	[tilespmem:$0x18480] =	vst v63  }
0x2d9: {  	v3 =	vld [tilespmem:$0x220];
	_ =	sdelay $0x4  }
0x2da: {  	v26 =	vshrl.u32 v3, $0x3  }
0x2db: {  	v4 =	vmul.u32 $0x30, v26  }
0x2dc: {  	v3 =	vand.u32 $0x7, v3  }
0x2dd: {  	v3 =	vor.u32 v3, v4  }
0x2de: {  	v4 =	vperm.xlane v3, v0;
	_ =	sdelay $0x1  }
0x2df: {  	v4 =	vadd.s32 v1, v4;
	_ =	sdelay $0x3  }
0x2e0: {  	s19 =	simm.s32 $0x6480;
	v3 =	vperm.xlane v3, v2  }
0x2e1: {  	[tilespmem:s19], [sflag:$0x1] =	stream.indirect_vreg.gather [hbm4b:s4+s2], $0x80, v4, vm0, $0xb8;
	[tilespmem:$0x18480] =	vst v63  }
0x2e2: {  	s20 =	simm.s32 $0x6C80;
	v3 =	vadd.s32 v1, v3  }
0x2e3: {  	[tilespmem:s20], [sflag:$0x1] =	stream.indirect_vreg.gather [hbm4b:s5+s2], $0x80, v4, vm0, $0xb8;
	[tilespmem:$0x18480] =	vst v63  }
0x2e4: {  	s21 =	simm.s32 $0x7480  }
0x2e5: {  	[tilespmem:s21], [sflag:$0x1] =	stream.indirect_vreg.gather [hbm4b:s6+s2], $0x80, v4, vm0, $0xb8;
	[tilespmem:$0x18480] =	vst v63  }
0x2e6: {  	s22 =	simm.s32 $0x7C80  }
0x2e7: {  	[tilespmem:s22], [sflag:$0x1] =	stream.indirect_vreg.gather [hbm4b:s4+s2], $0x80, v3, vm0, $0xb8;
	[tilespmem:$0x18480] =	vst v63  }
0x2e8: {  	s23 =	simm.s32 $0x8480  }
0x2e9: {  	[tilespmem:s23], [sflag:$0x1] =	stream.indirect_vreg.gather [hbm4b:s5+s2], $0x80, v3, vm0, $0xb8;
	[tilespmem:$0x18480] =	vst v63  }
0x2ea: {  	s23 =	simm.s32 $0x8C80  }
0x2eb: {  	[tilespmem:s23], [sflag:$0x1] =	stream.indirect_vreg.gather [hbm4b:s6+s2], $0x80, v3, vm0, $0xb8;
	[tilespmem:$0x18480] =	vst v63  }
0x2ec: {  	v3 =	vld [tilespmem:$0x230];
	_ =	sdelay $0x4  }
0x2ed: {  	v27 =	vshrl.u32 v3, $0x3  }
0x2ee: {  	v4 =	vmul.u32 $0x30, v27  }
0x2ef: {  	v3 =	vand.u32 $0x7, v3  }
0x2f0: {  	v3 =	vor.u32 v3, v4  }
0x2f1: {  	v4 =	vperm.xlane v3, v0;
	_ =	sdelay $0x1  }
0x2f2: {  	v4 =	vadd.s32 v1, v4;
	_ =	sdelay $0x3  }
0x2f3: {  	s23 =	simm.s32 $0x9480;
	v3 =	vperm.xlane v3, v2  }
0x2f4: {  	[tilespmem:s23], [sflag:$0x1] =	stream.indirect_vreg.gather [hbm4b:s4+s2], $0x80, v4, vm0, $0xb8;
	[tilespmem:$0x18480] =	vst v63  }
0x2f5: {  	s24 =	simm.s32 $0x9C80;
	v3 =	vadd.s32 v1, v3  }
0x2f6: {  	[tilespmem:s24], [sflag:$0x1] =	stream.indirect_vreg.gather [hbm4b:s5+s2], $0x80, v4, vm0, $0xb8;
	[tilespmem:$0x18480] =	vst v63  }
0x2f7: {  	s25 =	simm.s32 $0xA480  }
0x2f8: {  	[tilespmem:s25], [sflag:$0x1] =	stream.indirect_vreg.gather [hbm4b:s6+s2], $0x80, v4, vm0, $0xb8;
	[tilespmem:$0x18480] =	vst v63  }
0x2f9: {  	s7 =	simm.s32 $0xAC80  }
0x2fa: {  	[tilespmem:s7], [sflag:$0x1] =	stream.indirect_vreg.gather [hbm4b:s4+s2], $0x80, v3, vm0, $0xb8;
	[tilespmem:$0x18480] =	vst v63  }
0x2fb: {  	s13 =	simm.s32 $0xB480  }
0x2fc: {  	[tilespmem:s13], [sflag:$0x1] =	stream.indirect_vreg.gather [hbm4b:s5+s2], $0x80, v3, vm0, $0xb8;
	[tilespmem:$0x18480] =	vst v63  }
0x2fd: {  	s25 =	simm.s32 $0xBC80  }
0x2fe: {  	[tilespmem:s25], [sflag:$0x1] =	stream.indirect_vreg.gather [hbm4b:s6+s2], $0x80, v3, vm0, $0xb8;
	[tilespmem:$0x18480] =	vst v63  }
0x2ff: {  	_ =	swait.ge [sflag:s10], $0xC000  }
0x300: {  	[sflag:s10] =	ssyncset.done $0x0  }
0x301: {  	s25 =	rddreg [dreg:$0xa];
	[sflag:s10] =	ssyncadd.s32 $0xFFFF4000  }
0x302: {  	[hbm4b:s25+s2] =	stream.linear.scatter [tilespmem:s3], [sflag:$0x4], $0xC000, $0x38;
	[tilespmem:$0x18480] =	vst v63  }
0x303: {  	_ =	swait.ge [sflag:s11], $0xC000  }
0x304: {  	[sflag:s11] =	ssyncset.done $0x0  }
0x305: {  	[sflag:s11] =	ssyncadd.s32 $0xFFFF4000  }
0x306: {  	v3 =	vld [tilespmem:$0x240];
	_ =	sdelay $0x4  }
0x307: {  	v28 =	vshrl.u32 v3, $0x3  }
0x308: {  	v4 =	vmul.u32 $0x30, v28  }
0x309: {  	v3 =	vand.u32 $0x7, v3  }
0x30a: {  	v3 =	vor.u32 v3, v4  }
0x30b: {  	v4 =	vperm.xlane v3, v0;
	_ =	sdelay $0x1  }
0x30c: {  	v4 =	vadd.s32 v1, v4;
	_ =	sdelay $0x3  }
0x30d: {  	v3 =	vperm.xlane v3, v2  }
0x30e: {  	[tilespmem:s3], [sflag:$0x2] =	stream.indirect_vreg.gather [hbm4b:s4+s2], $0x80, v4, vm0, $0xb8;
	[tilespmem:$0x18480] =	vst v63  }
0x30f: {  	s26 =	simm.s32 $0xCC80;
	v3 =	vadd.s32 v1, v3  }
0x310: {  	[tilespmem:s26], [sflag:$0x2] =	stream.indirect_vreg.gather [hbm4b:s5+s2], $0x80, v4, vm0, $0xb8;
	[tilespmem:$0x18480] =	vst v63  }
0x311: {  	s28 =	simm.s32 $0xD480  }
0x312: {  	[tilespmem:s28], [sflag:$0x2] =	stream.indirect_vreg.gather [hbm4b:s6+s2], $0x80, v4, vm0, $0xb8;
	[tilespmem:$0x18480] =	vst v63  }
0x313: {  	s28 =	simm.s32 $0xDC80  }
0x314: {  	[tilespmem:s28], [sflag:$0x2] =	stream.indirect_vreg.gather [hbm4b:s4+s2], $0x80, v3, vm0, $0xb8;
	[tilespmem:$0x18480] =	vst v63  }
0x315: {  	s12 =	simm.s32 $0xE480  }
0x316: {  	[tilespmem:s12], [sflag:$0x2] =	stream.indirect_vreg.gather [hbm4b:s5+s2], $0x80, v3, vm0, $0xb8;
	[tilespmem:$0x18480] =	vst v63  }
0x317: {  	s12 =	simm.s32 $0xEC80  }
0x318: {  	[tilespmem:s12], [sflag:$0x2] =	stream.indirect_vreg.gather [hbm4b:s6+s2], $0x80, v3, vm0, $0xb8;
	[tilespmem:$0x18480] =	vst v63  }
0x319: {  	v3 =	vld [tilespmem:$0x250];
	_ =	sdelay $0x4  }
0x31a: {  	v29 =	vshrl.u32 v3, $0x3  }
0x31b: {  	v4 =	vmul.u32 $0x30, v29  }
0x31c: {  	v3 =	vand.u32 $0x7, v3  }
0x31d: {  	v3 =	vor.u32 v3, v4  }
0x31e: {  	v4 =	vperm.xlane v3, v0;
	_ =	sdelay $0x1  }
0x31f: {  	v4 =	vadd.s32 v1, v4;
	_ =	sdelay $0x3  }
0x320: {  	s12 =	simm.s32 $0xF480;
	v3 =	vperm.xlane v3, v2  }
0x321: {  	[tilespmem:s12], [sflag:$0x2] =	stream.indirect_vreg.gather [hbm4b:s4+s2], $0x80, v4, vm0, $0xb8;
	[tilespmem:$0x18480] =	vst v63  }
0x322: {  	s29 =	simm.s32 $0xFC80;
	v3 =	vadd.s32 v1, v3  }
0x323: {  	[tilespmem:s29], [sflag:$0x2] =	stream.indirect_vreg.gather [hbm4b:s5+s2], $0x80, v4, vm0, $0xb8;
	[tilespmem:$0x18480] =	vst v63  }
0x324: {  	s12 =	simm.s32 $0x10480  }
0x325: {  	[tilespmem:s12], [sflag:$0x2] =	stream.indirect_vreg.gather [hbm4b:s6+s2], $0x80, v4, vm0, $0xb8;
	[tilespmem:$0x18480] =	vst v63  }
0x326: {  	s12 =	simm.s32 $0x10C80  }
0x327: {  	[tilespmem:s12], [sflag:$0x2] =	stream.indirect_vreg.gather [hbm4b:s4+s2], $0x80, v3, vm0, $0xb8;
	[tilespmem:$0x18480] =	vst v63  }
0x328: {  	s12 =	simm.s32 $0x11480  }
0x329: {  	[tilespmem:s12], [sflag:$0x2] =	stream.indirect_vreg.gather [hbm4b:s5+s2], $0x80, v3, vm0, $0xb8;
	[tilespmem:$0x18480] =	vst v63  }
0x32a: {  	s12 =	simm.s32 $0x11C80  }
0x32b: {  	[tilespmem:s12], [sflag:$0x2] =	stream.indirect_vreg.gather [hbm4b:s6+s2], $0x80, v3, vm0, $0xb8;
	[tilespmem:$0x18480] =	vst v63  }
0x32c: {  	v3 =	vld [tilespmem:$0x260];
	_ =	sdelay $0x4  }
0x32d: {  	v30 =	vshrl.u32 v3, $0x3  }
0x32e: {  	v4 =	vmul.u32 $0x30, v30  }
0x32f: {  	v3 =	vand.u32 $0x7, v3  }
0x330: {  	v3 =	vor.u32 v3, v4  }
0x331: {  	v4 =	vperm.xlane v3, v0;
	_ =	sdelay $0x1  }
0x332: {  	v4 =	vadd.s32 v1, v4;
	_ =	sdelay $0x3  }
0x333: {  	s12 =	simm.s32 $0x12480;
	v3 =	vperm.xlane v3, v2  }
0x334: {  	[tilespmem:s12], [sflag:$0x2] =	stream.indirect_vreg.gather [hbm4b:s4+s2], $0x80, v4, vm0, $0xb8;
	[tilespmem:$0x18480] =	vst v63  }
0x335: {  	s30 =	simm.s32 $0x12C80;
	v3 =	vadd.s32 v1, v3  }
0x336: {  	[tilespmem:s30], [sflag:$0x2] =	stream.indirect_vreg.gather [hbm4b:s5+s2], $0x80, v4, vm0, $0xb8;
	[tilespmem:$0x18480] =	vst v63  }
0x337: {  	s31 =	simm.s32 $0x13480  }
0x338: {  	[tilespmem:s31], [sflag:$0x2] =	stream.indirect_vreg.gather [hbm4b:s6+s2], $0x80, v4, vm0, $0xb8;
	[tilespmem:$0x18480] =	vst v63  }
0x339: {  	s12 =	simm.s32 $0x13C80  }
0x33a: {  	[tilespmem:s12], [sflag:$0x2] =	stream.indirect_vreg.gather [hbm4b:s4+s2], $0x80, v3, vm0, $0xb8;
	[tilespmem:$0x18480] =	vst v63  }
0x33b: {  	s12 =	simm.s32 $0x14480  }
0x33c: {  	[tilespmem:s12], [sflag:$0x2] =	stream.indirect_vreg.gather [hbm4b:s5+s2], $0x80, v3, vm0, $0xb8;
	[tilespmem:$0x18480] =	vst v63  }
0x33d: {  	s12 =	simm.s32 $0x14C80  }
0x33e: {  	[tilespmem:s12], [sflag:$0x2] =	stream.indirect_vreg.gather [hbm4b:s6+s2], $0x80, v3, vm0, $0xb8;
	[tilespmem:$0x18480] =	vst v63  }
0x33f: {  	v3 =	vld [tilespmem:$0x270];
	_ =	sdelay $0x4  }
0x340: {  	v31 =	vshrl.u32 v3, $0x3  }
0x341: {  	v4 =	vmul.u32 $0x30, v31  }
0x342: {  	v3 =	vand.u32 $0x7, v3  }
0x343: {  	v3 =	vor.u32 v3, v4  }
0x344: {  	v4 =	vperm.xlane v3, v0;
	_ =	sdelay $0x1  }
0x345: {  	v4 =	vadd.s32 v1, v4;
	_ =	sdelay $0x3  }
0x346: {  	s12 =	simm.s32 $0x15480;
	v3 =	vperm.xlane v3, v2  }
0x347: {  	[tilespmem:s12], [sflag:$0x2] =	stream.indirect_vreg.gather [hbm4b:s4+s2], $0x80, v4, vm0, $0xb8;
	[tilespmem:$0x18480] =	vst v63  }
0x348: {  	v3 =	vadd.s32 v1, v3;
	s12 =	simm.s32 $0x15C80  }
0x349: {  	[tilespmem:s12], [sflag:$0x2] =	stream.indirect_vreg.gather [hbm4b:s5+s2], $0x80, v4, vm0, $0xb8;
	[tilespmem:$0x18480] =	vst v63  }
0x34a: {  	s12 =	simm.s32 $0x16480  }
0x34b: {  	[tilespmem:s12], [sflag:$0x2] =	stream.indirect_vreg.gather [hbm4b:s6+s2], $0x80, v4, vm0, $0xb8;
	[tilespmem:$0x18480] =	vst v63  }
0x34c: {  	s12 =	simm.s32 $0x16C80  }
0x34d: {  	[tilespmem:s12], [sflag:$0x2] =	stream.indirect_vreg.gather [hbm4b:s4+s2], $0x80, v3, vm0, $0xb8;
	[tilespmem:$0x18480] =	vst v63  }
0x34e: {  	s12 =	simm.s32 $0x17480  }
0x34f: {  	[tilespmem:s12], [sflag:$0x2] =	stream.indirect_vreg.gather [hbm4b:s5+s2], $0x80, v3, vm0, $0xb8;
	[tilespmem:$0x18480] =	vst v63  }
0x350: {  	s12 =	simm.s32 $0x17C80  }
0x351: {  	[tilespmem:s12], [sflag:$0x2] =	stream.indirect_vreg.gather [hbm4b:s6+s2], $0x80, v3, vm0, $0xb8;
	[tilespmem:$0x18480] =	vst v63  }
0x352: {  	_ =	swait.ge [sflag:s0], $0xC000  }
0x353: {  	[sflag:s0] =	ssyncset.done $0x0  }
0x354: {  	s12 =	rddreg [dreg:$0xb];
	[sflag:s0] =	ssyncadd.s32 $0xFFFF4000  }
0x355: {  	[hbm4b:s12+s2] =	stream.linear.scatter [tilespmem:s14], [sflag:$0x3], $0xC000, $0x38;
	[tilespmem:$0x18480] =	vst v63  }
0x356: {  	_ =	swait.ge [sflag:s8], $0xC000  }
0x357: {  	[sflag:s8] =	ssyncset.done $0x0  }
0x358: {  	[sflag:s8] =	ssyncadd.s32 $0xFFFF4000  }
0x359: {  	v3 =	vld [tilespmem:$0x280];
	_ =	sdelay $0x4  }
0x35a: {  	v32 =	vshrl.u32 v3, $0x3  }
0x35b: {  	v4 =	vmul.u32 $0x30, v32  }
0x35c: {  	v3 =	vand.u32 $0x7, v3  }
0x35d: {  	v3 =	vor.u32 v3, v4  }
0x35e: {  	v4 =	vperm.xlane v3, v0;
	_ =	sdelay $0x1  }
0x35f: {  	v4 =	vadd.s32 v1, v4;
	_ =	sdelay $0x3  }
0x360: {  	v3 =	vperm.xlane v3, v2  }
0x361: {  	[tilespmem:s14], [sflag:$0x1] =	stream.indirect_vreg.gather [hbm4b:s4+s2], $0x80, v4, vm0, $0xb8;
	[tilespmem:$0x18480] =	vst v63  }
0x362: {  	s12 =	simm.s32 $0xC80;
	v3 =	vadd.s32 v1, v3  }
0x363: {  	[tilespmem:s12], [sflag:$0x1] =	stream.indirect_vreg.gather [hbm4b:s5+s2], $0x80, v4, vm0, $0xb8;
	[tilespmem:$0x18480] =	vst v63  }
0x364: {  	s1 =	simm.s32 $0x1480  }
0x365: {  	[tilespmem:s1], [sflag:$0x1] =	stream.indirect_vreg.gather [hbm4b:s6+s2], $0x80, v4, vm0, $0xb8;
	[tilespmem:$0x18480] =	vst v63  }
0x366: {  	s12 =	simm.s32 $0x1C80  }
0x367: {  	[tilespmem:s12], [sflag:$0x1] =	stream.indirect_vreg.gather [hbm4b:s4+s2], $0x80, v3, vm0, $0xb8;
	[tilespmem:$0x18480] =	vst v63  }
0x368: {  	s9 =	simm.s32 $0x2480  }
0x369: {  	[tilespmem:s9], [sflag:$0x1] =	stream.indirect_vreg.gather [hbm4b:s5+s2], $0x80, v3, vm0, $0xb8;
	[tilespmem:$0x18480] =	vst v63  }
0x36a: {  	s12 =	simm.s32 $0x2C80  }
0x36b: {  	[tilespmem:s12], [sflag:$0x1] =	stream.indirect_vreg.gather [hbm4b:s6+s2], $0x80, v3, vm0, $0xb8;
	[tilespmem:$0x18480] =	vst v63  }
0x36c: {  	v3 =	vld [tilespmem:$0x290];
	_ =	sdelay $0x4  }
0x36d: {  	v33 =	vshrl.u32 v3, $0x3  }
0x36e: {  	v4 =	vmul.u32 $0x30, v33  }
0x36f: {  	v3 =	vand.u32 $0x7, v3  }
0x370: {  	v3 =	vor.u32 v3, v4  }
0x371: {  	v4 =	vperm.xlane v3, v0;
	_ =	sdelay $0x1  }
0x372: {  	v4 =	vadd.s32 v1, v4;
	_ =	sdelay $0x3  }
0x373: {  	s12 =	simm.s32 $0x3480;
	v3 =	vperm.xlane v3, v2  }
0x374: {  	[tilespmem:s12], [sflag:$0x1] =	stream.indirect_vreg.gather [hbm4b:s4+s2], $0x80, v4, vm0, $0xb8;
	[tilespmem:$0x18480] =	vst v63  }
0x375: {  	s15 =	simm.s32 $0x3C80;
	v3 =	vadd.s32 v1, v3  }
0x376: {  	[tilespmem:s15], [sflag:$0x1] =	stream.indirect_vreg.gather [hbm4b:s5+s2], $0x80, v4, vm0, $0xb8;
	[tilespmem:$0x18480] =	vst v63  }
0x377: {  	s16 =	simm.s32 $0x4480  }
0x378: {  	[tilespmem:s16], [sflag:$0x1] =	stream.indirect_vreg.gather [hbm4b:s6+s2], $0x80, v4, vm0, $0xb8;
	[tilespmem:$0x18480] =	vst v63  }
0x379: {  	s17 =	simm.s32 $0x4C80  }
0x37a: {  	[tilespmem:s17], [sflag:$0x1] =	stream.indirect_vreg.gather [hbm4b:s4+s2], $0x80, v3, vm0, $0xb8;
	[tilespmem:$0x18480] =	vst v63  }
0x37b: {  	s18 =	simm.s32 $0x5480  }
0x37c: {  	[tilespmem:s18], [sflag:$0x1] =	stream.indirect_vreg.gather [hbm4b:s5+s2], $0x80, v3, vm0, $0xb8;
	[tilespmem:$0x18480] =	vst v63  }
0x37d: {  	s12 =	simm.s32 $0x5C80  }
0x37e: {  	[tilespmem:s12], [sflag:$0x1] =	stream.indirect_vreg.gather [hbm4b:s6+s2], $0x80, v3, vm0, $0xb8;
	[tilespmem:$0x18480] =	vst v63  }
0x37f: {  	v3 =	vld [tilespmem:$0x2A0];
	_ =	sdelay $0x4  }
0x380: {  	v34 =	vshrl.u32 v3, $0x3  }
0x381: {  	v4 =	vmul.u32 $0x30, v34  }
0x382: {  	v3 =	vand.u32 $0x7, v3  }
0x383: {  	v3 =	vor.u32 v3, v4  }
0x384: {  	v4 =	vperm.xlane v3, v0;
	_ =	sdelay $0x1  }
0x385: {  	v4 =	vadd.s32 v1, v4;
	_ =	sdelay $0x3  }
0x386: {  	s12 =	simm.s32 $0x6480;
	v3 =	vperm.xlane v3, v2  }
0x387: {  	[tilespmem:s12], [sflag:$0x1] =	stream.indirect_vreg.gather [hbm4b:s4+s2], $0x80, v4, vm0, $0xb8;
	[tilespmem:$0x18480] =	vst v63  }
0x388: {  	s19 =	simm.s32 $0x6C80;
	v3 =	vadd.s32 v1, v3  }
0x389: {  	[tilespmem:s19], [sflag:$0x1] =	stream.indirect_vreg.gather [hbm4b:s5+s2], $0x80, v4, vm0, $0xb8;
	[tilespmem:$0x18480] =	vst v63  }
0x38a: {  	s20 =	simm.s32 $0x7480  }
0x38b: {  	[tilespmem:s20], [sflag:$0x1] =	stream.indirect_vreg.gather [hbm4b:s6+s2], $0x80, v4, vm0, $0xb8;
	[tilespmem:$0x18480] =	vst v63  }
0x38c: {  	s21 =	simm.s32 $0x7C80  }
0x38d: {  	[tilespmem:s21], [sflag:$0x1] =	stream.indirect_vreg.gather [hbm4b:s4+s2], $0x80, v3, vm0, $0xb8;
	[tilespmem:$0x18480] =	vst v63  }
0x38e: {  	s22 =	simm.s32 $0x8480  }
0x38f: {  	[tilespmem:s22], [sflag:$0x1] =	stream.indirect_vreg.gather [hbm4b:s5+s2], $0x80, v3, vm0, $0xb8;
	[tilespmem:$0x18480] =	vst v63  }
0x390: {  	s12 =	simm.s32 $0x8C80  }
0x391: {  	[tilespmem:s12], [sflag:$0x1] =	stream.indirect_vreg.gather [hbm4b:s6+s2], $0x80, v3, vm0, $0xb8;
	[tilespmem:$0x18480] =	vst v63  }
0x392: {  	v3 =	vld [tilespmem:$0x2B0];
	_ =	sdelay $0x4  }
0x393: {  	v35 =	vshrl.u32 v3, $0x3  }
0x394: {  	v4 =	vmul.u32 $0x30, v35  }
0x395: {  	v3 =	vand.u32 $0x7, v3  }
0x396: {  	v3 =	vor.u32 v3, v4  }
0x397: {  	v4 =	vperm.xlane v3, v0;
	_ =	sdelay $0x1  }
0x398: {  	v4 =	vadd.s32 v1, v4;
	_ =	sdelay $0x3  }
0x399: {  	s12 =	simm.s32 $0x9480;
	v3 =	vperm.xlane v3, v2  }
0x39a: {  	[tilespmem:s12], [sflag:$0x1] =	stream.indirect_vreg.gather [hbm4b:s4+s2], $0x80, v4, vm0, $0xb8;
	[tilespmem:$0x18480] =	vst v63  }
0x39b: {  	s23 =	simm.s32 $0x9C80;
	v3 =	vadd.s32 v1, v3  }
0x39c: {  	[tilespmem:s23], [sflag:$0x1] =	stream.indirect_vreg.gather [hbm4b:s5+s2], $0x80, v4, vm0, $0xb8;
	[tilespmem:$0x18480] =	vst v63  }
0x39d: {  	s24 =	simm.s32 $0xA480  }
0x39e: {  	[tilespmem:s24], [sflag:$0x1] =	stream.indirect_vreg.gather [hbm4b:s6+s2], $0x80, v4, vm0, $0xb8;
	[tilespmem:$0x18480] =	vst v63  }
0x39f: {  	s7 =	simm.s32 $0xAC80  }
0x3a0: {  	[tilespmem:s7], [sflag:$0x1] =	stream.indirect_vreg.gather [hbm4b:s4+s2], $0x80, v3, vm0, $0xb8;
	[tilespmem:$0x18480] =	vst v63  }
0x3a1: {  	s13 =	simm.s32 $0xB480  }
0x3a2: {  	[tilespmem:s13], [sflag:$0x1] =	stream.indirect_vreg.gather [hbm4b:s5+s2], $0x80, v3, vm0, $0xb8;
	[tilespmem:$0x18480] =	vst v63  }
0x3a3: {  	s12 =	simm.s32 $0xBC80  }
0x3a4: {  	[tilespmem:s12], [sflag:$0x1] =	stream.indirect_vreg.gather [hbm4b:s6+s2], $0x80, v3, vm0, $0xb8;
	[tilespmem:$0x18480] =	vst v63  }
0x3a5: {  	_ =	swait.ge [sflag:s10], $0xC000  }
0x3a6: {  	[sflag:s10] =	ssyncset.done $0x0  }
0x3a7: {  	s12 =	rddreg [dreg:$0xc];
	[sflag:s10] =	ssyncadd.s32 $0xFFFF4000  }
0x3a8: {  	[hbm4b:s12+s2] =	stream.linear.scatter [tilespmem:s3], [sflag:$0x4], $0xC000, $0x38;
	[tilespmem:$0x18480] =	vst v63  }
0x3a9: {  	_ =	swait.ge [sflag:s11], $0xC000  }
0x3aa: {  	[sflag:s11] =	ssyncset.done $0x0  }
0x3ab: {  	[sflag:s11] =	ssyncadd.s32 $0xFFFF4000  }
0x3ac: {  	v3 =	vld [tilespmem:$0x2C0];
	_ =	sdelay $0x4  }
0x3ad: {  	v36 =	vshrl.u32 v3, $0x3  }
0x3ae: {  	v4 =	vmul.u32 $0x30, v36  }
0x3af: {  	v3 =	vand.u32 $0x7, v3  }
0x3b0: {  	v3 =	vor.u32 v3, v4  }
0x3b1: {  	v4 =	vperm.xlane v3, v0;
	_ =	sdelay $0x1  }
0x3b2: {  	v4 =	vadd.s32 v1, v4;
	_ =	sdelay $0x3  }
0x3b3: {  	v3 =	vperm.xlane v3, v2  }
0x3b4: {  	[tilespmem:s3], [sflag:$0x2] =	stream.indirect_vreg.gather [hbm4b:s4+s2], $0x80, v4, vm0, $0xb8;
	[tilespmem:$0x18480] =	vst v63  }
0x3b5: {  	s25 =	simm.s32 $0xCC80;
	v3 =	vadd.s32 v1, v3  }
0x3b6: {  	[tilespmem:s25], [sflag:$0x2] =	stream.indirect_vreg.gather [hbm4b:s5+s2], $0x80, v4, vm0, $0xb8;
	[tilespmem:$0x18480] =	vst v63  }
0x3b7: {  	s26 =	simm.s32 $0xD480  }
0x3b8: {  	[tilespmem:s26], [sflag:$0x2] =	stream.indirect_vreg.gather [hbm4b:s6+s2], $0x80, v4, vm0, $0xb8;
	[tilespmem:$0x18480] =	vst v63  }
0x3b9: {  	s28 =	simm.s32 $0xDC80  }
0x3ba: {  	[tilespmem:s28], [sflag:$0x2] =	stream.indirect_vreg.gather [hbm4b:s4+s2], $0x80, v3, vm0, $0xb8;
	[tilespmem:$0x18480] =	vst v63  }
0x3bb: {  	s12 =	simm.s32 $0xE480  }
0x3bc: {  	[tilespmem:s12], [sflag:$0x2] =	stream.indirect_vreg.gather [hbm4b:s5+s2], $0x80, v3, vm0, $0xb8;
	[tilespmem:$0x18480] =	vst v63  }
0x3bd: {  	s12 =	simm.s32 $0xEC80  }
0x3be: {  	[tilespmem:s12], [sflag:$0x2] =	stream.indirect_vreg.gather [hbm4b:s6+s2], $0x80, v3, vm0, $0xb8;
	[tilespmem:$0x18480] =	vst v63  }
0x3bf: {  	v3 =	vld [tilespmem:$0x2D0];
	_ =	sdelay $0x4  }
0x3c0: {  	v37 =	vshrl.u32 v3, $0x3  }
0x3c1: {  	v4 =	vmul.u32 $0x30, v37  }
0x3c2: {  	v3 =	vand.u32 $0x7, v3  }
0x3c3: {  	v3 =	vor.u32 v3, v4  }
0x3c4: {  	v4 =	vperm.xlane v3, v0;
	_ =	sdelay $0x1  }
0x3c5: {  	v4 =	vadd.s32 v1, v4;
	_ =	sdelay $0x3  }
0x3c6: {  	s12 =	simm.s32 $0xF480;
	v3 =	vperm.xlane v3, v2  }
0x3c7: {  	[tilespmem:s12], [sflag:$0x2] =	stream.indirect_vreg.gather [hbm4b:s4+s2], $0x80, v4, vm0, $0xb8;
	[tilespmem:$0x18480] =	vst v63  }
0x3c8: {  	s29 =	simm.s32 $0xFC80;
	v3 =	vadd.s32 v1, v3  }
0x3c9: {  	[tilespmem:s29], [sflag:$0x2] =	stream.indirect_vreg.gather [hbm4b:s5+s2], $0x80, v4, vm0, $0xb8;
	[tilespmem:$0x18480] =	vst v63  }
0x3ca: {  	s12 =	simm.s32 $0x10480  }
0x3cb: {  	[tilespmem:s12], [sflag:$0x2] =	stream.indirect_vreg.gather [hbm4b:s6+s2], $0x80, v4, vm0, $0xb8;
	[tilespmem:$0x18480] =	vst v63  }
0x3cc: {  	s12 =	simm.s32 $0x10C80  }
0x3cd: {  	[tilespmem:s12], [sflag:$0x2] =	stream.indirect_vreg.gather [hbm4b:s4+s2], $0x80, v3, vm0, $0xb8;
	[tilespmem:$0x18480] =	vst v63  }
0x3ce: {  	s12 =	simm.s32 $0x11480  }
0x3cf: {  	[tilespmem:s12], [sflag:$0x2] =	stream.indirect_vreg.gather [hbm4b:s5+s2], $0x80, v3, vm0, $0xb8;
	[tilespmem:$0x18480] =	vst v63  }
0x3d0: {  	s12 =	simm.s32 $0x11C80  }
0x3d1: {  	[tilespmem:s12], [sflag:$0x2] =	stream.indirect_vreg.gather [hbm4b:s6+s2], $0x80, v3, vm0, $0xb8;
	[tilespmem:$0x18480] =	vst v63  }
0x3d2: {  	v3 =	vld [tilespmem:$0x2E0];
	_ =	sdelay $0x4  }
0x3d3: {  	v38 =	vshrl.u32 v3, $0x3  }
0x3d4: {  	v4 =	vmul.u32 $0x30, v38  }
0x3d5: {  	v3 =	vand.u32 $0x7, v3  }
0x3d6: {  	v3 =	vor.u32 v3, v4  }
0x3d7: {  	v4 =	vperm.xlane v3, v0;
	_ =	sdelay $0x1  }
0x3d8: {  	v4 =	vadd.s32 v1, v4;
	_ =	sdelay $0x3  }
0x3d9: {  	s12 =	simm.s32 $0x12480;
	v3 =	vperm.xlane v3, v2  }
0x3da: {  	[tilespmem:s12], [sflag:$0x2] =	stream.indirect_vreg.gather [hbm4b:s4+s2], $0x80, v4, vm0, $0xb8;
	[tilespmem:$0x18480] =	vst v63  }
0x3db: {  	s30 =	simm.s32 $0x12C80;
	v3 =	vadd.s32 v1, v3  }
0x3dc: {  	[tilespmem:s30], [sflag:$0x2] =	stream.indirect_vreg.gather [hbm4b:s5+s2], $0x80, v4, vm0, $0xb8;
	[tilespmem:$0x18480] =	vst v63  }
0x3dd: {  	s31 =	simm.s32 $0x13480  }
0x3de: {  	[tilespmem:s31], [sflag:$0x2] =	stream.indirect_vreg.gather [hbm4b:s6+s2], $0x80, v4, vm0, $0xb8;
	[tilespmem:$0x18480] =	vst v63  }
0x3df: {  	s12 =	simm.s32 $0x13C80  }
0x3e0: {  	[tilespmem:s12], [sflag:$0x2] =	stream.indirect_vreg.gather [hbm4b:s4+s2], $0x80, v3, vm0, $0xb8;
	[tilespmem:$0x18480] =	vst v63  }
0x3e1: {  	s12 =	simm.s32 $0x14480  }
0x3e2: {  	[tilespmem:s12], [sflag:$0x2] =	stream.indirect_vreg.gather [hbm4b:s5+s2], $0x80, v3, vm0, $0xb8;
	[tilespmem:$0x18480] =	vst v63  }
0x3e3: {  	s12 =	simm.s32 $0x14C80  }
0x3e4: {  	[tilespmem:s12], [sflag:$0x2] =	stream.indirect_vreg.gather [hbm4b:s6+s2], $0x80, v3, vm0, $0xb8;
	[tilespmem:$0x18480] =	vst v63  }
0x3e5: {  	v3 =	vld [tilespmem:$0x2F0];
	_ =	sdelay $0x4  }
0x3e6: {  	v39 =	vshrl.u32 v3, $0x3  }
0x3e7: {  	v4 =	vmul.u32 $0x30, v39  }
0x3e8: {  	v3 =	vand.u32 $0x7, v3  }
0x3e9: {  	v3 =	vor.u32 v3, v4  }
0x3ea: {  	v4 =	vperm.xlane v3, v0;
	_ =	sdelay $0x1  }
0x3eb: {  	v4 =	vadd.s32 v1, v4;
	_ =	sdelay $0x3  }
0x3ec: {  	s12 =	simm.s32 $0x15480;
	v3 =	vperm.xlane v3, v2  }
0x3ed: {  	[tilespmem:s12], [sflag:$0x2] =	stream.indirect_vreg.gather [hbm4b:s4+s2], $0x80, v4, vm0, $0xb8;
	[tilespmem:$0x18480] =	vst v63  }
0x3ee: {  	v3 =	vadd.s32 v1, v3;
	s12 =	simm.s32 $0x15C80  }
0x3ef: {  	[tilespmem:s12], [sflag:$0x2] =	stream.indirect_vreg.gather [hbm4b:s5+s2], $0x80, v4, vm0, $0xb8;
	[tilespmem:$0x18480] =	vst v63  }
0x3f0: {  	s12 =	simm.s32 $0x16480  }
0x3f1: {  	[tilespmem:s12], [sflag:$0x2] =	stream.indirect_vreg.gather [hbm4b:s6+s2], $0x80, v4, vm0, $0xb8;
	[tilespmem:$0x18480] =	vst v63  }
0x3f2: {  	s12 =	simm.s32 $0x16C80  }
0x3f3: {  	[tilespmem:s12], [sflag:$0x2] =	stream.indirect_vreg.gather [hbm4b:s4+s2], $0x80, v3, vm0, $0xb8;
	[tilespmem:$0x18480] =	vst v63  }
0x3f4: {  	s12 =	simm.s32 $0x17480  }
0x3f5: {  	[tilespmem:s12], [sflag:$0x2] =	stream.indirect_vreg.gather [hbm4b:s5+s2], $0x80, v3, vm0, $0xb8;
	[tilespmem:$0x18480] =	vst v63  }
0x3f6: {  	s12 =	simm.s32 $0x17C80  }
0x3f7: {  	[tilespmem:s12], [sflag:$0x2] =	stream.indirect_vreg.gather [hbm4b:s6+s2], $0x80, v3, vm0, $0xb8;
	[tilespmem:$0x18480] =	vst v63  }
0x3f8: {  	_ =	swait.ge [sflag:s0], $0xC000  }
0x3f9: {  	[sflag:s0] =	ssyncset.done $0x0  }
0x3fa: {  	s12 =	rddreg [dreg:$0xd];
	[sflag:s0] =	ssyncadd.s32 $0xFFFF4000  }
0x3fb: {  	[hbm4b:s12+s2] =	stream.linear.scatter [tilespmem:s14], [sflag:$0x3], $0xC000, $0x38;
	[tilespmem:$0x18480] =	vst v63  }
0x3fc: {  	_ =	swait.ge [sflag:s8], $0xC000  }
0x3fd: {  	[sflag:s8] =	ssyncset.done $0x0  }
0x3fe: {  	[sflag:s8] =	ssyncadd.s32 $0xFFFF4000  }
0x3ff: {  	v3 =	vld [tilespmem:$0x300];
	_ =	sdelay $0x4  }
0x400: {  	v40 =	vshrl.u32 v3, $0x3  }
0x401: {  	v4 =	vmul.u32 $0x30, v40  }
0x402: {  	v3 =	vand.u32 $0x7, v3  }
0x403: {  	v3 =	vor.u32 v3, v4  }
0x404: {  	v4 =	vperm.xlane v3, v0;
	_ =	sdelay $0x1  }
0x405: {  	v4 =	vadd.s32 v1, v4;
	_ =	sdelay $0x3  }
0x406: {  	v3 =	vperm.xlane v3, v2  }
0x407: {  	[tilespmem:s14], [sflag:$0x1] =	stream.indirect_vreg.gather [hbm4b:s4+s2], $0x80, v4, vm0, $0xb8;
	[tilespmem:$0x18480] =	vst v63  }
0x408: {  	s12 =	simm.s32 $0xC80;
	v3 =	vadd.s32 v1, v3  }
0x409: {  	[tilespmem:s12], [sflag:$0x1] =	stream.indirect_vreg.gather [hbm4b:s5+s2], $0x80, v4, vm0, $0xb8;
	[tilespmem:$0x18480] =	vst v63  }
0x40a: {  	s1 =	simm.s32 $0x1480  }
0x40b: {  	[tilespmem:s1], [sflag:$0x1] =	stream.indirect_vreg.gather [hbm4b:s6+s2], $0x80, v4, vm0, $0xb8;
	[tilespmem:$0x18480] =	vst v63  }
0x40c: {  	s12 =	simm.s32 $0x1C80  }
0x40d: {  	[tilespmem:s12], [sflag:$0x1] =	stream.indirect_vreg.gather [hbm4b:s4+s2], $0x80, v3, vm0, $0xb8;
	[tilespmem:$0x18480] =	vst v63  }
0x40e: {  	s9 =	simm.s32 $0x2480  }
0x40f: {  	[tilespmem:s9], [sflag:$0x1] =	stream.indirect_vreg.gather [hbm4b:s5+s2], $0x80, v3, vm0, $0xb8;
	[tilespmem:$0x18480] =	vst v63  }
0x410: {  	s12 =	simm.s32 $0x2C80  }
0x411: {  	[tilespmem:s12], [sflag:$0x1] =	stream.indirect_vreg.gather [hbm4b:s6+s2], $0x80, v3, vm0, $0xb8;
	[tilespmem:$0x18480] =	vst v63  }
0x412: {  	v3 =	vld [tilespmem:$0x310];
	_ =	sdelay $0x4  }
0x413: {  	v41 =	vshrl.u32 v3, $0x3  }
0x414: {  	v4 =	vmul.u32 $0x30, v41  }
0x415: {  	v3 =	vand.u32 $0x7, v3  }
0x416: {  	v3 =	vor.u32 v3, v4  }
0x417: {  	v4 =	vperm.xlane v3, v0;
	_ =	sdelay $0x1  }
0x418: {  	v4 =	vadd.s32 v1, v4;
	_ =	sdelay $0x3  }
0x419: {  	s12 =	simm.s32 $0x3480;
	v3 =	vperm.xlane v3, v2  }
0x41a: {  	[tilespmem:s12], [sflag:$0x1] =	stream.indirect_vreg.gather [hbm4b:s4+s2], $0x80, v4, vm0, $0xb8;
	[tilespmem:$0x18480] =	vst v63  }
0x41b: {  	s15 =	simm.s32 $0x3C80;
	v3 =	vadd.s32 v1, v3  }
0x41c: {  	[tilespmem:s15], [sflag:$0x1] =	stream.indirect_vreg.gather [hbm4b:s5+s2], $0x80, v4, vm0, $0xb8;
	[tilespmem:$0x18480] =	vst v63  }
0x41d: {  	s16 =	simm.s32 $0x4480  }
0x41e: {  	[tilespmem:s16], [sflag:$0x1] =	stream.indirect_vreg.gather [hbm4b:s6+s2], $0x80, v4, vm0, $0xb8;
	[tilespmem:$0x18480] =	vst v63  }
0x41f: {  	s17 =	simm.s32 $0x4C80  }
0x420: {  	[tilespmem:s17], [sflag:$0x1] =	stream.indirect_vreg.gather [hbm4b:s4+s2], $0x80, v3, vm0, $0xb8;
	[tilespmem:$0x18480] =	vst v63  }
0x421: {  	s18 =	simm.s32 $0x5480  }
0x422: {  	[tilespmem:s18], [sflag:$0x1] =	stream.indirect_vreg.gather [hbm4b:s5+s2], $0x80, v3, vm0, $0xb8;
	[tilespmem:$0x18480] =	vst v63  }
0x423: {  	s16 =	simm.s32 $0x5C80  }
0x424: {  	[tilespmem:s16], [sflag:$0x1] =	stream.indirect_vreg.gather [hbm4b:s6+s2], $0x80, v3, vm0, $0xb8;
	[tilespmem:$0x18480] =	vst v63  }
0x425: {  	v3 =	vld [tilespmem:$0x320];
	_ =	sdelay $0x4  }
0x426: {  	v42 =	vshrl.u32 v3, $0x3  }
0x427: {  	v4 =	vmul.u32 $0x30, v42  }
0x428: {  	v3 =	vand.u32 $0x7, v3  }
0x429: {  	v3 =	vor.u32 v3, v4  }
0x42a: {  	v4 =	vperm.xlane v3, v0;
	_ =	sdelay $0x1  }
0x42b: {  	v4 =	vadd.s32 v1, v4;
	_ =	sdelay $0x3  }
0x42c: {  	s12 =	simm.s32 $0x6480;
	v3 =	vperm.xlane v3, v2  }
0x42d: {  	[tilespmem:s12], [sflag:$0x1] =	stream.indirect_vreg.gather [hbm4b:s4+s2], $0x80, v4, vm0, $0xb8;
	[tilespmem:$0x18480] =	vst v63  }
0x42e: {  	s19 =	simm.s32 $0x6C80;
	v3 =	vadd.s32 v1, v3  }
0x42f: {  	[tilespmem:s19], [sflag:$0x1] =	stream.indirect_vreg.gather [hbm4b:s5+s2], $0x80, v4, vm0, $0xb8;
	[tilespmem:$0x18480] =	vst v63  }
0x430: {  	s20 =	simm.s32 $0x7480  }
0x431: {  	[tilespmem:s20], [sflag:$0x1] =	stream.indirect_vreg.gather [hbm4b:s6+s2], $0x80, v4, vm0, $0xb8;
	[tilespmem:$0x18480] =	vst v63  }
0x432: {  	s21 =	simm.s32 $0x7C80  }
0x433: {  	[tilespmem:s21], [sflag:$0x1] =	stream.indirect_vreg.gather [hbm4b:s4+s2], $0x80, v3, vm0, $0xb8;
	[tilespmem:$0x18480] =	vst v63  }
0x434: {  	s22 =	simm.s32 $0x8480  }
0x435: {  	[tilespmem:s22], [sflag:$0x1] =	stream.indirect_vreg.gather [hbm4b:s5+s2], $0x80, v3, vm0, $0xb8;
	[tilespmem:$0x18480] =	vst v63  }
0x436: {  	s16 =	simm.s32 $0x8C80  }
0x437: {  	[tilespmem:s16], [sflag:$0x1] =	stream.indirect_vreg.gather [hbm4b:s6+s2], $0x80, v3, vm0, $0xb8;
	[tilespmem:$0x18480] =	vst v63  }
0x438: {  	v3 =	vld [tilespmem:$0x330];
	_ =	sdelay $0x4  }
0x439: {  	v43 =	vshrl.u32 v3, $0x3  }
0x43a: {  	v4 =	vmul.u32 $0x30, v43  }
0x43b: {  	v3 =	vand.u32 $0x7, v3  }
0x43c: {  	v3 =	vor.u32 v3, v4  }
0x43d: {  	v4 =	vperm.xlane v3, v0;
	_ =	sdelay $0x1  }
0x43e: {  	v4 =	vadd.s32 v1, v4;
	_ =	sdelay $0x3  }
0x43f: {  	s12 =	simm.s32 $0x9480;
	v3 =	vperm.xlane v3, v2  }
0x440: {  	[tilespmem:s12], [sflag:$0x1] =	stream.indirect_vreg.gather [hbm4b:s4+s2], $0x80, v4, vm0, $0xb8;
	[tilespmem:$0x18480] =	vst v63  }
0x441: {  	s23 =	simm.s32 $0x9C80;
	v3 =	vadd.s32 v1, v3  }
0x442: {  	[tilespmem:s23], [sflag:$0x1] =	stream.indirect_vreg.gather [hbm4b:s5+s2], $0x80, v4, vm0, $0xb8;
	[tilespmem:$0x18480] =	vst v63  }
0x443: {  	s24 =	simm.s32 $0xA480  }
0x444: {  	[tilespmem:s24], [sflag:$0x1] =	stream.indirect_vreg.gather [hbm4b:s6+s2], $0x80, v4, vm0, $0xb8;
	[tilespmem:$0x18480] =	vst v63  }
0x445: {  	s7 =	simm.s32 $0xAC80  }
0x446: {  	[tilespmem:s7], [sflag:$0x1] =	stream.indirect_vreg.gather [hbm4b:s4+s2], $0x80, v3, vm0, $0xb8;
	[tilespmem:$0x18480] =	vst v63  }
0x447: {  	s13 =	simm.s32 $0xB480  }
0x448: {  	[tilespmem:s13], [sflag:$0x1] =	stream.indirect_vreg.gather [hbm4b:s5+s2], $0x80, v3, vm0, $0xb8;
	[tilespmem:$0x18480] =	vst v63  }
0x449: {  	s16 =	simm.s32 $0xBC80  }
0x44a: {  	[tilespmem:s16], [sflag:$0x1] =	stream.indirect_vreg.gather [hbm4b:s6+s2], $0x80, v3, vm0, $0xb8;
	[tilespmem:$0x18480] =	vst v63  }
0x44b: {  	_ =	swait.ge [sflag:s10], $0xC000  }
0x44c: {  	[sflag:s10] =	ssyncset.done $0x0  }
0x44d: {  	s7 =	rddreg [dreg:$0xe];
	[sflag:s10] =	ssyncadd.s32 $0xFFFF4000  }
0x44e: {  	[hbm4b:s7+s2] =	stream.linear.scatter [tilespmem:s3], [sflag:$0x4], $0xC000, $0x38;
	[tilespmem:$0x18480] =	vst v63  }
0x44f: {  	_ =	swait.ge [sflag:s11], $0xC000  }
0x450: {  	[sflag:s11] =	ssyncset.done $0x0  }
0x451: {  	[sflag:s11] =	ssyncadd.s32 $0xFFFF4000  }
0x452: {  	v3 =	vld [tilespmem:$0x340];
	_ =	sdelay $0x4  }
0x453: {  	v44 =	vshrl.u32 v3, $0x3  }
0x454: {  	v4 =	vmul.u32 $0x30, v44  }
0x455: {  	v3 =	vand.u32 $0x7, v3  }
0x456: {  	v3 =	vor.u32 v3, v4  }
0x457: {  	v4 =	vperm.xlane v3, v0;
	_ =	sdelay $0x1  }
0x458: {  	v4 =	vadd.s32 v1, v4;
	_ =	sdelay $0x3  }
0x459: {  	v3 =	vperm.xlane v3, v2  }
0x45a: {  	[tilespmem:s3], [sflag:$0x2] =	stream.indirect_vreg.gather [hbm4b:s4+s2], $0x80, v4, vm0, $0xb8;
	[tilespmem:$0x18480] =	vst v63  }
0x45b: {  	s25 =	simm.s32 $0xCC80;
	v3 =	vadd.s32 v1, v3  }
0x45c: {  	[tilespmem:s25], [sflag:$0x2] =	stream.indirect_vreg.gather [hbm4b:s5+s2], $0x80, v4, vm0, $0xb8;
	[tilespmem:$0x18480] =	vst v63  }
0x45d: {  	s26 =	simm.s32 $0xD480  }
0x45e: {  	[tilespmem:s26], [sflag:$0x2] =	stream.indirect_vreg.gather [hbm4b:s6+s2], $0x80, v4, vm0, $0xb8;
	[tilespmem:$0x18480] =	vst v63  }
0x45f: {  	s28 =	simm.s32 $0xDC80  }
0x460: {  	[tilespmem:s28], [sflag:$0x2] =	stream.indirect_vreg.gather [hbm4b:s4+s2], $0x80, v3, vm0, $0xb8;
	[tilespmem:$0x18480] =	vst v63  }
0x461: {  	s12 =	simm.s32 $0xE480  }
0x462: {  	[tilespmem:s12], [sflag:$0x2] =	stream.indirect_vreg.gather [hbm4b:s5+s2], $0x80, v3, vm0, $0xb8;
	[tilespmem:$0x18480] =	vst v63  }
0x463: {  	s13 =	simm.s32 $0xEC80  }
0x464: {  	[tilespmem:s13], [sflag:$0x2] =	stream.indirect_vreg.gather [hbm4b:s6+s2], $0x80, v3, vm0, $0xb8;
	[tilespmem:$0x18480] =	vst v63  }
0x465: {  	v3 =	vld [tilespmem:$0x350];
	_ =	sdelay $0x4  }
0x466: {  	v45 =	vshrl.u32 v3, $0x3  }
0x467: {  	v4 =	vmul.u32 $0x30, v45  }
0x468: {  	v3 =	vand.u32 $0x7, v3  }
0x469: {  	v3 =	vor.u32 v3, v4  }
0x46a: {  	v4 =	vperm.xlane v3, v0;
	_ =	sdelay $0x1  }
0x46b: {  	v4 =	vadd.s32 v1, v4;
	_ =	sdelay $0x3  }
0x46c: {  	s16 =	simm.s32 $0xF480;
	v3 =	vperm.xlane v3, v2  }
0x46d: {  	[tilespmem:s16], [sflag:$0x2] =	stream.indirect_vreg.gather [hbm4b:s4+s2], $0x80, v4, vm0, $0xb8;
	[tilespmem:$0x18480] =	vst v63  }
0x46e: {  	s29 =	simm.s32 $0xFC80;
	v3 =	vadd.s32 v1, v3  }
0x46f: {  	[tilespmem:s29], [sflag:$0x2] =	stream.indirect_vreg.gather [hbm4b:s5+s2], $0x80, v4, vm0, $0xb8;
	[tilespmem:$0x18480] =	vst v63  }
0x470: {  	s25 =	simm.s32 $0x10480  }
0x471: {  	[tilespmem:s25], [sflag:$0x2] =	stream.indirect_vreg.gather [hbm4b:s6+s2], $0x80, v4, vm0, $0xb8;
	[tilespmem:$0x18480] =	vst v63  }
0x472: {  	s26 =	simm.s32 $0x10C80  }
0x473: {  	[tilespmem:s26], [sflag:$0x2] =	stream.indirect_vreg.gather [hbm4b:s4+s2], $0x80, v3, vm0, $0xb8;
	[tilespmem:$0x18480] =	vst v63  }
0x474: {  	s28 =	simm.s32 $0x11480  }
0x475: {  	[tilespmem:s28], [sflag:$0x2] =	stream.indirect_vreg.gather [hbm4b:s5+s2], $0x80, v3, vm0, $0xb8;
	[tilespmem:$0x18480] =	vst v63  }
0x476: {  	s29 =	simm.s32 $0x11C80  }
0x477: {  	[tilespmem:s29], [sflag:$0x2] =	stream.indirect_vreg.gather [hbm4b:s6+s2], $0x80, v3, vm0, $0xb8;
	[tilespmem:$0x18480] =	vst v63  }
0x478: {  	v3 =	vld [tilespmem:$0x360];
	_ =	sdelay $0x4  }
0x479: {  	v46 =	vshrl.u32 v3, $0x3  }
0x47a: {  	v4 =	vmul.u32 $0x30, v46  }
0x47b: {  	v3 =	vand.u32 $0x7, v3  }
0x47c: {  	v3 =	vor.u32 v3, v4  }
0x47d: {  	v4 =	vperm.xlane v3, v0;
	_ =	sdelay $0x1  }
0x47e: {  	v4 =	vadd.s32 v1, v4;
	_ =	sdelay $0x3  }
0x47f: {  	s7 =	simm.s32 $0x12480;
	v3 =	vperm.xlane v3, v2  }
0x480: {  	[tilespmem:s7], [sflag:$0x2] =	stream.indirect_vreg.gather [hbm4b:s4+s2], $0x80, v4, vm0, $0xb8;
	[tilespmem:$0x18480] =	vst v63  }
0x481: {  	s30 =	simm.s32 $0x12C80;
	v3 =	vadd.s32 v1, v3  }
0x482: {  	[tilespmem:s30], [sflag:$0x2] =	stream.indirect_vreg.gather [hbm4b:s5+s2], $0x80, v4, vm0, $0xb8;
	[tilespmem:$0x18480] =	vst v63  }
0x483: {  	s31 =	simm.s32 $0x13480  }
0x484: {  	[tilespmem:s31], [sflag:$0x2] =	stream.indirect_vreg.gather [hbm4b:s6+s2], $0x80, v4, vm0, $0xb8;
	[tilespmem:$0x18480] =	vst v63  }
0x485: {  	s12 =	simm.s32 $0x13C80  }
0x486: {  	[tilespmem:s12], [sflag:$0x2] =	stream.indirect_vreg.gather [hbm4b:s4+s2], $0x80, v3, vm0, $0xb8;
	[tilespmem:$0x18480] =	vst v63  }
0x487: {  	s13 =	simm.s32 $0x14480  }
0x488: {  	[tilespmem:s13], [sflag:$0x2] =	stream.indirect_vreg.gather [hbm4b:s5+s2], $0x80, v3, vm0, $0xb8;
	[tilespmem:$0x18480] =	vst v63  }
0x489: {  	s16 =	simm.s32 $0x14C80  }
0x48a: {  	[tilespmem:s16], [sflag:$0x2] =	stream.indirect_vreg.gather [hbm4b:s6+s2], $0x80, v3, vm0, $0xb8;
	[tilespmem:$0x18480] =	vst v63  }
0x48b: {  	v3 =	vld [tilespmem:$0x370];
	_ =	sdelay $0x4  }
0x48c: {  	v47 =	vshrl.u32 v3, $0x3  }
0x48d: {  	v4 =	vmul.u32 $0x30, v47  }
0x48e: {  	v3 =	vand.u32 $0x7, v3  }
0x48f: {  	v3 =	vor.u32 v3, v4  }
0x490: {  	v4 =	vperm.xlane v3, v0;
	_ =	sdelay $0x1  }
0x491: {  	v4 =	vadd.s32 v1, v4;
	_ =	sdelay $0x3  }
0x492: {  	s25 =	simm.s32 $0x15480;
	v3 =	vperm.xlane v3, v2  }
0x493: {  	[tilespmem:s25], [sflag:$0x2] =	stream.indirect_vreg.gather [hbm4b:s4+s2], $0x80, v4, vm0, $0xb8;
	[tilespmem:$0x18480] =	vst v63  }
0x494: {  	s26 =	simm.s32 $0x15C80;
	v3 =	vadd.s32 v1, v3  }
0x495: {  	[tilespmem:s26], [sflag:$0x2] =	stream.indirect_vreg.gather [hbm4b:s5+s2], $0x80, v4, vm0, $0xb8;
	[tilespmem:$0x18480] =	vst v63  }
0x496: {  	s28 =	simm.s32 $0x16480  }
0x497: {  	[tilespmem:s28], [sflag:$0x2] =	stream.indirect_vreg.gather [hbm4b:s6+s2], $0x80, v4, vm0, $0xb8;
	[tilespmem:$0x18480] =	vst v63  }
0x498: {  	s29 =	simm.s32 $0x16C80  }
0x499: {  	[tilespmem:s29], [sflag:$0x2] =	stream.indirect_vreg.gather [hbm4b:s4+s2], $0x80, v3, vm0, $0xb8;
	[tilespmem:$0x18480] =	vst v63  }
0x49a: {  	s30 =	simm.s32 $0x17480  }
0x49b: {  	[tilespmem:s30], [sflag:$0x2] =	stream.indirect_vreg.gather [hbm4b:s5+s2], $0x80, v3, vm0, $0xb8;
	[tilespmem:$0x18480] =	vst v63  }
0x49c: {  	s31 =	simm.s32 $0x17C80  }
0x49d: {  	[tilespmem:s31], [sflag:$0x2] =	stream.indirect_vreg.gather [hbm4b:s6+s2], $0x80, v3, vm0, $0xb8;
	[tilespmem:$0x18480] =	vst v63  }
0x49e: {  	_ =	swait.ge [sflag:s0], $0xC000  }
0x49f: {  	[sflag:s0] =	ssyncset.done $0x0  }
0x4a0: {  	s7 =	rddreg [dreg:$0xf];
	[sflag:s0] =	ssyncadd.s32 $0xFFFF4000  }
0x4a1: {  	[hbm4b:s7+s2] =	stream.linear.scatter [tilespmem:s14], [sflag:$0x3], $0xC000, $0x38;
	[tilespmem:$0x18480] =	vst v63  }
0x4a2: {  	_ =	swait.ge [sflag:s8], $0xC000  }
0x4a3: {  	[sflag:s8] =	ssyncset.done $0x0  }
0x4a4: {  	[sflag:s8] =	ssyncadd.s32 $0xFFFF4000  }
0x4a5: {  	v3 =	vld [tilespmem:$0x380];
	_ =	sdelay $0x4  }
0x4a6: {  	v48 =	vshrl.u32 v3, $0x3  }
0x4a7: {  	v4 =	vmul.u32 $0x30, v48  }
0x4a8: {  	v3 =	vand.u32 $0x7, v3  }
0x4a9: {  	v3 =	vor.u32 v3, v4  }
0x4aa: {  	v4 =	vperm.xlane v3, v0;
	_ =	sdelay $0x1  }
0x4ab: {  	v4 =	vadd.s32 v1, v4;
	_ =	sdelay $0x3  }
0x4ac: {  	v3 =	vperm.xlane v3, v2  }
0x4ad: {  	[tilespmem:s14], [sflag:$0x1] =	stream.indirect_vreg.gather [hbm4b:s4+s2], $0x80, v4, vm0, $0xb8;
	[tilespmem:$0x18480] =	vst v63  }
0x4ae: {  	s13 =	simm.s32 $0xC80;
	v3 =	vadd.s32 v1, v3  }
0x4af: {  	[tilespmem:s13], [sflag:$0x1] =	stream.indirect_vreg.gather [hbm4b:s5+s2], $0x80, v4, vm0, $0xb8;
	[tilespmem:$0x18480] =	vst v63  }
0x4b0: {  	s16 =	simm.s32 $0x1480  }
0x4b1: {  	[tilespmem:s16], [sflag:$0x1] =	stream.indirect_vreg.gather [hbm4b:s6+s2], $0x80, v4, vm0, $0xb8;
	[tilespmem:$0x18480] =	vst v63  }
0x4b2: {  	s25 =	simm.s32 $0x1C80  }
0x4b3: {  	[tilespmem:s25], [sflag:$0x1] =	stream.indirect_vreg.gather [hbm4b:s4+s2], $0x80, v3, vm0, $0xb8;
	[tilespmem:$0x18480] =	vst v63  }
0x4b4: {  	s9 =	simm.s32 $0x2480  }
0x4b5: {  	[tilespmem:s9], [sflag:$0x1] =	stream.indirect_vreg.gather [hbm4b:s5+s2], $0x80, v3, vm0, $0xb8;
	[tilespmem:$0x18480] =	vst v63  }
0x4b6: {  	s26 =	simm.s32 $0x2C80  }
0x4b7: {  	[tilespmem:s26], [sflag:$0x1] =	stream.indirect_vreg.gather [hbm4b:s6+s2], $0x80, v3, vm0, $0xb8;
	[tilespmem:$0x18480] =	vst v63  }
0x4b8: {  	v3 =	vld [tilespmem:$0x390];
	_ =	sdelay $0x4  }
0x4b9: {  	v49 =	vshrl.u32 v3, $0x3  }
0x4ba: {  	v4 =	vmul.u32 $0x30, v49  }
0x4bb: {  	v3 =	vand.u32 $0x7, v3  }
0x4bc: {  	v3 =	vor.u32 v3, v4  }
0x4bd: {  	v4 =	vperm.xlane v3, v0;
	_ =	sdelay $0x1  }
0x4be: {  	v4 =	vadd.s32 v1, v4;
	_ =	sdelay $0x3  }
0x4bf: {  	s28 =	simm.s32 $0x3480;
	v3 =	vperm.xlane v3, v2  }
0x4c0: {  	[tilespmem:s28], [sflag:$0x1] =	stream.indirect_vreg.gather [hbm4b:s4+s2], $0x80, v4, vm0, $0xb8;
	[tilespmem:$0x18480] =	vst v63  }
0x4c1: {  	s15 =	simm.s32 $0x3C80;
	v3 =	vadd.s32 v1, v3  }
0x4c2: {  	[tilespmem:s15], [sflag:$0x1] =	stream.indirect_vreg.gather [hbm4b:s5+s2], $0x80, v4, vm0, $0xb8;
	[tilespmem:$0x18480] =	vst v63  }
0x4c3: {  	s29 =	simm.s32 $0x4480  }
0x4c4: {  	[tilespmem:s29], [sflag:$0x1] =	stream.indirect_vreg.gather [hbm4b:s6+s2], $0x80, v4, vm0, $0xb8;
	[tilespmem:$0x18480] =	vst v63  }
0x4c5: {  	s17 =	simm.s32 $0x4C80  }
0x4c6: {  	[tilespmem:s17], [sflag:$0x1] =	stream.indirect_vreg.gather [hbm4b:s4+s2], $0x80, v3, vm0, $0xb8;
	[tilespmem:$0x18480] =	vst v63  }
0x4c7: {  	s18 =	simm.s32 $0x5480  }
0x4c8: {  	[tilespmem:s18], [sflag:$0x1] =	stream.indirect_vreg.gather [hbm4b:s5+s2], $0x80, v3, vm0, $0xb8;
	[tilespmem:$0x18480] =	vst v63  }
0x4c9: {  	s30 =	simm.s32 $0x5C80  }
0x4ca: {  	[tilespmem:s30], [sflag:$0x1] =	stream.indirect_vreg.gather [hbm4b:s6+s2], $0x80, v3, vm0, $0xb8;
	[tilespmem:$0x18480] =	vst v63  }
0x4cb: {  	v3 =	vld [tilespmem:$0x3A0];
	_ =	sdelay $0x4  }
0x4cc: {  	v50 =	vshrl.u32 v3, $0x3  }
0x4cd: {  	v4 =	vmul.u32 $0x30, v50  }
0x4ce: {  	v3 =	vand.u32 $0x7, v3  }
0x4cf: {  	v3 =	vor.u32 v3, v4  }
0x4d0: {  	v4 =	vperm.xlane v3, v0;
	_ =	sdelay $0x1  }
0x4d1: {  	v4 =	vadd.s32 v1, v4;
	_ =	sdelay $0x3  }
0x4d2: {  	s31 =	simm.s32 $0x6480;
	v3 =	vperm.xlane v3, v2  }
0x4d3: {  	[tilespmem:s31], [sflag:$0x1] =	stream.indirect_vreg.gather [hbm4b:s4+s2], $0x80, v4, vm0, $0xb8;
	[tilespmem:$0x18480] =	vst v63  }
0x4d4: {  	s19 =	simm.s32 $0x6C80;
	v3 =	vadd.s32 v1, v3  }
0x4d5: {  	[tilespmem:s19], [sflag:$0x1] =	stream.indirect_vreg.gather [hbm4b:s5+s2], $0x80, v4, vm0, $0xb8;
	[tilespmem:$0x18480] =	vst v63  }
0x4d6: {  	s20 =	simm.s32 $0x7480  }
0x4d7: {  	[tilespmem:s20], [sflag:$0x1] =	stream.indirect_vreg.gather [hbm4b:s6+s2], $0x80, v4, vm0, $0xb8;
	[tilespmem:$0x18480] =	vst v63  }
0x4d8: {  	s21 =	simm.s32 $0x7C80  }
0x4d9: {  	[tilespmem:s21], [sflag:$0x1] =	stream.indirect_vreg.gather [hbm4b:s4+s2], $0x80, v3, vm0, $0xb8;
	[tilespmem:$0x18480] =	vst v63  }
0x4da: {  	s22 =	simm.s32 $0x8480  }
0x4db: {  	[tilespmem:s22], [sflag:$0x1] =	stream.indirect_vreg.gather [hbm4b:s5+s2], $0x80, v3, vm0, $0xb8;
	[tilespmem:$0x18480] =	vst v63  }
0x4dc: {  	s25 =	simm.s32 $0x8C80  }
0x4dd: {  	[tilespmem:s25], [sflag:$0x1] =	stream.indirect_vreg.gather [hbm4b:s6+s2], $0x80, v3, vm0, $0xb8;
	[tilespmem:$0x18480] =	vst v63  }
0x4de: {  	v3 =	vld [tilespmem:$0x3B0];
	_ =	sdelay $0x4  }
0x4df: {  	v51 =	vshrl.u32 v3, $0x3  }
0x4e0: {  	v4 =	vmul.u32 $0x30, v51  }
0x4e1: {  	v3 =	vand.u32 $0x7, v3  }
0x4e2: {  	v3 =	vor.u32 v3, v4  }
0x4e3: {  	v4 =	vperm.xlane v3, v0;
	_ =	sdelay $0x1  }
0x4e4: {  	v4 =	vadd.s32 v1, v4;
	_ =	sdelay $0x3  }
0x4e5: {  	s26 =	simm.s32 $0x9480;
	v3 =	vperm.xlane v3, v2  }
0x4e6: {  	[tilespmem:s26], [sflag:$0x1] =	stream.indirect_vreg.gather [hbm4b:s4+s2], $0x80, v4, vm0, $0xb8;
	[tilespmem:$0x18480] =	vst v63  }
0x4e7: {  	s23 =	simm.s32 $0x9C80;
	v3 =	vadd.s32 v1, v3  }
0x4e8: {  	[tilespmem:s23], [sflag:$0x1] =	stream.indirect_vreg.gather [hbm4b:s5+s2], $0x80, v4, vm0, $0xb8;
	[tilespmem:$0x18480] =	vst v63  }
0x4e9: {  	s24 =	simm.s32 $0xA480  }
0x4ea: {  	[tilespmem:s24], [sflag:$0x1] =	stream.indirect_vreg.gather [hbm4b:s6+s2], $0x80, v4, vm0, $0xb8;
	[tilespmem:$0x18480] =	vst v63  }
0x4eb: {  	s28 =	simm.s32 $0xAC80  }
0x4ec: {  	[tilespmem:s28], [sflag:$0x1] =	stream.indirect_vreg.gather [hbm4b:s4+s2], $0x80, v3, vm0, $0xb8;
	[tilespmem:$0x18480] =	vst v63  }
0x4ed: {  	s29 =	simm.s32 $0xB480  }
0x4ee: {  	[tilespmem:s29], [sflag:$0x1] =	stream.indirect_vreg.gather [hbm4b:s5+s2], $0x80, v3, vm0, $0xb8;
	[tilespmem:$0x18480] =	vst v63  }
0x4ef: {  	s30 =	simm.s32 $0xBC80  }
0x4f0: {  	[tilespmem:s30], [sflag:$0x1] =	stream.indirect_vreg.gather [hbm4b:s6+s2], $0x80, v3, vm0, $0xb8;
	[tilespmem:$0x18480] =	vst v63  }
0x4f1: {  	_ =	swait.ge [sflag:s10], $0xC000  }
0x4f2: {  	[sflag:s10] =	ssyncset.done $0x0  }
0x4f3: {  	s31 =	rddreg [dreg:$0x10];
	[sflag:s10] =	ssyncadd.s32 $0xFFFF4000  }
0x4f4: {  	[hbm4b:s31+s2] =	stream.linear.scatter [tilespmem:s3], [sflag:$0x4], $0xC000, $0x38;
	[tilespmem:$0x18480] =	vst v63  }
0x4f5: {  	_ =	swait.ge [sflag:s11], $0xC000  }
0x4f6: {  	[sflag:s11] =	ssyncset.done $0x0  }
0x4f7: {  	[sflag:s11] =	ssyncadd.s32 $0xFFFF4000  }
0x4f8: {  	v3 =	vld [tilespmem:$0x3C0];
	_ =	sdelay $0x4  }
0x4f9: {  	v52 =	vshrl.u32 v3, $0x3  }
0x4fa: {  	v4 =	vmul.u32 $0x30, v52  }
0x4fb: {  	v3 =	vand.u32 $0x7, v3  }
0x4fc: {  	v3 =	vor.u32 v3, v4  }
0x4fd: {  	v4 =	vperm.xlane v3, v0;
	_ =	sdelay $0x1  }
0x4fe: {  	v4 =	vadd.s32 v1, v4;
	_ =	sdelay $0x3  }
0x4ff: {  	v3 =	vperm.xlane v3, v2  }
0x500: {  	[tilespmem:s3], [sflag:$0x2] =	stream.indirect_vreg.gather [hbm4b:s4+s2], $0x80, v4, vm0, $0xb8;
	[tilespmem:$0x18480] =	vst v63  }
0x501: {  	s28 =	simm.s32 $0xCC80;
	v3 =	vadd.s32 v1, v3  }
0x502: {  	[tilespmem:s28], [sflag:$0x2] =	stream.indirect_vreg.gather [hbm4b:s5+s2], $0x80, v4, vm0, $0xb8;
	[tilespmem:$0x18480] =	vst v63  }
0x503: {  	s29 =	simm.s32 $0xD480  }
0x504: {  	[tilespmem:s29], [sflag:$0x2] =	stream.indirect_vreg.gather [hbm4b:s6+s2], $0x80, v4, vm0, $0xb8;
	[tilespmem:$0x18480] =	vst v63  }
0x505: {  	s30 =	simm.s32 $0xDC80  }
0x506: {  	[tilespmem:s30], [sflag:$0x2] =	stream.indirect_vreg.gather [hbm4b:s4+s2], $0x80, v3, vm0, $0xb8;
	[tilespmem:$0x18480] =	vst v63  }
0x507: {  	s31 =	simm.s32 $0xE480  }
0x508: {  	[tilespmem:s31], [sflag:$0x2] =	stream.indirect_vreg.gather [hbm4b:s5+s2], $0x80, v3, vm0, $0xb8;
	[tilespmem:$0x18480] =	vst v63  }
0x509: {  	s12 =	simm.s32 $0xEC80  }
0x50a: {  	[tilespmem:s12], [sflag:$0x2] =	stream.indirect_vreg.gather [hbm4b:s6+s2], $0x80, v3, vm0, $0xb8;
	[tilespmem:$0x18480] =	vst v63  }
0x50b: {  	v3 =	vld [tilespmem:$0x3D0];
	_ =	sdelay $0x4  }
0x50c: {  	v53 =	vshrl.u32 v3, $0x3  }
0x50d: {  	v4 =	vmul.u32 $0x30, v53  }
0x50e: {  	v3 =	vand.u32 $0x7, v3  }
0x50f: {  	v3 =	vor.u32 v3, v4  }
0x510: {  	v4 =	vperm.xlane v3, v0;
	_ =	sdelay $0x1  }
0x511: {  	v4 =	vadd.s32 v1, v4;
	_ =	sdelay $0x3  }
0x512: {  	s12 =	simm.s32 $0xF480;
	v3 =	vperm.xlane v3, v2  }
0x513: {  	[tilespmem:s12], [sflag:$0x2] =	stream.indirect_vreg.gather [hbm4b:s4+s2], $0x80, v4, vm0, $0xb8;
	[tilespmem:$0x18480] =	vst v63  }
0x514: {  	v3 =	vadd.s32 v1, v3;
	s12 =	simm.s32 $0xFC80  }
0x515: {  	[tilespmem:s12], [sflag:$0x2] =	stream.indirect_vreg.gather [hbm4b:s5+s2], $0x80, v4, vm0, $0xb8;
	[tilespmem:$0x18480] =	vst v63  }
0x516: {  	s12 =	simm.s32 $0x10480  }
0x517: {  	[tilespmem:s12], [sflag:$0x2] =	stream.indirect_vreg.gather [hbm4b:s6+s2], $0x80, v4, vm0, $0xb8;
	[tilespmem:$0x18480] =	vst v63  }
0x518: {  	s12 =	simm.s32 $0x10C80  }
0x519: {  	[tilespmem:s12], [sflag:$0x2] =	stream.indirect_vreg.gather [hbm4b:s4+s2], $0x80, v3, vm0, $0xb8;
	[tilespmem:$0x18480] =	vst v63  }
0x51a: {  	s12 =	simm.s32 $0x11480  }
0x51b: {  	[tilespmem:s12], [sflag:$0x2] =	stream.indirect_vreg.gather [hbm4b:s5+s2], $0x80, v3, vm0, $0xb8;
	[tilespmem:$0x18480] =	vst v63  }
0x51c: {  	s12 =	simm.s32 $0x11C80  }
0x51d: {  	[tilespmem:s12], [sflag:$0x2] =	stream.indirect_vreg.gather [hbm4b:s6+s2], $0x80, v3, vm0, $0xb8;
	[tilespmem:$0x18480] =	vst v63  }
0x51e: {  	v3 =	vld [tilespmem:$0x3E0];
	_ =	sdelay $0x4  }
0x51f: {  	v54 =	vshrl.u32 v3, $0x3  }
0x520: {  	v4 =	vmul.u32 $0x30, v54  }
0x521: {  	v3 =	vand.u32 $0x7, v3  }
0x522: {  	v3 =	vor.u32 v3, v4  }
0x523: {  	v4 =	vperm.xlane v3, v0;
	_ =	sdelay $0x1  }
0x524: {  	v4 =	vadd.s32 v1, v4;
	_ =	sdelay $0x3  }
0x525: {  	s12 =	simm.s32 $0x12480;
	v3 =	vperm.xlane v3, v2  }
0x526: {  	[tilespmem:s12], [sflag:$0x2] =	stream.indirect_vreg.gather [hbm4b:s4+s2], $0x80, v4, vm0, $0xb8;
	[tilespmem:$0x18480] =	vst v63  }
0x527: {  	v3 =	vadd.s32 v1, v3;
	s12 =	simm.s32 $0x12C80  }
0x528: {  	[tilespmem:s12], [sflag:$0x2] =	stream.indirect_vreg.gather [hbm4b:s5+s2], $0x80, v4, vm0, $0xb8;
	[tilespmem:$0x18480] =	vst v63  }
0x529: {  	s12 =	simm.s32 $0x13480  }
0x52a: {  	[tilespmem:s12], [sflag:$0x2] =	stream.indirect_vreg.gather [hbm4b:s6+s2], $0x80, v4, vm0, $0xb8;
	[tilespmem:$0x18480] =	vst v63  }
0x52b: {  	s12 =	simm.s32 $0x13C80  }
0x52c: {  	[tilespmem:s12], [sflag:$0x2] =	stream.indirect_vreg.gather [hbm4b:s4+s2], $0x80, v3, vm0, $0xb8;
	[tilespmem:$0x18480] =	vst v63  }
0x52d: {  	s12 =	simm.s32 $0x14480  }
0x52e: {  	[tilespmem:s12], [sflag:$0x2] =	stream.indirect_vreg.gather [hbm4b:s5+s2], $0x80, v3, vm0, $0xb8;
	[tilespmem:$0x18480] =	vst v63  }
0x52f: {  	s12 =	simm.s32 $0x14C80  }
0x530: {  	[tilespmem:s12], [sflag:$0x2] =	stream.indirect_vreg.gather [hbm4b:s6+s2], $0x80, v3, vm0, $0xb8;
	[tilespmem:$0x18480] =	vst v63  }
0x531: {  	v3 =	vld [tilespmem:$0x3F0];
	_ =	sdelay $0x4  }
0x532: {  	v55 =	vshrl.u32 v3, $0x3  }
0x533: {  	v4 =	vmul.u32 $0x30, v55  }
0x534: {  	v3 =	vand.u32 $0x7, v3  }
0x535: {  	v3 =	vor.u32 v3, v4  }
0x536: {  	v4 =	vperm.xlane v3, v0;
	_ =	sdelay $0x1  }
0x537: {  	v4 =	vadd.s32 v1, v4;
	_ =	sdelay $0x3  }
0x538: {  	s12 =	simm.s32 $0x15480;
	v3 =	vperm.xlane v3, v2  }
0x539: {  	[tilespmem:s12], [sflag:$0x2] =	stream.indirect_vreg.gather [hbm4b:s4+s2], $0x80, v4, vm0, $0xb8;
	[tilespmem:$0x18480] =	vst v63  }
0x53a: {  	v3 =	vadd.s32 v1, v3;
	s12 =	simm.s32 $0x15C80  }
0x53b: {  	[tilespmem:s12], [sflag:$0x2] =	stream.indirect_vreg.gather [hbm4b:s5+s2], $0x80, v4, vm0, $0xb8;
	[tilespmem:$0x18480] =	vst v63  }
0x53c: {  	s12 =	simm.s32 $0x16480  }
0x53d: {  	[tilespmem:s12], [sflag:$0x2] =	stream.indirect_vreg.gather [hbm4b:s6+s2], $0x80, v4, vm0, $0xb8;
	[tilespmem:$0x18480] =	vst v63  }
0x53e: {  	s12 =	simm.s32 $0x16C80  }
0x53f: {  	[tilespmem:s12], [sflag:$0x2] =	stream.indirect_vreg.gather [hbm4b:s4+s2], $0x80, v3, vm0, $0xb8;
	[tilespmem:$0x18480] =	vst v63  }
0x540: {  	s12 =	simm.s32 $0x17480  }
0x541: {  	[tilespmem:s12], [sflag:$0x2] =	stream.indirect_vreg.gather [hbm4b:s5+s2], $0x80, v3, vm0, $0xb8;
	[tilespmem:$0x18480] =	vst v63  }
0x542: {  	s12 =	simm.s32 $0x17C80  }
0x543: {  	[tilespmem:s12], [sflag:$0x2] =	stream.indirect_vreg.gather [hbm4b:s6+s2], $0x80, v3, vm0, $0xb8;
	[tilespmem:$0x18480] =	vst v63  }
0x544: {  	_ =	swait.ge [sflag:s0], $0xC000  }
0x545: {  	[sflag:s0] =	ssyncset.done $0x0  }
0x546: {  	s12 =	rddreg [dreg:$0x11];
	[sflag:s0] =	ssyncadd.s32 $0xFFFF4000  }
0x547: {  	[hbm4b:s12+s2] =	stream.linear.scatter [tilespmem:s14], [sflag:$0x3], $0xC000, $0x38;
	[tilespmem:$0x18480] =	vst v63  }
0x548: {  	_ =	swait.ge [sflag:s8], $0xC000  }
0x549: {  	[sflag:s8] =	ssyncset.done $0x0  }
0x54a: {  	[sflag:s8] =	ssyncadd.s32 $0xFFFF4000  }
0x54b: {  	v3 =	vld [tilespmem:$0x400];
	_ =	sdelay $0x4  }
0x54c: {  	v56 =	vshrl.u32 v3, $0x3  }
0x54d: {  	v4 =	vmul.u32 $0x30, v56  }
0x54e: {  	v3 =	vand.u32 $0x7, v3  }
0x54f: {  	v3 =	vor.u32 v3, v4  }
0x550: {  	v4 =	vperm.xlane v3, v0;
	_ =	sdelay $0x1  }
0x551: {  	v4 =	vadd.s32 v1, v4;
	_ =	sdelay $0x3  }
0x552: {  	v3 =	vperm.xlane v3, v2  }
0x553: {  	[tilespmem:s14], [sflag:$0x1] =	stream.indirect_vreg.gather [hbm4b:s4+s2], $0x80, v4, vm0, $0xb8;
	[tilespmem:$0x18480] =	vst v63  }
0x554: {  	s1 =	simm.s32 $0xC80;
	v3 =	vadd.s32 v1, v3  }
0x555: {  	[tilespmem:s1], [sflag:$0x1] =	stream.indirect_vreg.gather [hbm4b:s5+s2], $0x80, v4, vm0, $0xb8;
	[tilespmem:$0x18480] =	vst v63  }
0x556: {  	s7 =	simm.s32 $0x1480  }
0x557: {  	[tilespmem:s7], [sflag:$0x1] =	stream.indirect_vreg.gather [hbm4b:s6+s2], $0x80, v4, vm0, $0xb8;
	[tilespmem:$0x18480] =	vst v63  }
0x558: {  	s16 =	simm.s32 $0x1C80  }
0x559: {  	[tilespmem:s16], [sflag:$0x1] =	stream.indirect_vreg.gather [hbm4b:s4+s2], $0x80, v3, vm0, $0xb8;
	[tilespmem:$0x18480] =	vst v63  }
0x55a: {  	s9 =	simm.s32 $0x2480  }
0x55b: {  	[tilespmem:s9], [sflag:$0x1] =	stream.indirect_vreg.gather [hbm4b:s5+s2], $0x80, v3, vm0, $0xb8;
	[tilespmem:$0x18480] =	vst v63  }
0x55c: {  	s12 =	simm.s32 $0x2C80  }
0x55d: {  	[tilespmem:s12], [sflag:$0x1] =	stream.indirect_vreg.gather [hbm4b:s6+s2], $0x80, v3, vm0, $0xb8;
	[tilespmem:$0x18480] =	vst v63  }
0x55e: {  	v3 =	vld [tilespmem:$0x410];
	_ =	sdelay $0x4  }
0x55f: {  	v57 =	vshrl.u32 v3, $0x3  }
0x560: {  	v4 =	vmul.u32 $0x30, v57  }
0x561: {  	v3 =	vand.u32 $0x7, v3  }
0x562: {  	v3 =	vor.u32 v3, v4  }
0x563: {  	v4 =	vperm.xlane v3, v0;
	_ =	sdelay $0x1  }
0x564: {  	v4 =	vadd.s32 v1, v4;
	_ =	sdelay $0x3  }
0x565: {  	s16 =	simm.s32 $0x3480;
	v3 =	vperm.xlane v3, v2  }
0x566: {  	[tilespmem:s16], [sflag:$0x1] =	stream.indirect_vreg.gather [hbm4b:s4+s2], $0x80, v4, vm0, $0xb8;
	[tilespmem:$0x18480] =	vst v63  }
0x567: {  	s13 =	simm.s32 $0x3C80;
	v3 =	vadd.s32 v1, v3  }
0x568: {  	[tilespmem:s13], [sflag:$0x1] =	stream.indirect_vreg.gather [hbm4b:s5+s2], $0x80, v4, vm0, $0xb8;
	[tilespmem:$0x18480] =	vst v63  }
0x569: {  	s15 =	simm.s32 $0x4480  }
0x56a: {  	[tilespmem:s15], [sflag:$0x1] =	stream.indirect_vreg.gather [hbm4b:s6+s2], $0x80, v4, vm0, $0xb8;
	[tilespmem:$0x18480] =	vst v63  }
0x56b: {  	s17 =	simm.s32 $0x4C80  }
0x56c: {  	[tilespmem:s17], [sflag:$0x1] =	stream.indirect_vreg.gather [hbm4b:s4+s2], $0x80, v3, vm0, $0xb8;
	[tilespmem:$0x18480] =	vst v63  }
0x56d: {  	s18 =	simm.s32 $0x5480  }
0x56e: {  	[tilespmem:s18], [sflag:$0x1] =	stream.indirect_vreg.gather [hbm4b:s5+s2], $0x80, v3, vm0, $0xb8;
	[tilespmem:$0x18480] =	vst v63  }
0x56f: {  	s17 =	simm.s32 $0x5C80  }
0x570: {  	[tilespmem:s17], [sflag:$0x1] =	stream.indirect_vreg.gather [hbm4b:s6+s2], $0x80, v3, vm0, $0xb8;
	[tilespmem:$0x18480] =	vst v63  }
0x571: {  	v3 =	vld [tilespmem:$0x420];
	_ =	sdelay $0x4  }
0x572: {  	v58 =	vshrl.u32 v3, $0x3  }
0x573: {  	v4 =	vmul.u32 $0x30, v58  }
0x574: {  	v3 =	vand.u32 $0x7, v3  }
0x575: {  	v3 =	vor.u32 v3, v4  }
0x576: {  	v4 =	vperm.xlane v3, v0;
	_ =	sdelay $0x1  }
0x577: {  	v4 =	vadd.s32 v1, v4;
	_ =	sdelay $0x3  }
0x578: {  	s18 =	simm.s32 $0x6480;
	v3 =	vperm.xlane v3, v2  }
0x579: {  	[tilespmem:s18], [sflag:$0x1] =	stream.indirect_vreg.gather [hbm4b:s4+s2], $0x80, v4, vm0, $0xb8;
	[tilespmem:$0x18480] =	vst v63  }
0x57a: {  	s19 =	simm.s32 $0x6C80;
	v3 =	vadd.s32 v1, v3  }
0x57b: {  	[tilespmem:s19], [sflag:$0x1] =	stream.indirect_vreg.gather [hbm4b:s5+s2], $0x80, v4, vm0, $0xb8;
	[tilespmem:$0x18480] =	vst v63  }
0x57c: {  	s20 =	simm.s32 $0x7480  }
0x57d: {  	[tilespmem:s20], [sflag:$0x1] =	stream.indirect_vreg.gather [hbm4b:s6+s2], $0x80, v4, vm0, $0xb8;
	[tilespmem:$0x18480] =	vst v63  }
0x57e: {  	s21 =	simm.s32 $0x7C80  }
0x57f: {  	[tilespmem:s21], [sflag:$0x1] =	stream.indirect_vreg.gather [hbm4b:s4+s2], $0x80, v3, vm0, $0xb8;
	[tilespmem:$0x18480] =	vst v63  }
0x580: {  	s22 =	simm.s32 $0x8480  }
0x581: {  	[tilespmem:s22], [sflag:$0x1] =	stream.indirect_vreg.gather [hbm4b:s5+s2], $0x80, v3, vm0, $0xb8;
	[tilespmem:$0x18480] =	vst v63  }
0x582: {  	s21 =	simm.s32 $0x8C80  }
0x583: {  	[tilespmem:s21], [sflag:$0x1] =	stream.indirect_vreg.gather [hbm4b:s6+s2], $0x80, v3, vm0, $0xb8;
	[tilespmem:$0x18480] =	vst v63  }
0x584: {  	v3 =	vld [tilespmem:$0x430];
	_ =	sdelay $0x4  }
0x585: {  	v59 =	vshrl.u32 v3, $0x3  }
0x586: {  	v4 =	vmul.u32 $0x30, v59  }
0x587: {  	v3 =	vand.u32 $0x7, v3  }
0x588: {  	v3 =	vor.u32 v3, v4  }
0x589: {  	v4 =	vperm.xlane v3, v0;
	_ =	sdelay $0x1  }
0x58a: {  	v4 =	vadd.s32 v1, v4;
	_ =	sdelay $0x3  }
0x58b: {  	s22 =	simm.s32 $0x9480;
	v3 =	vperm.xlane v3, v2  }
0x58c: {  	[tilespmem:s22], [sflag:$0x1] =	stream.indirect_vreg.gather [hbm4b:s4+s2], $0x80, v4, vm0, $0xb8;
	[tilespmem:$0x18480] =	vst v63  }
0x58d: {  	s23 =	simm.s32 $0x9C80;
	v3 =	vadd.s32 v1, v3  }
0x58e: {  	[tilespmem:s23], [sflag:$0x1] =	stream.indirect_vreg.gather [hbm4b:s5+s2], $0x80, v4, vm0, $0xb8;
	[tilespmem:$0x18480] =	vst v63  }
0x58f: {  	s24 =	simm.s32 $0xA480  }
0x590: {  	[tilespmem:s24], [sflag:$0x1] =	stream.indirect_vreg.gather [hbm4b:s6+s2], $0x80, v4, vm0, $0xb8;
	[tilespmem:$0x18480] =	vst v63  }
0x591: {  	s25 =	simm.s32 $0xAC80  }
0x592: {  	[tilespmem:s25], [sflag:$0x1] =	stream.indirect_vreg.gather [hbm4b:s4+s2], $0x80, v3, vm0, $0xb8;
	[tilespmem:$0x18480] =	vst v63  }
0x593: {  	s26 =	simm.s32 $0xB480  }
0x594: {  	[tilespmem:s26], [sflag:$0x1] =	stream.indirect_vreg.gather [hbm4b:s5+s2], $0x80, v3, vm0, $0xb8;
	[tilespmem:$0x18480] =	vst v63  }
0x595: {  	s25 =	simm.s32 $0xBC80  }
0x596: {  	[tilespmem:s25], [sflag:$0x1] =	stream.indirect_vreg.gather [hbm4b:s6+s2], $0x80, v3, vm0, $0xb8;
	[tilespmem:$0x18480] =	vst v63  }
0x597: {  	_ =	swait.ge [sflag:s10], $0xC000  }
0x598: {  	[sflag:s10] =	ssyncset.done $0x0  }
0x599: {  	s26 =	rddreg [dreg:$0x12];
	[sflag:s10] =	ssyncadd.s32 $0xFFFF4000  }
0x59a: {  	[hbm4b:s26+s2] =	stream.linear.scatter [tilespmem:s3], [sflag:$0x4], $0xC000, $0x38;
	[tilespmem:$0x18480] =	vst v63  }
0x59b: {  	_ =	swait.ge [sflag:s11], $0xC000  }
0x59c: {  	[sflag:s11] =	ssyncset.done $0x0  }
0x59d: {  	[sflag:s11] =	ssyncadd.s32 $0xFFFF4000  }
0x59e: {  	v3 =	vld [tilespmem:$0x440];
	_ =	sdelay $0x4  }
0x59f: {  	v60 =	vshrl.u32 v3, $0x3  }
0x5a0: {  	v4 =	vmul.u32 $0x30, v60  }
0x5a1: {  	v3 =	vand.u32 $0x7, v3  }
0x5a2: {  	v3 =	vor.u32 v3, v4  }
0x5a3: {  	v4 =	vperm.xlane v3, v0;
	_ =	sdelay $0x1  }
0x5a4: {  	v4 =	vadd.s32 v1, v4;
	_ =	sdelay $0x3  }
0x5a5: {  	v3 =	vperm.xlane v3, v2  }
0x5a6: {  	[tilespmem:s3], [sflag:$0x2] =	stream.indirect_vreg.gather [hbm4b:s4+s2], $0x80, v4, vm0, $0xb8;
	[tilespmem:$0x18480] =	vst v63  }
0x5a7: {  	s28 =	simm.s32 $0xCC80;
	v3 =	vadd.s32 v1, v3  }
0x5a8: {  	[tilespmem:s28], [sflag:$0x2] =	stream.indirect_vreg.gather [hbm4b:s5+s2], $0x80, v4, vm0, $0xb8;
	[tilespmem:$0x18480] =	vst v63  }
0x5a9: {  	s29 =	simm.s32 $0xD480  }
0x5aa: {  	[tilespmem:s29], [sflag:$0x2] =	stream.indirect_vreg.gather [hbm4b:s6+s2], $0x80, v4, vm0, $0xb8;
	[tilespmem:$0x18480] =	vst v63  }
0x5ab: {  	s30 =	simm.s32 $0xDC80  }
0x5ac: {  	[tilespmem:s30], [sflag:$0x2] =	stream.indirect_vreg.gather [hbm4b:s4+s2], $0x80, v3, vm0, $0xb8;
	[tilespmem:$0x18480] =	vst v63  }
0x5ad: {  	s31 =	simm.s32 $0xE480  }
0x5ae: {  	[tilespmem:s31], [sflag:$0x2] =	stream.indirect_vreg.gather [hbm4b:s5+s2], $0x80, v3, vm0, $0xb8;
	[tilespmem:$0x18480] =	vst v63  }
0x5af: {  	s30 =	simm.s32 $0xEC80  }
0x5b0: {  	[tilespmem:s30], [sflag:$0x2] =	stream.indirect_vreg.gather [hbm4b:s6+s2], $0x80, v3, vm0, $0xb8;
	[tilespmem:$0x18480] =	vst v63  }
0x5b1: {  	v3 =	vld [tilespmem:$0x450];
	_ =	sdelay $0x4  }
0x5b2: {  	v61 =	vshrl.u32 v3, $0x3  }
0x5b3: {  	v4 =	vmul.u32 $0x30, v61  }
0x5b4: {  	v3 =	vand.u32 $0x7, v3  }
0x5b5: {  	v3 =	vor.u32 v3, v4  }
0x5b6: {  	v4 =	vperm.xlane v3, v0;
	_ =	sdelay $0x1  }
0x5b7: {  	v4 =	vadd.s32 v1, v4;
	_ =	sdelay $0x3  }
0x5b8: {  	s31 =	simm.s32 $0xF480;
	v3 =	vperm.xlane v3, v2  }
0x5b9: {  	[tilespmem:s31], [sflag:$0x2] =	stream.indirect_vreg.gather [hbm4b:s4+s2], $0x80, v4, vm0, $0xb8;
	[tilespmem:$0x18480] =	vst v63  }
0x5ba: {  	s9 =	simm.s32 $0xFC80;
	v3 =	vadd.s32 v1, v3  }
0x5bb: {  	[tilespmem:s9], [sflag:$0x2] =	stream.indirect_vreg.gather [hbm4b:s5+s2], $0x80, v4, vm0, $0xb8;
	[tilespmem:$0x18480] =	vst v63  }
0x5bc: {  	s12 =	simm.s32 $0x10480  }
0x5bd: {  	[tilespmem:s12], [sflag:$0x2] =	stream.indirect_vreg.gather [hbm4b:s6+s2], $0x80, v4, vm0, $0xb8;
	[tilespmem:$0x18480] =	vst v63  }
0x5be: {  	s13 =	simm.s32 $0x10C80  }
0x5bf: {  	[tilespmem:s13], [sflag:$0x2] =	stream.indirect_vreg.gather [hbm4b:s4+s2], $0x80, v3, vm0, $0xb8;
	[tilespmem:$0x18480] =	vst v63  }
0x5c0: {  	s15 =	simm.s32 $0x11480  }
0x5c1: {  	[tilespmem:s15], [sflag:$0x2] =	stream.indirect_vreg.gather [hbm4b:s5+s2], $0x80, v3, vm0, $0xb8;
	[tilespmem:$0x18480] =	vst v63  }
0x5c2: {  	s16 =	simm.s32 $0x11C80  }
0x5c3: {  	[tilespmem:s16], [sflag:$0x2] =	stream.indirect_vreg.gather [hbm4b:s6+s2], $0x80, v3, vm0, $0xb8;
	[tilespmem:$0x18480] =	vst v63  }
0x5c4: {  	v3 =	vld [tilespmem:$0x460];
	_ =	sdelay $0x4  }
0x5c5: {  	v62 =	vshrl.u32 v3, $0x3  }
0x5c6: {  	v4 =	vmul.u32 $0x30, v62  }
0x5c7: {  	v3 =	vand.u32 $0x7, v3  }
0x5c8: {  	v3 =	vor.u32 v3, v4  }
0x5c9: {  	v4 =	vperm.xlane v3, v0;
	_ =	sdelay $0x1  }
0x5ca: {  	v4 =	vadd.s32 v1, v4;
	_ =	sdelay $0x3  }
0x5cb: {  	s17 =	simm.s32 $0x12480;
	v3 =	vperm.xlane v3, v2  }
0x5cc: {  	[tilespmem:s17], [sflag:$0x2] =	stream.indirect_vreg.gather [hbm4b:s4+s2], $0x80, v4, vm0, $0xb8;
	[tilespmem:$0x18480] =	vst v63  }
0x5cd: {  	s18 =	simm.s32 $0x12C80;
	v3 =	vadd.s32 v1, v3  }
0x5ce: {  	[tilespmem:s18], [sflag:$0x2] =	stream.indirect_vreg.gather [hbm4b:s5+s2], $0x80, v4, vm0, $0xb8;
	[tilespmem:$0x18480] =	vst v63  }
0x5cf: {  	s19 =	simm.s32 $0x13480  }
0x5d0: {  	[tilespmem:s19], [sflag:$0x2] =	stream.indirect_vreg.gather [hbm4b:s6+s2], $0x80, v4, vm0, $0xb8;
	[tilespmem:$0x18480] =	vst v63  }
0x5d1: {  	s20 =	simm.s32 $0x13C80  }
0x5d2: {  	[tilespmem:s20], [sflag:$0x2] =	stream.indirect_vreg.gather [hbm4b:s4+s2], $0x80, v3, vm0, $0xb8;
	[tilespmem:$0x18480] =	vst v63  }
0x5d3: {  	s21 =	simm.s32 $0x14480  }
0x5d4: {  	[tilespmem:s21], [sflag:$0x2] =	stream.indirect_vreg.gather [hbm4b:s5+s2], $0x80, v3, vm0, $0xb8;
	[tilespmem:$0x18480] =	vst v63  }
0x5d5: {  	s22 =	simm.s32 $0x14C80  }
0x5d6: {  	[tilespmem:s22], [sflag:$0x2] =	stream.indirect_vreg.gather [hbm4b:s6+s2], $0x80, v3, vm0, $0xb8;
	[tilespmem:$0x18480] =	vst v63  }
0x5d7: {  	v3 =	vld [tilespmem:$0x470];
	_ =	sdelay $0x4  }
0x5d8: {  	v63 =	vshrl.u32 v3, $0x3  }
0x5d9: {  	v4 =	vmul.u32 $0x30, v63  }
0x5da: {  	v3 =	vand.u32 $0x7, v3  }
0x5db: {  	v3 =	vor.u32 v3, v4  }
0x5dc: {  	v4 =	vperm.xlane v3, v0;
	_ =	sdelay $0x1  }
0x5dd: {  	v4 =	vadd.s32 v1, v4;
	_ =	sdelay $0x3  }
0x5de: {  	s23 =	simm.s32 $0x15480;
	v3 =	vperm.xlane v3, v2  }
0x5df: {  	[tilespmem:s23], [sflag:$0x2] =	stream.indirect_vreg.gather [hbm4b:s4+s2], $0x80, v4, vm0, $0xb8;
	[tilespmem:$0x18480] =	vst v63  }
0x5e0: {  	s24 =	simm.s32 $0x15C80;
	v3 =	vadd.s32 v1, v3  }
0x5e1: {  	[tilespmem:s24], [sflag:$0x2] =	stream.indirect_vreg.gather [hbm4b:s5+s2], $0x80, v4, vm0, $0xb8;
	[tilespmem:$0x18480] =	vst v63  }
0x5e2: {  	s25 =	simm.s32 $0x16480  }
0x5e3: {  	[tilespmem:s25], [sflag:$0x2] =	stream.indirect_vreg.gather [hbm4b:s6+s2], $0x80, v4, vm0, $0xb8;
	[tilespmem:$0x18480] =	vst v63  }
0x5e4: {  	s26 =	simm.s32 $0x16C80  }
0x5e5: {  	[tilespmem:s26], [sflag:$0x2] =	stream.indirect_vreg.gather [hbm4b:s4+s2], $0x80, v3, vm0, $0xb8;
	[tilespmem:$0x18480] =	vst v63  }
0x5e6: {  	s28 =	simm.s32 $0x17480  }
0x5e7: {  	[tilespmem:s28], [sflag:$0x2] =	stream.indirect_vreg.gather [hbm4b:s5+s2], $0x80, v3, vm0, $0xb8;
	[tilespmem:$0x18480] =	vst v63  }
0x5e8: {  	s29 =	simm.s32 $0x17C80  }
0x5e9: {  	[tilespmem:s29], [sflag:$0x2] =	stream.indirect_vreg.gather [hbm4b:s6+s2], $0x80, v3, vm0, $0xb8;
	[tilespmem:$0x18480] =	vst v63  }
0x5ea: {  	s1 =	rddreg [dreg:$0x16];
	_ =	swait.ge [sflag:s0], $0xC000  }
0x5eb: {  	[sflag:s0] =	ssyncset.done $0x0  }
0x5ec: {  	s30 =	rddreg [dreg:$0x13];
	[sflag:s0] =	ssyncadd.s32 $0xFFFF4000  }
0x5ed: {  	[hbm4b:s30+s2] =	stream.linear.scatter [tilespmem:s14], [sflag:$0x3], $0xC000, $0x38;
	[tilespmem:$0x18480] =	vst v63  }
0x5ee: {  	_ =	swait.ge [sflag:s10], $0xC000  }
0x5ef: {  	[sflag:s10] =	ssyncset.done $0x0  }
0x5f0: {  	s31 =	rddreg [dreg:$0x14];
	[sflag:s10] =	ssyncadd.s32 $0xFFFF4000  }
0x5f1: {  	[hbm4b:s31+s2] =	stream.linear.scatter [tilespmem:s3], [sflag:$0x4], $0xC000, $0x38;
	[tilespmem:$0x18480] =	vst v63  }
0x5f2: {  	p0 =	sne.s32 s1, $0x1;
	_ =	swait.ge [sflag:s8], $0xC000  }
.Ltmp0:
0x5f3: {  	[sflag:s8] =	ssyncset.done $0x0;
	(pc) =	sbr.rel @p0 .LBB2_1-.Ltmp0, $4  }
0x5f4: {  	[sflag:s8] =	ssyncadd.s32 $0xFFFF4000  }
0x5f5: {  	_ =	swait.ge [sflag:s11], $0xC000  }
0x5f6: {  	[sflag:s11] =	ssyncset.done $0x0  }
0x5f7: {  	s1 =	sadd.s32 $0xFFFFFFFF, s1;
	[sflag:s11] =	ssyncadd.s32 $0xFFFF4000  }
0x5f8: {  	_ =	sfence.sel $0x180000  }
0x5f9: {  	[bflag:$0x0] =	sbarrier.arrive $0xFFFF  }
0x5fa: {  	_ =	strace $0x90000047  }
0x5fb: {  	s0 =	stileid.u32;
	[bflag:$0x2] =	sbarrier.arrive $0xFFFF  }
0x5fc: {  	p0 =	sne.s32 s0, $0x0;
	s0 =	rddreg [dreg:$0x2]  }
0x5fd: {  	s0 =	sadd.s32 @!p0 $0x100000, s0  }
0x5fe: {  	[sflag:s0] =	ssyncadd.tile.s32 @!p0 $0x1;
	_ =	shalt  }
.Lfunc_end2:
_tile_overlayer_lowered:
.L_overlay_start_2:
0x5ff: {  	(tag) =	ssettag $0x2  }
0x600: {  	s0 =	rddreg [dreg:$0x0];
	s2 =	stileid.u32  }
0x601: {  	s1 =	rddreg [dreg:$0x1];
	p0 =	sne.s32 s2, $0x0  }
0x602: {  	s3 =	rddreg [dreg:$0x2];
	[bflag:$0x3] =	sbarrier.arrive $0xFFFF;
	s2 =	simm.s32 @!p0 $0x1C05  }
0x603: {  	[timem:s3], [sflag:s2] =	dma.local @!p0 [hbm:s0], s1  }
0x604: {  	s0 =	simm.s32 @!p0 $0x5  }
0x605: {  	_ =	swait.ge @!p0 [sflag:s0], s1  }
0x606: {  	s1 =	ssub.s32 @!p0 $0x0, s1;
	[sflag:s0] =	ssyncset.done @!p0 $0x0  }
0x607: {  	[sflag:s0] =	ssyncadd.s32 @!p0 s1  }
0x608: {  	[bflag:$0x3] =	sbarrier.arrive $0xFFFF  }
0x609: {  	_ =	shalt  }

</sc_bundles>
